<compile_context>
chip_gen: v7x
topology: tpu7x:2x2x1
jax: 0.10.2.dev20260603
libtpu: 0.0.44.dev20260713+nightly
codegen_flags: <defaults>
</compile_context>

<pallas_src>
import functools

import jax
import jax.numpy as jnp
from jax import lax
from jax.experimental import pallas as pl
from jax.experimental.pallas import tpu as pltpu
from jax.experimental.pallas import tpu_sc as plsc

D = 3
N = 4096
K = 32
NH = 64
WIDTH = 1.0
NK = N * K

_info = plsc.get_sparse_core_info()
NC, NS, L = _info.num_cores, _info.num_subcores, _info.num_lanes
NW = NC * NS
QPW = N // NW
CPW = QPW * K

TAU1 = 0.024
BUFSZ = N + L


def _sc_body(ptsT_hbm, out_hbm,
             px_v, py_v, pz_v, gx_v, gy_v, gz_v,
             bufdA_v, bufiA_v, bufdB_v, bufiB_v,
             s0_v, s1_v, s2_v, s3_v, s4_v, s5_v):
    wid = lax.axis_index("s") * NC + lax.axis_index("c")
    qbase = wid * QPW
    pts = (px_v, py_v, pz_v, gx_v, gy_v, gz_v)
    stage = (s0_v, s1_v, s2_v, s3_v, s4_v, s5_v)
    for d in range(6):
        pltpu.sync_copy(ptsT_hbm.at[d], pts[d])

    iota = lax.iota(jnp.int32, L)
    infv = jnp.full((L,), jnp.inf, jnp.float32)
    zero_i = jnp.zeros((L,), jnp.int32)

    def splat_coords(qi):
        qsplat = jnp.full((L,), qi, jnp.int32)
        return tuple(plsc.load_gather(p, [qsplat]) for p in pts)

    def wrapped_d2(qc, off):
        ax = jnp.abs(qc[0] - px_v[pl.ds(off, L)])
        ay = jnp.abs(qc[1] - py_v[pl.ds(off, L)])
        az = jnp.abs(qc[2] - pz_v[pl.ds(off, L)])
        wx = jnp.minimum(ax, 1.0 - ax)
        wy = jnp.minimum(ay, 1.0 - ay)
        wz = jnp.minimum(az, 1.0 - az)
        return wx * wx + wy * wy + wz * wz

    def collect_pair(tau, qcA, qcB):
        def cbody(off, cnts):
            ca, cb = cnts
            idx = iota + off
            d2a = wrapped_d2(qcA, off)
            d2b = wrapped_d2(qcB, off)
            mska = d2a < tau
            mskb = d2b < tau
            plsc.store_scatter(bufdA_v, [ca * L + iota], d2a, mask=mska)
            plsc.store_scatter(bufiA_v, [ca * L + iota], idx, mask=mska)
            plsc.store_scatter(bufdB_v, [cb * L + iota], d2b, mask=mskb)
            plsc.store_scatter(bufiB_v, [cb * L + iota], idx, mask=mskb)
            return (ca + mska.astype(jnp.int32), cb + mskb.astype(jnp.int32))

        return plsc.parallel_loop(0, N, step=L, unroll=4,
                                  carry=(zero_i, zero_i))(cbody)

    def collect_one(tau, qc, bufd_v, bufi_v):
        def cbody(off, cnt):
            d2 = wrapped_d2(qc, off)
            msk = d2 < tau
            pos = cnt * L + iota
            plsc.store_scatter(bufd_v, [pos], d2, mask=msk)
            plsc.store_scatter(bufi_v, [pos], iota + off, mask=msk)
            return cnt + msk.astype(jnp.int32)

        return plsc.parallel_loop(0, N, step=L, unroll=4,
                                  carry=zero_i)(cbody)

    def per_pair(p, _):
        qA = 2 * p
        qB = qA + 1
        qcA = splat_coords(qbase + qA)
        qcB = splat_coords(qbase + qB)
        cntA, cntB = collect_pair(TAU1, qcA, qcB)

        for q, qc, cnt_v, bufd_v, bufi_v in (
                (qA, qcA, cntA, bufdA_v, bufiA_v),
                (qB, qcB, cntB, bufdB_v, bufiB_v)):
            total = jnp.sum(cnt_v)
            cnt_v = lax.cond(
                total < K,
                lambda qc=qc, bd=bufd_v, bi=bufi_v: collect_one(4.0, qc, bd, bi),
                lambda cv=cnt_v: cv)
            smax = jnp.max(cnt_v)

            def ins(jc, st, cnt_v=cnt_v, bufd_v=bufd_v, bufi_v=bufi_v):
                s0k, s0v, s1k, s1v = st
                valid = cnt_v > jc
                ck = jnp.where(valid, bufd_v[pl.ds(jc * L, L)], infv)
                cv = bufi_v[pl.ds(jc * L, L)]
                cks, cvs = plsc.sort_key_val(ck, cv)
                rbk = lax.rev(cks, (0,))
                rbv = lax.rev(cvs, (0,))
                m = s1k <= rbk
                lok = jnp.where(m, s1k, rbk)
                lov = jnp.where(m, s1v, rbv)
                lks, lvs = plsc.sort_key_val(lok, lov)
                rlk = lax.rev(lks, (0,))
                rlv = lax.rev(lvs, (0,))
                m2 = s0k <= rlk
                n0k = jnp.where(m2, s0k, rlk)
                n0v = jnp.where(m2, s0v, rlv)
                h1k = jnp.where(m2, rlk, s0k)
                h1v = jnp.where(m2, rlv, s0v)
                s0k, s0v = plsc.sort_key_val(n0k, n0v)
                s1k, s1v = plsc.sort_key_val(h1k, h1v)
                return (s0k, s0v, s1k, s1v)

            _, s0v_, _, s1v_ = lax.fori_loop(
                0, smax, ins, (infv, zero_i, infv, zero_i))

            colA = iota * QPW + q
            colB = colA + (K // 2) * QPW
            for d in range(3):
                qd = qc[d]
                for sv, col in ((s0v_, colA), (s1v_, colB)):
                    nb = plsc.load_gather(pts[d], [sv])
                    df = qd - nb
                    w = (df - jnp.where(df > 0.5, 1.0, 0.0)
                            + jnp.where(df < -0.5, 1.0, 0.0))
                    plsc.store_scatter(stage[d], [col], w)
            for d in range(3):
                qd = qc[3 + d]
                for sv, col in ((s0v_, colA), (s1v_, colB)):
                    nb = plsc.load_gather(pts[3 + d], [sv])
                    plsc.store_scatter(stage[3 + d], [col], qd - nb)
        return 0

    lax.fori_loop(0, QPW // 2, per_pair, 0)

    for d in range(6):
        pltpu.sync_copy(stage[d],
                        out_hbm.at[pl.ds(d * NK + wid * CPW, CPW)])


def _sc_knn(ptsT):
    kfn = pl.kernel(
        _sc_body,
        mesh=plsc.VectorSubcoreMesh(core_axis_name="c", subcore_axis_name="s"),
        out_type=jax.ShapeDtypeStruct((6 * NK,), jnp.float32),
        compiler_params=pltpu.CompilerParams(needs_layout_passes=False),
        scratch_types=(
            [pltpu.VMEM((N,), jnp.float32) for _ in range(6)]
            + [pltpu.VMEM((BUFSZ,), jnp.float32),
               pltpu.VMEM((BUFSZ,), jnp.int32),
               pltpu.VMEM((BUFSZ,), jnp.float32),
               pltpu.VMEM((BUFSZ,), jnp.int32)]
            + [pltpu.VMEM((CPW,), jnp.float32) for _ in range(6)]
        ),
    )
    return kfn(ptsT)


CB = 16384
WPB = CB // CPW


def _mlp_body(inpT_ref, w0_ref, b0_ref, w1_ref, b1_ref, w2_ref, b2_ref,
              d0_ref, d1_ref, d2_ref, outT_ref):
    mm = functools.partial(lax.dot_general,
                           dimension_numbers=(((1,), (0,)), ((), ())),
                           preferred_element_type=jnp.float32)
    gelu = functools.partial(jax.nn.gelu, approximate=True)
    blk = inpT_ref[...]
    h = gelu(mm(w0_ref[...], blk) + b0_ref[...])
    h = gelu(mm(w1_ref[...], h) + b1_ref[...])
    h = mm(w2_ref[...], h)
    pools = []
    for wb in range(WPB):
        acc = h[:, wb * CPW: wb * CPW + QPW]
        for k in range(1, K):
            acc = acc + h[:, wb * CPW + k * QPW: wb * CPW + (k + 1) * QPW]
        pools.append(acc)
    pooled = jnp.concatenate(pools, axis=1) * (1.0 / K) + b2_ref[...]
    g = gelu(mm(d0_ref[...], pooled))
    g = gelu(mm(d1_ref[...], g))
    outT_ref[...] = mm(jnp.transpose(g), d2_ref[...])


def _tc_mlp(inpT, w0T, b0c, w1T, b1c, w2T, b2c, d0T, d1T, d2T):
    full = lambda shape: pl.BlockSpec(shape, lambda i: (0,) * len(shape))
    return pl.pallas_call(
        _mlp_body,
        grid=(NK // CB,),
        in_specs=[
            pl.BlockSpec((6, CB), lambda i: (0, i)),
            full((NH, 6)), full((NH, 1)),
            full((NH, NH)), full((NH, 1)),
            full((NH, NH)), full((NH, 1)),
            full((NH, NH)), full((NH, NH)), full((NH, D)),
        ],
        out_specs=pl.BlockSpec((CB // K, D), lambda i: (i, 0)),
        out_shape=jax.ShapeDtypeStruct((N, D), jnp.float32),
    )(inpT, w0T, b0c, w1T, b1c, w2T, b2c, d0T, d1T, d2T)


def kernel(xs, gs, enc_W0, enc_b0, enc_W1, enc_b1, enc_W2, enc_b2,
           dec_W0, dec_W1, dec_W2):
    ptsT = jnp.concatenate([xs.T, gs.T], axis=0)
    inpT = _sc_knn(ptsT).reshape(6, NK)
    return _tc_mlp(inpT,
                   enc_W0.T, enc_b0.reshape(NH, 1),
                   enc_W1.T, enc_b1.reshape(NH, 1),
                   enc_W2.T, enc_b2.reshape(NH, 1),
                   dec_W0.T, dec_W1.T, dec_W2)

# --- scband reference (transcript-rebuilt; emitter-appended) ---
"""Pipeline reference for scband-deepset-gnn-42210938585863 (READ-ONLY COPY).

The authoritative reference and input builder live on the scoring server;
editing this copy changes nothing except your own understanding.
"""

import jax, jax.numpy as jnp
import numpy as np

D = 3
N = 4096
K = 32
NH = 64
WIDTH = 1.0

def setup_inputs(seed: int = 0):
    key = jax.random.key(seed)
    ks = jax.random.split(key, 16)
    xs = jax.random.uniform(ks[0], (N, D), dtype=jnp.float32) * WIDTH
    gs = jax.random.normal(ks[1], (N, D), dtype=jnp.float32)
    s = 0.1
    enc_W0 = jax.random.normal(ks[2], (2 * D, NH), dtype=jnp.float32) * s
    enc_b0 = jnp.zeros((NH,), dtype=jnp.float32)
    enc_W1 = jax.random.normal(ks[3], (NH, NH), dtype=jnp.float32) * s
    enc_b1 = jnp.zeros((NH,), dtype=jnp.float32)
    enc_W2 = jax.random.normal(ks[4], (NH, NH), dtype=jnp.float32) * s
    enc_b2 = jnp.zeros((NH,), dtype=jnp.float32)
    dec_W0 = jax.random.normal(ks[5], (NH, NH), dtype=jnp.float32) * s
    dec_W1 = jax.random.normal(ks[6], (NH, NH), dtype=jnp.float32) * s
    dec_W2 = jax.random.normal(ks[7], (NH, D), dtype=jnp.float32) * s
    return {"xs": xs, "gs": gs, "enc_W0": enc_W0, "enc_b0": enc_b0, "enc_W1": enc_W1, "enc_b1": enc_b1, "enc_W2": enc_W2, "enc_b2": enc_b2, "dec_W0": dec_W0, "dec_W1": dec_W1, "dec_W2": dec_W2}

def reference(xs, gs, enc_W0, enc_b0, enc_W1, enc_b1, enc_W2, enc_b2, dec_W0, dec_W1, dec_W2):
    def wrapped_diff(xi, pts):
        dif = xi[None, :] - pts
        return dif - WIDTH * jnp.round(dif / WIDTH)

    def encoder(h):
        h = jax.nn.gelu(h @ enc_W0 + enc_b0)
        h = jax.nn.gelu(h @ enc_W1 + enc_b1)
        return h @ enc_W2 + enc_b2

    def decoder(h):
        h = jax.nn.gelu(h @ dec_W0)
        h = jax.nn.gelu(h @ dec_W1)
        return h @ dec_W2

    def network(xi, gi):
        # get_neighbors: k nearest under minimum-image (periodic) metric, indices stop-gradiented
        dif = wrapped_diff(xi, xs)
        dists = jnp.sum(dif * dif, axis=-1)
        inds = jax.lax.stop_gradient(jax.lax.top_k(-dists, K)[1])
        neighbor_xs = xs[inds]
        neighbor_gs = gs[inds]
        # x_translation_invariant and g_translation_invariant both True
        x_inp = wrapped_diff(xi, neighbor_xs)
        g_inp = gi[None, :] - neighbor_gs
        inp = jnp.hstack((x_inp, g_inp))
        enc = encoder(inp)
        pool = jnp.mean(enc, axis=0)  # sum_pool=False
        return decoder(pool)

    return jax.vmap(network)(xs, gs)

if __name__ == "__main__":
    import jax
    _d = setup_inputs()
    print(jax.jit(kernel)(*tuple(_d.values())))

</pallas_src>

<mosaic_0001>
#map = affine_map<(d0, d1) -> (0, 0)>
#map1 = affine_map<(d0, d1) -> (0)>
module attributes {stable_mosaic.version = 14 : i64} {
  func.func @_sc_body(%arg0: i32, %arg1: i32, %arg2: memref<6x4096xf32, #tpu.memory_space<hbm>>, %arg3: memref<786432xf32, #tpu.memory_space<hbm>>, %arg4: memref<4096xf32, #tpu.memory_space<vmem>>, %arg5: memref<4096xf32, #tpu.memory_space<vmem>>, %arg6: memref<4096xf32, #tpu.memory_space<vmem>>, %arg7: memref<4096xf32, #tpu.memory_space<vmem>>, %arg8: memref<4096xf32, #tpu.memory_space<vmem>>, %arg9: memref<4096xf32, #tpu.memory_space<vmem>>, %arg10: memref<4112xf32, #tpu.memory_space<vmem>>, %arg11: memref<4112xi32, #tpu.memory_space<vmem>>, %arg12: memref<4112xf32, #tpu.memory_space<vmem>>, %arg13: memref<4112xi32, #tpu.memory_space<vmem>>, %arg14: memref<4096xf32, #tpu.memory_space<vmem>>, %arg15: memref<4096xf32, #tpu.memory_space<vmem>>, %arg16: memref<4096xf32, #tpu.memory_space<vmem>>, %arg17: memref<4096xf32, #tpu.memory_space<vmem>>, %arg18: memref<4096xf32, #tpu.memory_space<vmem>>, %arg19: memref<4096xf32, #tpu.memory_space<vmem>>) attributes {dimension_semantics = [#tpu.dimension_semantics<core_parallel>, #tpu.dimension_semantics<subcore_parallel>], iteration_bounds = array<i64: 2, 16>, scalar_prefetch = 0 : i64, scratch_operands = 16 : i64, tpu.core_type = #tpu.core_type<sc_vector_subcore>, window_params = [{transform_indices = #map}, {transform_indices = #map1}]} {
    %mul3A = arith.constant 2 : i32
    %mul3A_0 = arith.muli %arg1, %mul3A : i32
    %add3A = arith.addi %mul3A_0, %arg0 : i32
    %mul3A_1 = arith.constant 128 : i32
    %mul3A_2 = arith.muli %add3A, %mul3A_1 : i32
    %run_scoped3A = arith.constant 0 : i32
    "tpu.region"() ({
      %run_scoped3A_41 = tpu.sem_alloc : memref<!tpu.dma_semaphore, #tpu.memory_space<semaphore_mem>>
      %dma_start3A = arith.constant 0 : i32
      %dma_start3A_42 = tpu.memref_slice %arg2[%run_scoped3A, %dma_start3A] : memref<6x4096xf32, #tpu.memory_space<hbm>> -> memref<1x4096xf32, #tpu.memory_space<hbm>>
      %dma_start3A_43 = tpu.memref_squeeze %dma_start3A_42 : memref<1x4096xf32, #tpu.memory_space<hbm>> -> memref<4096xf32, #tpu.memory_space<hbm>>
      %dma_start3A_44 = arith.constant 0 : i32
      %dma_start3A_45 = tpu.memref_slice %arg2[%run_scoped3A, %dma_start3A_44] : memref<6x4096xf32, #tpu.memory_space<hbm>> -> memref<1x4096xf32, #tpu.memory_space<hbm>>
      %dma_start3A_46 = tpu.memref_squeeze %dma_start3A_45 : memref<1x4096xf32, #tpu.memory_space<hbm>> -> memref<4096xf32, #tpu.memory_space<hbm>>
      tpu.enqueue_dma source(%dma_start3A_46 : memref<4096xf32, #tpu.memory_space<hbm>>) target(%arg4 : memref<4096xf32, #tpu.memory_space<vmem>>) target_semaphore(%run_scoped3A_41 : memref<!tpu.dma_semaphore, #tpu.memory_space<semaphore_mem>>)
      %dma_wait3A = arith.constant 0 : i32
      %dma_wait3A_47 = tpu.memref_slice %arg2[%run_scoped3A, %dma_wait3A] : memref<6x4096xf32, #tpu.memory_space<hbm>> -> memref<1x4096xf32, #tpu.memory_space<hbm>>
      %dma_wait3A_48 = tpu.memref_squeeze %dma_wait3A_47 : memref<1x4096xf32, #tpu.memory_space<hbm>> -> memref<4096xf32, #tpu.memory_space<hbm>>
      %dma_wait3A_49 = arith.constant 0 : i32
      %dma_wait3A_50 = tpu.memref_slice %arg2[%run_scoped3A, %dma_wait3A_49] : memref<6x4096xf32, #tpu.memory_space<hbm>> -> memref<1x4096xf32, #tpu.memory_space<hbm>>
      %dma_wait3A_51 = tpu.memref_squeeze %dma_wait3A_50 : memref<1x4096xf32, #tpu.memory_space<hbm>> -> memref<4096xf32, #tpu.memory_space<hbm>>
      tpu.wait_dma2 semaphore(%run_scoped3A_41 : memref<!tpu.dma_semaphore, #tpu.memory_space<semaphore_mem>>) src(%dma_wait3A_51 : memref<4096xf32, #tpu.memory_space<hbm>>) dst(%arg4 : memref<4096xf32, #tpu.memory_space<vmem>>)
      tpu.yield
    }) : () -> ()
    %run_scoped3A_3 = arith.constant 1 : i32
    "tpu.region"() ({
      %run_scoped3A_41 = tpu.sem_alloc : memref<!tpu.dma_semaphore, #tpu.memory_space<semaphore_mem>>
      %dma_start3A = arith.constant 0 : i32
      %dma_start3A_42 = tpu.memref_slice %arg2[%run_scoped3A_3, %dma_start3A] : memref<6x4096xf32, #tpu.memory_space<hbm>> -> memref<1x4096xf32, #tpu.memory_space<hbm>>
      %dma_start3A_43 = tpu.memref_squeeze %dma_start3A_42 : memref<1x4096xf32, #tpu.memory_space<hbm>> -> memref<4096xf32, #tpu.memory_space<hbm>>
      %dma_start3A_44 = arith.constant 0 : i32
      %dma_start3A_45 = tpu.memref_slice %arg2[%run_scoped3A_3, %dma_start3A_44] : memref<6x4096xf32, #tpu.memory_space<hbm>> -> memref<1x4096xf32, #tpu.memory_space<hbm>>
      %dma_start3A_46 = tpu.memref_squeeze %dma_start3A_45 : memref<1x4096xf32, #tpu.memory_space<hbm>> -> memref<4096xf32, #tpu.memory_space<hbm>>
      tpu.enqueue_dma source(%dma_start3A_46 : memref<4096xf32, #tpu.memory_space<hbm>>) target(%arg5 : memref<4096xf32, #tpu.memory_space<vmem>>) target_semaphore(%run_scoped3A_41 : memref<!tpu.dma_semaphore, #tpu.memory_space<semaphore_mem>>)
      %dma_wait3A = arith.constant 0 : i32
      %dma_wait3A_47 = tpu.memref_slice %arg2[%run_scoped3A_3, %dma_wait3A] : memref<6x4096xf32, #tpu.memory_space<hbm>> -> memref<1x4096xf32, #tpu.memory_space<hbm>>
      %dma_wait3A_48 = tpu.memref_squeeze %dma_wait3A_47 : memref<1x4096xf32, #tpu.memory_space<hbm>> -> memref<4096xf32, #tpu.memory_space<hbm>>
      %dma_wait3A_49 = arith.constant 0 : i32
      %dma_wait3A_50 = tpu.memref_slice %arg2[%run_scoped3A_3, %dma_wait3A_49] : memref<6x4096xf32, #tpu.memory_space<hbm>> -> memref<1x4096xf32, #tpu.memory_space<hbm>>
      %dma_wait3A_51 = tpu.memref_squeeze %dma_wait3A_50 : memref<1x4096xf32, #tpu.memory_space<hbm>> -> memref<4096xf32, #tpu.memory_space<hbm>>
      tpu.wait_dma2 semaphore(%run_scoped3A_41 : memref<!tpu.dma_semaphore, #tpu.memory_space<semaphore_mem>>) src(%dma_wait3A_51 : memref<4096xf32, #tpu.memory_space<hbm>>) dst(%arg5 : memref<4096xf32, #tpu.memory_space<vmem>>)
      tpu.yield
    }) : () -> ()
    %run_scoped3A_4 = arith.constant 2 : i32
    "tpu.region"() ({
      %run_scoped3A_41 = tpu.sem_alloc : memref<!tpu.dma_semaphore, #tpu.memory_space<semaphore_mem>>
      %dma_start3A = arith.constant 0 : i32
      %dma_start3A_42 = tpu.memref_slice %arg2[%run_scoped3A_4, %dma_start3A] : memref<6x4096xf32, #tpu.memory_space<hbm>> -> memref<1x4096xf32, #tpu.memory_space<hbm>>
      %dma_start3A_43 = tpu.memref_squeeze %dma_start3A_42 : memref<1x4096xf32, #tpu.memory_space<hbm>> -> memref<4096xf32, #tpu.memory_space<hbm>>
      %dma_start3A_44 = arith.constant 0 : i32
      %dma_start3A_45 = tpu.memref_slice %arg2[%run_scoped3A_4, %dma_start3A_44] : memref<6x4096xf32, #tpu.memory_space<hbm>> -> memref<1x4096xf32, #tpu.memory_space<hbm>>
      %dma_start3A_46 = tpu.memref_squeeze %dma_start3A_45 : memref<1x4096xf32, #tpu.memory_space<hbm>> -> memref<4096xf32, #tpu.memory_space<hbm>>
      tpu.enqueue_dma source(%dma_start3A_46 : memref<4096xf32, #tpu.memory_space<hbm>>) target(%arg6 : memref<4096xf32, #tpu.memory_space<vmem>>) target_semaphore(%run_scoped3A_41 : memref<!tpu.dma_semaphore, #tpu.memory_space<semaphore_mem>>)
      %dma_wait3A = arith.constant 0 : i32
      %dma_wait3A_47 = tpu.memref_slice %arg2[%run_scoped3A_4, %dma_wait3A] : memref<6x4096xf32, #tpu.memory_space<hbm>> -> memref<1x4096xf32, #tpu.memory_space<hbm>>
      %dma_wait3A_48 = tpu.memref_squeeze %dma_wait3A_47 : memref<1x4096xf32, #tpu.memory_space<hbm>> -> memref<4096xf32, #tpu.memory_space<hbm>>
      %dma_wait3A_49 = arith.constant 0 : i32
      %dma_wait3A_50 = tpu.memref_slice %arg2[%run_scoped3A_4, %dma_wait3A_49] : memref<6x4096xf32, #tpu.memory_space<hbm>> -> memref<1x4096xf32, #tpu.memory_space<hbm>>
      %dma_wait3A_51 = tpu.memref_squeeze %dma_wait3A_50 : memref<1x4096xf32, #tpu.memory_space<hbm>> -> memref<4096xf32, #tpu.memory_space<hbm>>
      tpu.wait_dma2 semaphore(%run_scoped3A_41 : memref<!tpu.dma_semaphore, #tpu.memory_space<semaphore_mem>>) src(%dma_wait3A_51 : memref<4096xf32, #tpu.memory_space<hbm>>) dst(%arg6 : memref<4096xf32, #tpu.memory_space<vmem>>)
      tpu.yield
    }) : () -> ()
    %run_scoped3A_5 = arith.constant 3 : i32
    "tpu.region"() ({
      %run_scoped3A_41 = tpu.sem_alloc : memref<!tpu.dma_semaphore, #tpu.memory_space<semaphore_mem>>
      %dma_start3A = arith.constant 0 : i32
      %dma_start3A_42 = tpu.memref_slice %arg2[%run_scoped3A_5, %dma_start3A] : memref<6x4096xf32, #tpu.memory_space<hbm>> -> memref<1x4096xf32, #tpu.memory_space<hbm>>
      %dma_start3A_43 = tpu.memref_squeeze %dma_start3A_42 : memref<1x4096xf32, #tpu.memory_space<hbm>> -> memref<4096xf32, #tpu.memory_space<hbm>>
      %dma_start3A_44 = arith.constant 0 : i32
      %dma_start3A_45 = tpu.memref_slice %arg2[%run_scoped3A_5, %dma_start3A_44] : memref<6x4096xf32, #tpu.memory_space<hbm>> -> memref<1x4096xf32, #tpu.memory_space<hbm>>
      %dma_start3A_46 = tpu.memref_squeeze %dma_start3A_45 : memref<1x4096xf32, #tpu.memory_space<hbm>> -> memref<4096xf32, #tpu.memory_space<hbm>>
      tpu.enqueue_dma source(%dma_start3A_46 : memref<4096xf32, #tpu.memory_space<hbm>>) target(%arg7 : memref<4096xf32, #tpu.memory_space<vmem>>) target_semaphore(%run_scoped3A_41 : memref<!tpu.dma_semaphore, #tpu.memory_space<semaphore_mem>>)
      %dma_wait3A = arith.constant 0 : i32
      %dma_wait3A_47 = tpu.memref_slice %arg2[%run_scoped3A_5, %dma_wait3A] : memref<6x4096xf32, #tpu.memory_space<hbm>> -> memref<1x4096xf32, #tpu.memory_space<hbm>>
      %dma_wait3A_48 = tpu.memref_squeeze %dma_wait3A_47 : memref<1x4096xf32, #tpu.memory_space<hbm>> -> memref<4096xf32, #tpu.memory_space<hbm>>
      %dma_wait3A_49 = arith.constant 0 : i32
      %dma_wait3A_50 = tpu.memref_slice %arg2[%run_scoped3A_5, %dma_wait3A_49] : memref<6x4096xf32, #tpu.memory_space<hbm>> -> memref<1x4096xf32, #tpu.memory_space<hbm>>
      %dma_wait3A_51 = tpu.memref_squeeze %dma_wait3A_50 : memref<1x4096xf32, #tpu.memory_space<hbm>> -> memref<4096xf32, #tpu.memory_space<hbm>>
      tpu.wait_dma2 semaphore(%run_scoped3A_41 : memref<!tpu.dma_semaphore, #tpu.memory_space<semaphore_mem>>) src(%dma_wait3A_51 : memref<4096xf32, #tpu.memory_space<hbm>>) dst(%arg7 : memref<4096xf32, #tpu.memory_space<vmem>>)
      tpu.yield
    }) : () -> ()
    %run_scoped3A_6 = arith.constant 4 : i32
    "tpu.region"() ({
      %run_scoped3A_41 = tpu.sem_alloc : memref<!tpu.dma_semaphore, #tpu.memory_space<semaphore_mem>>
      %dma_start3A = arith.constant 0 : i32
      %dma_start3A_42 = tpu.memref_slice %arg2[%run_scoped3A_6, %dma_start3A] : memref<6x4096xf32, #tpu.memory_space<hbm>> -> memref<1x4096xf32, #tpu.memory_space<hbm>>
      %dma_start3A_43 = tpu.memref_squeeze %dma_start3A_42 : memref<1x4096xf32, #tpu.memory_space<hbm>> -> memref<4096xf32, #tpu.memory_space<hbm>>
      %dma_start3A_44 = arith.constant 0 : i32
      %dma_start3A_45 = tpu.memref_slice %arg2[%run_scoped3A_6, %dma_start3A_44] : memref<6x4096xf32, #tpu.memory_space<hbm>> -> memref<1x4096xf32, #tpu.memory_space<hbm>>
      %dma_start3A_46 = tpu.memref_squeeze %dma_start3A_45 : memref<1x4096xf32, #tpu.memory_space<hbm>> -> memref<4096xf32, #tpu.memory_space<hbm>>
      tpu.enqueue_dma source(%dma_start3A_46 : memref<4096xf32, #tpu.memory_space<hbm>>) target(%arg8 : memref<4096xf32, #tpu.memory_space<vmem>>) target_semaphore(%run_scoped3A_41 : memref<!tpu.dma_semaphore, #tpu.memory_space<semaphore_mem>>)
      %dma_wait3A = arith.constant 0 : i32
      %dma_wait3A_47 = tpu.memref_slice %arg2[%run_scoped3A_6, %dma_wait3A] : memref<6x4096xf32, #tpu.memory_space<hbm>> -> memref<1x4096xf32, #tpu.memory_space<hbm>>
      %dma_wait3A_48 = tpu.memref_squeeze %dma_wait3A_47 : memref<1x4096xf32, #tpu.memory_space<hbm>> -> memref<4096xf32, #tpu.memory_space<hbm>>
      %dma_wait3A_49 = arith.constant 0 : i32
      %dma_wait3A_50 = tpu.memref_slice %arg2[%run_scoped3A_6, %dma_wait3A_49] : memref<6x4096xf32, #tpu.memory_space<hbm>> -> memref<1x4096xf32, #tpu.memory_space<hbm>>
      %dma_wait3A_51 = tpu.memref_squeeze %dma_wait3A_50 : memref<1x4096xf32, #tpu.memory_space<hbm>> -> memref<4096xf32, #tpu.memory_space<hbm>>
      tpu.wait_dma2 semaphore(%run_scoped3A_41 : memref<!tpu.dma_semaphore, #tpu.memory_space<semaphore_mem>>) src(%dma_wait3A_51 : memref<4096xf32, #tpu.memory_space<hbm>>) dst(%arg8 : memref<4096xf32, #tpu.memory_space<vmem>>)
      tpu.yield
    }) : () -> ()
    %run_scoped3A_7 = arith.constant 5 : i32
    "tpu.region"() ({
      %run_scoped3A_41 = tpu.sem_alloc : memref<!tpu.dma_semaphore, #tpu.memory_space<semaphore_mem>>
      %dma_start3A = arith.constant 0 : i32
      %dma_start3A_42 = tpu.memref_slice %arg2[%run_scoped3A_7, %dma_start3A] : memref<6x4096xf32, #tpu.memory_space<hbm>> -> memref<1x4096xf32, #tpu.memory_space<hbm>>
      %dma_start3A_43 = tpu.memref_squeeze %dma_start3A_42 : memref<1x4096xf32, #tpu.memory_space<hbm>> -> memref<4096xf32, #tpu.memory_space<hbm>>
      %dma_start3A_44 = arith.constant 0 : i32
      %dma_start3A_45 = tpu.memref_slice %arg2[%run_scoped3A_7, %dma_start3A_44] : memref<6x4096xf32, #tpu.memory_space<hbm>> -> memref<1x4096xf32, #tpu.memory_space<hbm>>
      %dma_start3A_46 = tpu.memref_squeeze %dma_start3A_45 : memref<1x4096xf32, #tpu.memory_space<hbm>> -> memref<4096xf32, #tpu.memory_space<hbm>>
      tpu.enqueue_dma source(%dma_start3A_46 : memref<4096xf32, #tpu.memory_space<hbm>>) target(%arg9 : memref<4096xf32, #tpu.memory_space<vmem>>) target_semaphore(%run_scoped3A_41 : memref<!tpu.dma_semaphore, #tpu.memory_space<semaphore_mem>>)
      %dma_wait3A = arith.constant 0 : i32
      %dma_wait3A_47 = tpu.memref_slice %arg2[%run_scoped3A_7, %dma_wait3A] : memref<6x4096xf32, #tpu.memory_space<hbm>> -> memref<1x4096xf32, #tpu.memory_space<hbm>>
      %dma_wait3A_48 = tpu.memref_squeeze %dma_wait3A_47 : memref<1x4096xf32, #tpu.memory_space<hbm>> -> memref<4096xf32, #tpu.memory_space<hbm>>
      %dma_wait3A_49 = arith.constant 0 : i32
      %dma_wait3A_50 = tpu.memref_slice %arg2[%run_scoped3A_7, %dma_wait3A_49] : memref<6x4096xf32, #tpu.memory_space<hbm>> -> memref<1x4096xf32, #tpu.memory_space<hbm>>
      %dma_wait3A_51 = tpu.memref_squeeze %dma_wait3A_50 : memref<1x4096xf32, #tpu.memory_space<hbm>> -> memref<4096xf32, #tpu.memory_space<hbm>>
      tpu.wait_dma2 semaphore(%run_scoped3A_41 : memref<!tpu.dma_semaphore, #tpu.memory_space<semaphore_mem>>) src(%dma_wait3A_51 : memref<4096xf32, #tpu.memory_space<hbm>>) dst(%arg9 : memref<4096xf32, #tpu.memory_space<vmem>>)
      tpu.yield
    }) : () -> ()
    %iota3A = tpu.iota {dimensions = array<i32: 0>} : vector<16xi32>
    %broadcast_in_dim3A = arith.constant 0x7F800000 : f32
    %broadcast_in_dim3A_8 = vector.broadcast %broadcast_in_dim3A : f32 to vector<16xf32>
    %broadcast_in_dim3A_9 = arith.constant 0 : i32
    %broadcast_in_dim3A_10 = vector.broadcast %broadcast_in_dim3A_9 : i32 to vector<16xi32>
    %scan3A = arith.constant 0 : i32
    %scan3A_11 = arith.constant 0 : i32
    %scan3A_12 = arith.constant 64 : i32
    %scan3A_13 = arith.addi %scan3A_11, %scan3A_12 : i32
    %scan3A_14 = arith.constant 1 : i32
    %scan3A_15 = scf.for %scan3A_41 = %scan3A_11 to %scan3A_13 step %scan3A_14 iter_args(%scan3A_42 = %scan3A) -> (i32)  : i32 {
      %mul3A_43 = arith.constant 2 : i32
      %mul3A_44 = arith.muli %mul3A_43, %scan3A_41 : i32
      %add3A_45 = arith.constant 1 : i32
      %add3A_46 = arith.addi %mul3A_44, %add3A_45 : i32
      %add3A_47 = arith.addi %mul3A_2, %mul3A_44 : i32
      %broadcast_in_dim3A_48 = vector.broadcast %add3A_47 : i32 to vector<16xi32>
      %gather3A = tpu.vector_load_idx %arg4[%broadcast_in_dim3A_48] : memref<4096xf32, #tpu.memory_space<vmem>>[vector<16xi32>], vector<16xf32>,
      %gather3A_49 = tpu.vector_load_idx %arg5[%broadcast_in_dim3A_48] : memref<4096xf32, #tpu.memory_space<vmem>>[vector<16xi32>], vector<16xf32>,
      %gather3A_50 = tpu.vector_load_idx %arg6[%broadcast_in_dim3A_48] : memref<4096xf32, #tpu.memory_space<vmem>>[vector<16xi32>], vector<16xf32>,
      %gather3A_51 = tpu.vector_load_idx %arg7[%broadcast_in_dim3A_48] : memref<4096xf32, #tpu.memory_space<vmem>>[vector<16xi32>], vector<16xf32>,
      %gather3A_52 = tpu.vector_load_idx %arg8[%broadcast_in_dim3A_48] : memref<4096xf32, #tpu.memory_space<vmem>>[vector<16xi32>], vector<16xf32>,
      %gather3A_53 = tpu.vector_load_idx %arg9[%broadcast_in_dim3A_48] : memref<4096xf32, #tpu.memory_space<vmem>>[vector<16xi32>], vector<16xf32>,
      %add3A_54 = arith.addi %mul3A_2, %add3A_46 : i32
      %broadcast_in_dim3A_55 = vector.broadcast %add3A_54 : i32 to vector<16xi32>
      %gather3A_56 = tpu.vector_load_idx %arg4[%broadcast_in_dim3A_55] : memref<4096xf32, #tpu.memory_space<vmem>>[vector<16xi32>], vector<16xf32>,
      %gather3A_57 = tpu.vector_load_idx %arg5[%broadcast_in_dim3A_55] : memref<4096xf32, #tpu.memory_space<vmem>>[vector<16xi32>], vector<16xf32>,
      %gather3A_58 = tpu.vector_load_idx %arg6[%broadcast_in_dim3A_55] : memref<4096xf32, #tpu.memory_space<vmem>>[vector<16xi32>], vector<16xf32>,
      %gather3A_59 = tpu.vector_load_idx %arg7[%broadcast_in_dim3A_55] : memref<4096xf32, #tpu.memory_space<vmem>>[vector<16xi32>], vector<16xf32>,
      %gather3A_60 = tpu.vector_load_idx %arg8[%broadcast_in_dim3A_55] : memref<4096xf32, #tpu.memory_space<vmem>>[vector<16xi32>], vector<16xf32>,
      %gather3A_61 = tpu.vector_load_idx %arg9[%broadcast_in_dim3A_55] : memref<4096xf32, #tpu.memory_space<vmem>>[vector<16xi32>], vector<16xf32>,
      %parallel_loop3A = arith.constant 0 : i32
      %parallel_loop3A_62 = arith.constant 4096 : i32
      %parallel_loop3A_63 = arith.constant 16 : i32
      %parallel_loop3A_64:2 = scf.for %parallel_loop3A_394 = %parallel_loop3A to %parallel_loop3A_62 step %parallel_loop3A_63 iter_args(%parallel_loop3A_395 = %broadcast_in_dim3A_10, %parallel_loop3A_396 = %broadcast_in_dim3A_10) -> (vector<16xi32>, vector<16xi32>)  : i32 {
        %parallel_loop3A_397 = vector.broadcast %parallel_loop3A_394 : i32 to vector<16xi32>
        %parallel_loop3A_398 = arith.addi %iota3A, %parallel_loop3A_397 : vector<16xi32>
        %parallel_loop3A_399 = arith.index_cast %parallel_loop3A_394 : i32 to index
        %parallel_loop3A_400 = tpu.vector_load %arg4[%parallel_loop3A_399] {strides = array<i32>} : memref<4096xf32, #tpu.memory_space<vmem>>, vector<16xf32>,
        %parallel_loop3A_401 = arith.subf %gather3A, %parallel_loop3A_400 : vector<16xf32>
        %parallel_loop3A_402 = math.absf %parallel_loop3A_401 : vector<16xf32>
        %parallel_loop3A_403 = arith.index_cast %parallel_loop3A_394 : i32 to index
        %parallel_loop3A_404 = tpu.vector_load %arg5[%parallel_loop3A_403] {strides = array<i32>} : memref<4096xf32, #tpu.memory_space<vmem>>, vector<16xf32>,
        %parallel_loop3A_405 = arith.subf %gather3A_49, %parallel_loop3A_404 : vector<16xf32>
        %parallel_loop3A_406 = math.absf %parallel_loop3A_405 : vector<16xf32>
        %parallel_loop3A_407 = arith.index_cast %parallel_loop3A_394 : i32 to index
        %parallel_loop3A_408 = tpu.vector_load %arg6[%parallel_loop3A_407] {strides = array<i32>} : memref<4096xf32, #tpu.memory_space<vmem>>, vector<16xf32>,
        %parallel_loop3A_409 = arith.subf %gather3A_50, %parallel_loop3A_408 : vector<16xf32>
        %parallel_loop3A_410 = math.absf %parallel_loop3A_409 : vector<16xf32>
        %parallel_loop3A_411 = arith.constant 1.000000e+00 : f32
        %parallel_loop3A_412 = vector.broadcast %parallel_loop3A_411 : f32 to vector<16xf32>
        %parallel_loop3A_413 = arith.subf %parallel_loop3A_412, %parallel_loop3A_402 : vector<16xf32>
        %parallel_loop3A_414 = arith.minimumf %parallel_loop3A_402, %parallel_loop3A_413 : vector<16xf32>
        %parallel_loop3A_415 = arith.constant 1.000000e+00 : f32
        %parallel_loop3A_416 = vector.broadcast %parallel_loop3A_415 : f32 to vector<16xf32>
        %parallel_loop3A_417 = arith.subf %parallel_loop3A_416, %parallel_loop3A_406 : vector<16xf32>
        %parallel_loop3A_418 = arith.minimumf %parallel_loop3A_406, %parallel_loop3A_417 : vector<16xf32>
        %parallel_loop3A_419 = arith.constant 1.000000e+00 : f32
        %parallel_loop3A_420 = vector.broadcast %parallel_loop3A_419 : f32 to vector<16xf32>
        %parallel_loop3A_421 = arith.subf %parallel_loop3A_420, %parallel_loop3A_410 : vector<16xf32>
        %parallel_loop3A_422 = arith.minimumf %parallel_loop3A_410, %parallel_loop3A_421 : vector<16xf32>
        %parallel_loop3A_423 = arith.mulf %parallel_loop3A_414, %parallel_loop3A_414 : vector<16xf32>
        %parallel_loop3A_424 = arith.mulf %parallel_loop3A_418, %parallel_loop3A_418 : vector<16xf32>
        %parallel_loop3A_425 = arith.addf %parallel_loop3A_423, %parallel_loop3A_424 : vector<16xf32>
        %parallel_loop3A_426 = arith.mulf %parallel_loop3A_422, %parallel_loop3A_422 : vector<16xf32>
        %parallel_loop3A_427 = arith.addf %parallel_loop3A_425, %parallel_loop3A_426 : vector<16xf32>
        %parallel_loop3A_428 = arith.index_cast %parallel_loop3A_394 : i32 to index
        %parallel_loop3A_429 = tpu.vector_load %arg4[%parallel_loop3A_428] {strides = array<i32>} : memref<4096xf32, #tpu.memory_space<vmem>>, vector<16xf32>,
        %parallel_loop3A_430 = arith.subf %gather3A_56, %parallel_loop3A_429 : vector<16xf32>
        %parallel_loop3A_431 = math.absf %parallel_loop3A_430 : vector<16xf32>
        %parallel_loop3A_432 = arith.index_cast %parallel_loop3A_394 : i32 to index
        %parallel_loop3A_433 = tpu.vector_load %arg5[%parallel_loop3A_432] {strides = array<i32>} : memref<4096xf32, #tpu.memory_space<vmem>>, vector<16xf32>,
        %parallel_loop3A_434 = arith.subf %gather3A_57, %parallel_loop3A_433 : vector<16xf32>
        %parallel_loop3A_435 = math.absf %parallel_loop3A_434 : vector<16xf32>
        %parallel_loop3A_436 = arith.index_cast %parallel_loop3A_394 : i32 to index
        %parallel_loop3A_437 = tpu.vector_load %arg6[%parallel_loop3A_436] {strides = array<i32>} : memref<4096xf32, #tpu.memory_space<vmem>>, vector<16xf32>,
        %parallel_loop3A_438 = arith.subf %gather3A_58, %parallel_loop3A_437 : vector<16xf32>
        %parallel_loop3A_439 = math.absf %parallel_loop3A_438 : vector<16xf32>
        %parallel_loop3A_440 = arith.constant 1.000000e+00 : f32
        %parallel_loop3A_441 = vector.broadcast %parallel_loop3A_440 : f32 to vector<16xf32>
        %parallel_loop3A_442 = arith.subf %parallel_loop3A_441, %parallel_loop3A_431 : vector<16xf32>
        %parallel_loop3A_443 = arith.minimumf %parallel_loop3A_431, %parallel_loop3A_442 : vector<16xf32>
        %parallel_loop3A_444 = arith.constant 1.000000e+00 : f32
        %parallel_loop3A_445 = vector.broadcast %parallel_loop3A_444 : f32 to vector<16xf32>
        %parallel_loop3A_446 = arith.subf %parallel_loop3A_445, %parallel_loop3A_435 : vector<16xf32>
        %parallel_loop3A_447 = arith.minimumf %parallel_loop3A_435, %parallel_loop3A_446 : vector<16xf32>
        %parallel_loop3A_448 = arith.constant 1.000000e+00 : f32
        %parallel_loop3A_449 = vector.broadcast %parallel_loop3A_448 : f32 to vector<16xf32>
        %parallel_loop3A_450 = arith.subf %parallel_loop3A_449, %parallel_loop3A_439 : vector<16xf32>
        %parallel_loop3A_451 = arith.minimumf %parallel_loop3A_439, %parallel_loop3A_450 : vector<16xf32>
        %parallel_loop3A_452 = arith.mulf %parallel_loop3A_443, %parallel_loop3A_443 : vector<16xf32>
        %parallel_loop3A_453 = arith.mulf %parallel_loop3A_447, %parallel_loop3A_447 : vector<16xf32>
        %parallel_loop3A_454 = arith.addf %parallel_loop3A_452, %parallel_loop3A_453 : vector<16xf32>
        %parallel_loop3A_455 = arith.mulf %parallel_loop3A_451, %parallel_loop3A_451 : vector<16xf32>
        %parallel_loop3A_456 = arith.addf %parallel_loop3A_454, %parallel_loop3A_455 : vector<16xf32>
        %parallel_loop3A_457 = arith.constant 2.400000e-02 : f32
        %parallel_loop3A_458 = vector.broadcast %parallel_loop3A_457 : f32 to vector<16xf32>
        %parallel_loop3A_459 = arith.cmpf olt, %parallel_loop3A_427, %parallel_loop3A_458 : vector<16xf32>
        %parallel_loop3A_460 = arith.constant 2.400000e-02 : f32
        %parallel_loop3A_461 = vector.broadcast %parallel_loop3A_460 : f32 to vector<16xf32>
        %parallel_loop3A_462 = arith.cmpf olt, %parallel_loop3A_456, %parallel_loop3A_461 : vector<16xf32>
        %parallel_loop3A_463 = arith.constant 16 : i32
        %parallel_loop3A_464 = vector.broadcast %parallel_loop3A_463 : i32 to vector<16xi32>
        %parallel_loop3A_465 = arith.muli %parallel_loop3A_395, %parallel_loop3A_464 : vector<16xi32>
        %parallel_loop3A_466 = arith.addi %parallel_loop3A_465, %iota3A : vector<16xi32>
        tpu.vector_store_idx %arg10[%parallel_loop3A_466], %parallel_loop3A_427 masked %parallel_loop3A_459 : memref<4112xf32, #tpu.memory_space<vmem>>[vector<16xi32>], vector<16xf32>, vector<16xi1>
        %parallel_loop3A_467 = arith.constant 16 : i32
        %parallel_loop3A_468 = vector.broadcast %parallel_loop3A_467 : i32 to vector<16xi32>
        %parallel_loop3A_469 = arith.muli %parallel_loop3A_395, %parallel_loop3A_468 : vector<16xi32>
        %parallel_loop3A_470 = arith.addi %parallel_loop3A_469, %iota3A : vector<16xi32>
        tpu.vector_store_idx %arg11[%parallel_loop3A_470], %parallel_loop3A_398 masked %parallel_loop3A_459 : memref<4112xi32, #tpu.memory_space<vmem>>[vector<16xi32>], vector<16xi32>, vector<16xi1>
        %parallel_loop3A_471 = arith.constant 16 : i32
        %parallel_loop3A_472 = vector.broadcast %parallel_loop3A_471 : i32 to vector<16xi32>
        %parallel_loop3A_473 = arith.muli %parallel_loop3A_396, %parallel_loop3A_472 : vector<16xi32>
        %parallel_loop3A_474 = arith.addi %parallel_loop3A_473, %iota3A : vector<16xi32>
        tpu.vector_store_idx %arg12[%parallel_loop3A_474], %parallel_loop3A_456 masked %parallel_loop3A_462 : memref<4112xf32, #tpu.memory_space<vmem>>[vector<16xi32>], vector<16xf32>, vector<16xi1>
        %parallel_loop3A_475 = arith.constant 16 : i32
        %parallel_loop3A_476 = vector.broadcast %parallel_loop3A_475 : i32 to vector<16xi32>
        %parallel_loop3A_477 = arith.muli %parallel_loop3A_396, %parallel_loop3A_476 : vector<16xi32>
        %parallel_loop3A_478 = arith.addi %parallel_loop3A_477, %iota3A : vector<16xi32>
        tpu.vector_store_idx %arg13[%parallel_loop3A_478], %parallel_loop3A_398 masked %parallel_loop3A_462 : memref<4112xi32, #tpu.memory_space<vmem>>[vector<16xi32>], vector<16xi32>, vector<16xi1>
        %parallel_loop3A_479 = arith.extui %parallel_loop3A_459 : vector<16xi1> to vector<16xi32>
        %parallel_loop3A_480 = arith.addi %parallel_loop3A_395, %parallel_loop3A_479 : vector<16xi32>
        %parallel_loop3A_481 = arith.extui %parallel_loop3A_462 : vector<16xi1> to vector<16xi32>
        %parallel_loop3A_482 = arith.addi %parallel_loop3A_396, %parallel_loop3A_481 : vector<16xi32>
        scf.yield %parallel_loop3A_480, %parallel_loop3A_482 : vector<16xi32>, vector<16xi32>
      } {sc.loop_unroll_factor = 4 : i64, sc.parallel_access}
      %reduce_sum3A = arith.constant true
      %reduce_sum3A_65 = vector.broadcast %reduce_sum3A : i1 to vector<16xi1>
      %reduce_sum3A_66 = tpu.scan <sum>, %parallel_loop3A_64#0 masked %reduce_sum3A_65 : vector<16xi32>, vector<16xi1> -> vector<16xi32>
      %reduce_sum3A_67 = vector.extract %reduce_sum3A_66[15] : i32 from vector<16xi32>
      %lt3A = arith.constant 32 : i32
      %lt3A_68 = arith.cmpi slt, %reduce_sum3A_67, %lt3A : i32
      %convert_element_type3A = arith.extui %lt3A_68 : i1 to i32
      %cond3A = arith.constant 0 : i32
      %cond3A_69 = arith.cmpi ne, %convert_element_type3A, %cond3A : i32
      %cond3A_70 = scf.if %cond3A_69 -> (vector<16xi32>) {
        %parallel_loop3A_394 = arith.constant 0 : i32
        %parallel_loop3A_395 = arith.constant 4096 : i32
        %parallel_loop3A_396 = arith.constant 16 : i32
        %parallel_loop3A_397 = scf.for %parallel_loop3A_398 = %parallel_loop3A_394 to %parallel_loop3A_395 step %parallel_loop3A_396 iter_args(%parallel_loop3A_399 = %broadcast_in_dim3A_10) -> (vector<16xi32>)  : i32 {
          %parallel_loop3A_400 = arith.index_cast %parallel_loop3A_398 : i32 to index
          %parallel_loop3A_401 = tpu.vector_load %arg4[%parallel_loop3A_400] {strides = array<i32>} : memref<4096xf32, #tpu.memory_space<vmem>>, vector<16xf32>,
          %parallel_loop3A_402 = arith.subf %gather3A, %parallel_loop3A_401 : vector<16xf32>
          %parallel_loop3A_403 = math.absf %parallel_loop3A_402 : vector<16xf32>
          %parallel_loop3A_404 = arith.index_cast %parallel_loop3A_398 : i32 to index
          %parallel_loop3A_405 = tpu.vector_load %arg5[%parallel_loop3A_404] {strides = array<i32>} : memref<4096xf32, #tpu.memory_space<vmem>>, vector<16xf32>,
          %parallel_loop3A_406 = arith.subf %gather3A_49, %parallel_loop3A_405 : vector<16xf32>
          %parallel_loop3A_407 = math.absf %parallel_loop3A_406 : vector<16xf32>
          %parallel_loop3A_408 = arith.index_cast %parallel_loop3A_398 : i32 to index
          %parallel_loop3A_409 = tpu.vector_load %arg6[%parallel_loop3A_408] {strides = array<i32>} : memref<4096xf32, #tpu.memory_space<vmem>>, vector<16xf32>,
          %parallel_loop3A_410 = arith.subf %gather3A_50, %parallel_loop3A_409 : vector<16xf32>
          %parallel_loop3A_411 = math.absf %parallel_loop3A_410 : vector<16xf32>
          %parallel_loop3A_412 = arith.constant 1.000000e+00 : f32
          %parallel_loop3A_413 = vector.broadcast %parallel_loop3A_412 : f32 to vector<16xf32>
          %parallel_loop3A_414 = arith.subf %parallel_loop3A_413, %parallel_loop3A_403 : vector<16xf32>
          %parallel_loop3A_415 = arith.minimumf %parallel_loop3A_403, %parallel_loop3A_414 : vector<16xf32>
          %parallel_loop3A_416 = arith.constant 1.000000e+00 : f32
          %parallel_loop3A_417 = vector.broadcast %parallel_loop3A_416 : f32 to vector<16xf32>
          %parallel_loop3A_418 = arith.subf %parallel_loop3A_417, %parallel_loop3A_407 : vector<16xf32>
          %parallel_loop3A_419 = arith.minimumf %parallel_loop3A_407, %parallel_loop3A_418 : vector<16xf32>
          %parallel_loop3A_420 = arith.constant 1.000000e+00 : f32
          %parallel_loop3A_421 = vector.broadcast %parallel_loop3A_420 : f32 to vector<16xf32>
          %parallel_loop3A_422 = arith.subf %parallel_loop3A_421, %parallel_loop3A_411 : vector<16xf32>
          %parallel_loop3A_423 = arith.minimumf %parallel_loop3A_411, %parallel_loop3A_422 : vector<16xf32>
          %parallel_loop3A_424 = arith.mulf %parallel_loop3A_415, %parallel_loop3A_415 : vector<16xf32>
          %parallel_loop3A_425 = arith.mulf %parallel_loop3A_419, %parallel_loop3A_419 : vector<16xf32>
          %parallel_loop3A_426 = arith.addf %parallel_loop3A_424, %parallel_loop3A_425 : vector<16xf32>
          %parallel_loop3A_427 = arith.mulf %parallel_loop3A_423, %parallel_loop3A_423 : vector<16xf32>
          %parallel_loop3A_428 = arith.addf %parallel_loop3A_426, %parallel_loop3A_427 : vector<16xf32>
          %parallel_loop3A_429 = arith.constant 4.000000e+00 : f32
          %parallel_loop3A_430 = vector.broadcast %parallel_loop3A_429 : f32 to vector<16xf32>
          %parallel_loop3A_431 = arith.cmpf olt, %parallel_loop3A_428, %parallel_loop3A_430 : vector<16xf32>
          %parallel_loop3A_432 = arith.constant 16 : i32
          %parallel_loop3A_433 = vector.broadcast %parallel_loop3A_432 : i32 to vector<16xi32>
          %parallel_loop3A_434 = arith.muli %parallel_loop3A_399, %parallel_loop3A_433 : vector<16xi32>
          %parallel_loop3A_435 = arith.addi %parallel_loop3A_434, %iota3A : vector<16xi32>
          tpu.vector_store_idx %arg10[%parallel_loop3A_435], %parallel_loop3A_428 masked %parallel_loop3A_431 : memref<4112xf32, #tpu.memory_space<vmem>>[vector<16xi32>], vector<16xf32>, vector<16xi1>
          %parallel_loop3A_436 = vector.broadcast %parallel_loop3A_398 : i32 to vector<16xi32>
          %parallel_loop3A_437 = arith.addi %iota3A, %parallel_loop3A_436 : vector<16xi32>
          tpu.vector_store_idx %arg11[%parallel_loop3A_435], %parallel_loop3A_437 masked %parallel_loop3A_431 : memref<4112xi32, #tpu.memory_space<vmem>>[vector<16xi32>], vector<16xi32>, vector<16xi1>
          %parallel_loop3A_438 = arith.extui %parallel_loop3A_431 : vector<16xi1> to vector<16xi32>
          %parallel_loop3A_439 = arith.addi %parallel_loop3A_399, %parallel_loop3A_438 : vector<16xi32>
          scf.yield %parallel_loop3A_439 : vector<16xi32>
        } {sc.loop_unroll_factor = 4 : i64, sc.parallel_access}
        scf.yield %parallel_loop3A_397 : vector<16xi32>
      } else {
        scf.yield %parallel_loop3A_64#0 : vector<16xi32>
      }
      %reduce_max3A = arith.constant true
      %reduce_max3A_71 = vector.broadcast %reduce_max3A : i1 to vector<16xi1>
      %reduce_max3A_72 = arith.constant -2147483648 : i32
      %reduce_max3A_73 = vector.broadcast %reduce_max3A_72 : i32 to vector<16xi32>
      %reduce_max3A_74 = arith.xori %cond3A_70, %reduce_max3A_73 : vector<16xi32>
      %reduce_max3A_75 = tpu.scan <max>, %reduce_max3A_74 masked %reduce_max3A_71 : vector<16xi32>, vector<16xi1> -> vector<16xi32>
      %reduce_max3A_76 = arith.xori %reduce_max3A_75, %reduce_max3A_73 : vector<16xi32>
      %reduce_max3A_77 = vector.extract %reduce_max3A_76[15] : i32 from vector<16xi32>
      %while3A = arith.constant 0 : i32
      %while3A_78 = arith.subi %reduce_max3A_77, %while3A : i32
      %while3A_79 = arith.addi %while3A, %while3A_78 : i32
      %while3A_80 = arith.constant 1 : i32
      %while3A_81 = arith.divsi %while3A_78, %while3A_80 : i32
      %while3A_82 = arith.muli %while3A_81, %while3A_80 : i32
      %while3A_83 = arith.addi %while3A, %while3A_82 : i32
      %while3A_84 = arith.constant 1 : i32
      %while3A_85:4 = scf.for %while3A_394 = %while3A to %while3A_83 step %while3A_84 iter_args(%while3A_395 = %broadcast_in_dim3A_8, %while3A_396 = %broadcast_in_dim3A_10, %while3A_397 = %broadcast_in_dim3A_8, %while3A_398 = %broadcast_in_dim3A_10) -> (vector<16xf32>, vector<16xi32>, vector<16xf32>, vector<16xi32>)  : i32 {
        %gt3A_399 = vector.broadcast %while3A_394 : i32 to vector<16xi32>
        %gt3A_400 = arith.cmpi sgt, %cond3A_70, %gt3A_399 : vector<16xi32>
        %mul3A_401 = arith.constant 16 : i32
        %mul3A_402 = arith.muli %while3A_394, %mul3A_401 : i32
        %get3A = arith.index_cast %mul3A_402 : i32 to index
        %get3A_403 = tpu.vector_load %arg10[%get3A] {strides = array<i32>} : memref<4112xf32, #tpu.memory_space<vmem>>, vector<16xf32>,
        %select_n3A_404 = arith.select %gt3A_400, %get3A_403, %broadcast_in_dim3A_8 : vector<16xi1>, vector<16xf32>
        %mul3A_405 = arith.constant 16 : i32
        %mul3A_406 = arith.muli %while3A_394, %mul3A_405 : i32
        %get3A_407 = arith.index_cast %mul3A_406 : i32 to index
        %get3A_408 = tpu.vector_load %arg11[%get3A_407] {strides = array<i32>} : memref<4112xi32, #tpu.memory_space<vmem>>, vector<16xi32>,
        %masked_sort3A = arith.constant dense<true> : vector<16xi1>
        %masked_sort3A_409, %masked_sort3A_410, %masked_sort3A_411 = tpu.sort %select_n3A_404, %get3A_408 masked %masked_sort3A : (vector<16xf32>, vector<16xi32>, vector<16xi1>) -> (vector<16xi1>, vector<16xf32>, vector<16xi32>)
        %rev3A = arith.constant 15 : i32
        %rev3A_412 = vector.broadcast %rev3A : i32 to vector<16xi32>
        %rev3A_413 = tpu.iota {dimensions = array<i32: 0>} : vector<16xi32>
        %rev3A_414 = arith.subi %rev3A_412, %rev3A_413 : vector<16xi32>
        %rev3A_415 = tpu.dynamic_gather %masked_sort3A_410[%rev3A_414] in [0] : vector<16xf32>, vector<16xi32> -> vector<16xf32>
        %rev3A_416 = arith.constant 15 : i32
        %rev3A_417 = vector.broadcast %rev3A_416 : i32 to vector<16xi32>
        %rev3A_418 = tpu.iota {dimensions = array<i32: 0>} : vector<16xi32>
        %rev3A_419 = arith.subi %rev3A_417, %rev3A_418 : vector<16xi32>
        %rev3A_420 = tpu.dynamic_gather %masked_sort3A_411[%rev3A_419] in [0] : vector<16xi32>, vector<16xi32> -> vector<16xi32>
        %le3A = arith.cmpf ole, %while3A_397, %rev3A_415 : vector<16xf32>
        %select_n3A_421 = arith.select %le3A, %while3A_397, %rev3A_415 : vector<16xi1>, vector<16xf32>
        %select_n3A_422 = arith.select %le3A, %while3A_398, %rev3A_420 : vector<16xi1>, vector<16xi32>
        %masked_sort3A_423 = arith.constant dense<true> : vector<16xi1>
        %masked_sort3A_424, %masked_sort3A_425, %masked_sort3A_426 = tpu.sort %select_n3A_421, %select_n3A_422 masked %masked_sort3A_423 : (vector<16xf32>, vector<16xi32>, vector<16xi1>) -> (vector<16xi1>, vector<16xf32>, vector<16xi32>)
        %rev3A_427 = arith.constant 15 : i32
        %rev3A_428 = vector.broadcast %rev3A_427 : i32 to vector<16xi32>
        %rev3A_429 = tpu.iota {dimensions = array<i32: 0>} : vector<16xi32>
        %rev3A_430 = arith.subi %rev3A_428, %rev3A_429 : vector<16xi32>
        %rev3A_431 = tpu.dynamic_gather %masked_sort3A_425[%rev3A_430] in [0] : vector<16xf32>, vector<16xi32> -> vector<16xf32>
        %rev3A_432 = arith.constant 15 : i32
        %rev3A_433 = vector.broadcast %rev3A_432 : i32 to vector<16xi32>
        %rev3A_434 = tpu.iota {dimensions = array<i32: 0>} : vector<16xi32>
        %rev3A_435 = arith.subi %rev3A_433, %rev3A_434 : vector<16xi32>
        %rev3A_436 = tpu.dynamic_gather %masked_sort3A_426[%rev3A_435] in [0] : vector<16xi32>, vector<16xi32> -> vector<16xi32>
        %le3A_437 = arith.cmpf ole, %while3A_395, %rev3A_431 : vector<16xf32>
        %select_n3A_438 = arith.select %le3A_437, %while3A_395, %rev3A_431 : vector<16xi1>, vector<16xf32>
        %select_n3A_439 = arith.select %le3A_437, %while3A_396, %rev3A_436 : vector<16xi1>, vector<16xi32>
        %select_n3A_440 = arith.select %le3A_437, %rev3A_431, %while3A_395 : vector<16xi1>, vector<16xf32>
        %select_n3A_441 = arith.select %le3A_437, %rev3A_436, %while3A_396 : vector<16xi1>, vector<16xi32>
        %masked_sort3A_442 = arith.constant dense<true> : vector<16xi1>
        %masked_sort3A_443, %masked_sort3A_444, %masked_sort3A_445 = tpu.sort %select_n3A_438, %select_n3A_439 masked %masked_sort3A_442 : (vector<16xf32>, vector<16xi32>, vector<16xi1>) -> (vector<16xi1>, vector<16xf32>, vector<16xi32>)
        %masked_sort3A_446 = arith.constant dense<true> : vector<16xi1>
        %masked_sort3A_447, %masked_sort3A_448, %masked_sort3A_449 = tpu.sort %select_n3A_440, %select_n3A_441 masked %masked_sort3A_446 : (vector<16xf32>, vector<16xi32>, vector<16xi1>) -> (vector<16xi1>, vector<16xf32>, vector<16xi32>)
        scf.yield %masked_sort3A_444, %masked_sort3A_445, %masked_sort3A_448, %masked_sort3A_449 : vector<16xf32>, vector<16xi32>, vector<16xf32>, vector<16xi32>
      }
      %while3A_86 = arith.constant 1 : i32
      %while3A_87:4 = scf.for %while3A_394 = %while3A_83 to %while3A_79 step %while3A_86 iter_args(%while3A_395 = %while3A_85#0, %while3A_396 = %while3A_85#1, %while3A_397 = %while3A_85#2, %while3A_398 = %while3A_85#3) -> (vector<16xf32>, vector<16xi32>, vector<16xf32>, vector<16xi32>)  : i32 {
        %gt3A_399 = vector.broadcast %while3A_394 : i32 to vector<16xi32>
        %gt3A_400 = arith.cmpi sgt, %cond3A_70, %gt3A_399 : vector<16xi32>
        %mul3A_401 = arith.constant 16 : i32
        %mul3A_402 = arith.muli %while3A_394, %mul3A_401 : i32
        %get3A = arith.index_cast %mul3A_402 : i32 to index
        %get3A_403 = tpu.vector_load %arg10[%get3A] {strides = array<i32>} : memref<4112xf32, #tpu.memory_space<vmem>>, vector<16xf32>,
        %select_n3A_404 = arith.select %gt3A_400, %get3A_403, %broadcast_in_dim3A_8 : vector<16xi1>, vector<16xf32>
        %mul3A_405 = arith.constant 16 : i32
        %mul3A_406 = arith.muli %while3A_394, %mul3A_405 : i32
        %get3A_407 = arith.index_cast %mul3A_406 : i32 to index
        %get3A_408 = tpu.vector_load %arg11[%get3A_407] {strides = array<i32>} : memref<4112xi32, #tpu.memory_space<vmem>>, vector<16xi32>,
        %masked_sort3A = arith.constant dense<true> : vector<16xi1>
        %masked_sort3A_409, %masked_sort3A_410, %masked_sort3A_411 = tpu.sort %select_n3A_404, %get3A_408 masked %masked_sort3A : (vector<16xf32>, vector<16xi32>, vector<16xi1>) -> (vector<16xi1>, vector<16xf32>, vector<16xi32>)
        %rev3A = arith.constant 15 : i32
        %rev3A_412 = vector.broadcast %rev3A : i32 to vector<16xi32>
        %rev3A_413 = tpu.iota {dimensions = array<i32: 0>} : vector<16xi32>
        %rev3A_414 = arith.subi %rev3A_412, %rev3A_413 : vector<16xi32>
        %rev3A_415 = tpu.dynamic_gather %masked_sort3A_410[%rev3A_414] in [0] : vector<16xf32>, vector<16xi32> -> vector<16xf32>
        %rev3A_416 = arith.constant 15 : i32
        %rev3A_417 = vector.broadcast %rev3A_416 : i32 to vector<16xi32>
        %rev3A_418 = tpu.iota {dimensions = array<i32: 0>} : vector<16xi32>
        %rev3A_419 = arith.subi %rev3A_417, %rev3A_418 : vector<16xi32>
        %rev3A_420 = tpu.dynamic_gather %masked_sort3A_411[%rev3A_419] in [0] : vector<16xi32>, vector<16xi32> -> vector<16xi32>
        %le3A = arith.cmpf ole, %while3A_397, %rev3A_415 : vector<16xf32>
        %select_n3A_421 = arith.select %le3A, %while3A_397, %rev3A_415 : vector<16xi1>, vector<16xf32>
        %select_n3A_422 = arith.select %le3A, %while3A_398, %rev3A_420 : vector<16xi1>, vector<16xi32>
        %masked_sort3A_423 = arith.constant dense<true> : vector<16xi1>
        %masked_sort3A_424, %masked_sort3A_425, %masked_sort3A_426 = tpu.sort %select_n3A_421, %select_n3A_422 masked %masked_sort3A_423 : (vector<16xf32>, vector<16xi32>, vector<16xi1>) -> (vector<16xi1>, vector<16xf32>, vector<16xi32>)
        %rev3A_427 = arith.constant 15 : i32
        %rev3A_428 = vector.broadcast %rev3A_427 : i32 to vector<16xi32>
        %rev3A_429 = tpu.iota {dimensions = array<i32: 0>} : vector<16xi32>
        %rev3A_430 = arith.subi %rev3A_428, %rev3A_429 : vector<16xi32>
        %rev3A_431 = tpu.dynamic_gather %masked_sort3A_425[%rev3A_430] in [0] : vector<16xf32>, vector<16xi32> -> vector<16xf32>
        %rev3A_432 = arith.constant 15 : i32
        %rev3A_433 = vector.broadcast %rev3A_432 : i32 to vector<16xi32>
        %rev3A_434 = tpu.iota {dimensions = array<i32: 0>} : vector<16xi32>
        %rev3A_435 = arith.subi %rev3A_433, %rev3A_434 : vector<16xi32>
        %rev3A_436 = tpu.dynamic_gather %masked_sort3A_426[%rev3A_435] in [0] : vector<16xi32>, vector<16xi32> -> vector<16xi32>
        %le3A_437 = arith.cmpf ole, %while3A_395, %rev3A_431 : vector<16xf32>
        %select_n3A_438 = arith.select %le3A_437, %while3A_395, %rev3A_431 : vector<16xi1>, vector<16xf32>
        %select_n3A_439 = arith.select %le3A_437, %while3A_396, %rev3A_436 : vector<16xi1>, vector<16xi32>
        %select_n3A_440 = arith.select %le3A_437, %rev3A_431, %while3A_395 : vector<16xi1>, vector<16xf32>
        %select_n3A_441 = arith.select %le3A_437, %rev3A_436, %while3A_396 : vector<16xi1>, vector<16xi32>
        %masked_sort3A_442 = arith.constant dense<true> : vector<16xi1>
        %masked_sort3A_443, %masked_sort3A_444, %masked_sort3A_445 = tpu.sort %select_n3A_438, %select_n3A_439 masked %masked_sort3A_442 : (vector<16xf32>, vector<16xi32>, vector<16xi1>) -> (vector<16xi1>, vector<16xf32>, vector<16xi32>)
        %masked_sort3A_446 = arith.constant dense<true> : vector<16xi1>
        %masked_sort3A_447, %masked_sort3A_448, %masked_sort3A_449 = tpu.sort %select_n3A_440, %select_n3A_441 masked %masked_sort3A_446 : (vector<16xf32>, vector<16xi32>, vector<16xi1>) -> (vector<16xi1>, vector<16xf32>, vector<16xi32>)
        scf.yield %masked_sort3A_444, %masked_sort3A_445, %masked_sort3A_448, %masked_sort3A_449 : vector<16xf32>, vector<16xi32>, vector<16xf32>, vector<16xi32>
      }
      %mul3A_88 = arith.constant 128 : i32
      %mul3A_89 = vector.broadcast %mul3A_88 : i32 to vector<16xi32>
      %mul3A_90 = arith.muli %iota3A, %mul3A_89 : vector<16xi32>
      %add3A_91 = vector.broadcast %mul3A_44 : i32 to vector<16xi32>
      %add3A_92 = arith.addi %mul3A_90, %add3A_91 : vector<16xi32>
      %add3A_93 = arith.constant 2048 : i32
      %add3A_94 = vector.broadcast %add3A_93 : i32 to vector<16xi32>
      %add3A_95 = arith.addi %add3A_92, %add3A_94 : vector<16xi32>
      %gather3A_96 = tpu.vector_load_idx %arg4[%while3A_87#1] : memref<4096xf32, #tpu.memory_space<vmem>>[vector<16xi32>], vector<16xf32>,
      %sub3A = arith.subf %gather3A, %gather3A_96 : vector<16xf32>
      %gt3A = arith.constant 5.000000e-01 : f32
      %gt3A_97 = vector.broadcast %gt3A : f32 to vector<16xf32>
      %gt3A_98 = arith.cmpf ogt, %sub3A, %gt3A_97 : vector<16xf32>
      %jit3A = arith.constant 1.000000e+00 : f32
      %jit3A_99 = arith.constant 0.000000e+00 : f32
      %broadcast_in_dim3A_100 = vector.broadcast %jit3A : f32 to vector<16xf32>
      %broadcast_in_dim3A_101 = vector.broadcast %jit3A_99 : f32 to vector<16xf32>
      %select_n3A = arith.select %gt3A_98, %broadcast_in_dim3A_100, %broadcast_in_dim3A_101 : vector<16xi1>, vector<16xf32>
      %sub3A_102 = arith.subf %sub3A, %select_n3A : vector<16xf32>
      %lt3A_103 = arith.constant -5.000000e-01 : f32
      %lt3A_104 = vector.broadcast %lt3A_103 : f32 to vector<16xf32>
      %lt3A_105 = arith.cmpf olt, %sub3A, %lt3A_104 : vector<16xf32>
      %jit3A_106 = arith.constant 1.000000e+00 : f32
      %jit3A_107 = arith.constant 0.000000e+00 : f32
      %broadcast_in_dim3A_108 = vector.broadcast %jit3A_106 : f32 to vector<16xf32>
      %broadcast_in_dim3A_109 = vector.broadcast %jit3A_107 : f32 to vector<16xf32>
      %select_n3A_110 = arith.select %lt3A_105, %broadcast_in_dim3A_108, %broadcast_in_dim3A_109 : vector<16xi1>, vector<16xf32>
      %add3A_111 = arith.addf %sub3A_102, %select_n3A_110 : vector<16xf32>
      tpu.vector_store_idx %arg14[%add3A_92], %add3A_111 : memref<4096xf32, #tpu.memory_space<vmem>>[vector<16xi32>], vector<16xf32>,
      %gather3A_112 = tpu.vector_load_idx %arg4[%while3A_87#3] : memref<4096xf32, #tpu.memory_space<vmem>>[vector<16xi32>], vector<16xf32>,
      %sub3A_113 = arith.subf %gather3A, %gather3A_112 : vector<16xf32>
      %gt3A_114 = arith.constant 5.000000e-01 : f32
      %gt3A_115 = vector.broadcast %gt3A_114 : f32 to vector<16xf32>
      %gt3A_116 = arith.cmpf ogt, %sub3A_113, %gt3A_115 : vector<16xf32>
      %jit3A_117 = arith.constant 1.000000e+00 : f32
      %jit3A_118 = arith.constant 0.000000e+00 : f32
      %broadcast_in_dim3A_119 = vector.broadcast %jit3A_117 : f32 to vector<16xf32>
      %broadcast_in_dim3A_120 = vector.broadcast %jit3A_118 : f32 to vector<16xf32>
      %select_n3A_121 = arith.select %gt3A_116, %broadcast_in_dim3A_119, %broadcast_in_dim3A_120 : vector<16xi1>, vector<16xf32>
      %sub3A_122 = arith.subf %sub3A_113, %select_n3A_121 : vector<16xf32>
      %lt3A_123 = arith.constant -5.000000e-01 : f32
      %lt3A_124 = vector.broadcast %lt3A_123 : f32 to vector<16xf32>
      %lt3A_125 = arith.cmpf olt, %sub3A_113, %lt3A_124 : vector<16xf32>
      %jit3A_126 = arith.constant 1.000000e+00 : f32
      %jit3A_127 = arith.constant 0.000000e+00 : f32
      %broadcast_in_dim3A_128 = vector.broadcast %jit3A_126 : f32 to vector<16xf32>
      %broadcast_in_dim3A_129 = vector.broadcast %jit3A_127 : f32 to vector<16xf32>
      %select_n3A_130 = arith.select %lt3A_125, %broadcast_in_dim3A_128, %broadcast_in_dim3A_129 : vector<16xi1>, vector<16xf32>
      %add3A_131 = arith.addf %sub3A_122, %select_n3A_130 : vector<16xf32>
      tpu.vector_store_idx %arg14[%add3A_95], %add3A_131 : memref<4096xf32, #tpu.memory_space<vmem>>[vector<16xi32>], vector<16xf32>,
      %gather3A_132 = tpu.vector_load_idx %arg5[%while3A_87#1] : memref<4096xf32, #tpu.memory_space<vmem>>[vector<16xi32>], vector<16xf32>,
      %sub3A_133 = arith.subf %gather3A_49, %gather3A_132 : vector<16xf32>
      %gt3A_134 = arith.constant 5.000000e-01 : f32
      %gt3A_135 = vector.broadcast %gt3A_134 : f32 to vector<16xf32>
      %gt3A_136 = arith.cmpf ogt, %sub3A_133, %gt3A_135 : vector<16xf32>
      %jit3A_137 = arith.constant 1.000000e+00 : f32
      %jit3A_138 = arith.constant 0.000000e+00 : f32
      %broadcast_in_dim3A_139 = vector.broadcast %jit3A_137 : f32 to vector<16xf32>
      %broadcast_in_dim3A_140 = vector.broadcast %jit3A_138 : f32 to vector<16xf32>
      %select_n3A_141 = arith.select %gt3A_136, %broadcast_in_dim3A_139, %broadcast_in_dim3A_140 : vector<16xi1>, vector<16xf32>
      %sub3A_142 = arith.subf %sub3A_133, %select_n3A_141 : vector<16xf32>
      %lt3A_143 = arith.constant -5.000000e-01 : f32
      %lt3A_144 = vector.broadcast %lt3A_143 : f32 to vector<16xf32>
      %lt3A_145 = arith.cmpf olt, %sub3A_133, %lt3A_144 : vector<16xf32>
      %jit3A_146 = arith.constant 1.000000e+00 : f32
      %jit3A_147 = arith.constant 0.000000e+00 : f32
      %broadcast_in_dim3A_148 = vector.broadcast %jit3A_146 : f32 to vector<16xf32>
      %broadcast_in_dim3A_149 = vector.broadcast %jit3A_147 : f32 to vector<16xf32>
      %select_n3A_150 = arith.select %lt3A_145, %broadcast_in_dim3A_148, %broadcast_in_dim3A_149 : vector<16xi1>, vector<16xf32>
      %add3A_151 = arith.addf %sub3A_142, %select_n3A_150 : vector<16xf32>
      tpu.vector_store_idx %arg15[%add3A_92], %add3A_151 : memref<4096xf32, #tpu.memory_space<vmem>>[vector<16xi32>], vector<16xf32>,
      %gather3A_152 = tpu.vector_load_idx %arg5[%while3A_87#3] : memref<4096xf32, #tpu.memory_space<vmem>>[vector<16xi32>], vector<16xf32>,
      %sub3A_153 = arith.subf %gather3A_49, %gather3A_152 : vector<16xf32>
      %gt3A_154 = arith.constant 5.000000e-01 : f32
      %gt3A_155 = vector.broadcast %gt3A_154 : f32 to vector<16xf32>
      %gt3A_156 = arith.cmpf ogt, %sub3A_153, %gt3A_155 : vector<16xf32>
      %jit3A_157 = arith.constant 1.000000e+00 : f32
      %jit3A_158 = arith.constant 0.000000e+00 : f32
      %broadcast_in_dim3A_159 = vector.broadcast %jit3A_157 : f32 to vector<16xf32>
      %broadcast_in_dim3A_160 = vector.broadcast %jit3A_158 : f32 to vector<16xf32>
      %select_n3A_161 = arith.select %gt3A_156, %broadcast_in_dim3A_159, %broadcast_in_dim3A_160 : vector<16xi1>, vector<16xf32>
      %sub3A_162 = arith.subf %sub3A_153, %select_n3A_161 : vector<16xf32>
      %lt3A_163 = arith.constant -5.000000e-01 : f32
      %lt3A_164 = vector.broadcast %lt3A_163 : f32 to vector<16xf32>
      %lt3A_165 = arith.cmpf olt, %sub3A_153, %lt3A_164 : vector<16xf32>
      %jit3A_166 = arith.constant 1.000000e+00 : f32
      %jit3A_167 = arith.constant 0.000000e+00 : f32
      %broadcast_in_dim3A_168 = vector.broadcast %jit3A_166 : f32 to vector<16xf32>
      %broadcast_in_dim3A_169 = vector.broadcast %jit3A_167 : f32 to vector<16xf32>
      %select_n3A_170 = arith.select %lt3A_165, %broadcast_in_dim3A_168, %broadcast_in_dim3A_169 : vector<16xi1>, vector<16xf32>
      %add3A_171 = arith.addf %sub3A_162, %select_n3A_170 : vector<16xf32>
      tpu.vector_store_idx %arg15[%add3A_95], %add3A_171 : memref<4096xf32, #tpu.memory_space<vmem>>[vector<16xi32>], vector<16xf32>,
      %gather3A_172 = tpu.vector_load_idx %arg6[%while3A_87#1] : memref<4096xf32, #tpu.memory_space<vmem>>[vector<16xi32>], vector<16xf32>,
      %sub3A_173 = arith.subf %gather3A_50, %gather3A_172 : vector<16xf32>
      %gt3A_174 = arith.constant 5.000000e-01 : f32
      %gt3A_175 = vector.broadcast %gt3A_174 : f32 to vector<16xf32>
      %gt3A_176 = arith.cmpf ogt, %sub3A_173, %gt3A_175 : vector<16xf32>
      %jit3A_177 = arith.constant 1.000000e+00 : f32
      %jit3A_178 = arith.constant 0.000000e+00 : f32
      %broadcast_in_dim3A_179 = vector.broadcast %jit3A_177 : f32 to vector<16xf32>
      %broadcast_in_dim3A_180 = vector.broadcast %jit3A_178 : f32 to vector<16xf32>
      %select_n3A_181 = arith.select %gt3A_176, %broadcast_in_dim3A_179, %broadcast_in_dim3A_180 : vector<16xi1>, vector<16xf32>
      %sub3A_182 = arith.subf %sub3A_173, %select_n3A_181 : vector<16xf32>
      %lt3A_183 = arith.constant -5.000000e-01 : f32
      %lt3A_184 = vector.broadcast %lt3A_183 : f32 to vector<16xf32>
      %lt3A_185 = arith.cmpf olt, %sub3A_173, %lt3A_184 : vector<16xf32>
      %jit3A_186 = arith.constant 1.000000e+00 : f32
      %jit3A_187 = arith.constant 0.000000e+00 : f32
      %broadcast_in_dim3A_188 = vector.broadcast %jit3A_186 : f32 to vector<16xf32>
      %broadcast_in_dim3A_189 = vector.broadcast %jit3A_187 : f32 to vector<16xf32>
      %select_n3A_190 = arith.select %lt3A_185, %broadcast_in_dim3A_188, %broadcast_in_dim3A_189 : vector<16xi1>, vector<16xf32>
      %add3A_191 = arith.addf %sub3A_182, %select_n3A_190 : vector<16xf32>
      tpu.vector_store_idx %arg16[%add3A_92], %add3A_191 : memref<4096xf32, #tpu.memory_space<vmem>>[vector<16xi32>], vector<16xf32>,
      %gather3A_192 = tpu.vector_load_idx %arg6[%while3A_87#3] : memref<4096xf32, #tpu.memory_space<vmem>>[vector<16xi32>], vector<16xf32>,
      %sub3A_193 = arith.subf %gather3A_50, %gather3A_192 : vector<16xf32>
      %gt3A_194 = arith.constant 5.000000e-01 : f32
      %gt3A_195 = vector.broadcast %gt3A_194 : f32 to vector<16xf32>
      %gt3A_196 = arith.cmpf ogt, %sub3A_193, %gt3A_195 : vector<16xf32>
      %jit3A_197 = arith.constant 1.000000e+00 : f32
      %jit3A_198 = arith.constant 0.000000e+00 : f32
      %broadcast_in_dim3A_199 = vector.broadcast %jit3A_197 : f32 to vector<16xf32>
      %broadcast_in_dim3A_200 = vector.broadcast %jit3A_198 : f32 to vector<16xf32>
      %select_n3A_201 = arith.select %gt3A_196, %broadcast_in_dim3A_199, %broadcast_in_dim3A_200 : vector<16xi1>, vector<16xf32>
      %sub3A_202 = arith.subf %sub3A_193, %select_n3A_201 : vector<16xf32>
      %lt3A_203 = arith.constant -5.000000e-01 : f32
      %lt3A_204 = vector.broadcast %lt3A_203 : f32 to vector<16xf32>
      %lt3A_205 = arith.cmpf olt, %sub3A_193, %lt3A_204 : vector<16xf32>
      %jit3A_206 = arith.constant 1.000000e+00 : f32
      %jit3A_207 = arith.constant 0.000000e+00 : f32
      %broadcast_in_dim3A_208 = vector.broadcast %jit3A_206 : f32 to vector<16xf32>
      %broadcast_in_dim3A_209 = vector.broadcast %jit3A_207 : f32 to vector<16xf32>
      %select_n3A_210 = arith.select %lt3A_205, %broadcast_in_dim3A_208, %broadcast_in_dim3A_209 : vector<16xi1>, vector<16xf32>
      %add3A_211 = arith.addf %sub3A_202, %select_n3A_210 : vector<16xf32>
      tpu.vector_store_idx %arg16[%add3A_95], %add3A_211 : memref<4096xf32, #tpu.memory_space<vmem>>[vector<16xi32>], vector<16xf32>,
      %gather3A_212 = tpu.vector_load_idx %arg7[%while3A_87#1] : memref<4096xf32, #tpu.memory_space<vmem>>[vector<16xi32>], vector<16xf32>,
      %sub3A_213 = arith.subf %gather3A_51, %gather3A_212 : vector<16xf32>
      tpu.vector_store_idx %arg17[%add3A_92], %sub3A_213 : memref<4096xf32, #tpu.memory_space<vmem>>[vector<16xi32>], vector<16xf32>,
      %gather3A_214 = tpu.vector_load_idx %arg7[%while3A_87#3] : memref<4096xf32, #tpu.memory_space<vmem>>[vector<16xi32>], vector<16xf32>,
      %sub3A_215 = arith.subf %gather3A_51, %gather3A_214 : vector<16xf32>
      tpu.vector_store_idx %arg17[%add3A_95], %sub3A_215 : memref<4096xf32, #tpu.memory_space<vmem>>[vector<16xi32>], vector<16xf32>,
      %gather3A_216 = tpu.vector_load_idx %arg8[%while3A_87#1] : memref<4096xf32, #tpu.memory_space<vmem>>[vector<16xi32>], vector<16xf32>,
      %sub3A_217 = arith.subf %gather3A_52, %gather3A_216 : vector<16xf32>
      tpu.vector_store_idx %arg18[%add3A_92], %sub3A_217 : memref<4096xf32, #tpu.memory_space<vmem>>[vector<16xi32>], vector<16xf32>,
      %gather3A_218 = tpu.vector_load_idx %arg8[%while3A_87#3] : memref<4096xf32, #tpu.memory_space<vmem>>[vector<16xi32>], vector<16xf32>,
      %sub3A_219 = arith.subf %gather3A_52, %gather3A_218 : vector<16xf32>
      tpu.vector_store_idx %arg18[%add3A_95], %sub3A_219 : memref<4096xf32, #tpu.memory_space<vmem>>[vector<16xi32>], vector<16xf32>,
      %gather3A_220 = tpu.vector_load_idx %arg9[%while3A_87#1] : memref<4096xf32, #tpu.memory_space<vmem>>[vector<16xi32>], vector<16xf32>,
      %sub3A_221 = arith.subf %gather3A_53, %gather3A_220 : vector<16xf32>
      tpu.vector_store_idx %arg19[%add3A_92], %sub3A_221 : memref<4096xf32, #tpu.memory_space<vmem>>[vector<16xi32>], vector<16xf32>,
      %gather3A_222 = tpu.vector_load_idx %arg9[%while3A_87#3] : memref<4096xf32, #tpu.memory_space<vmem>>[vector<16xi32>], vector<16xf32>,
      %sub3A_223 = arith.subf %gather3A_53, %gather3A_222 : vector<16xf32>
      tpu.vector_store_idx %arg19[%add3A_95], %sub3A_223 : memref<4096xf32, #tpu.memory_space<vmem>>[vector<16xi32>], vector<16xf32>,
      %reduce_sum3A_224 = arith.constant true
      %reduce_sum3A_225 = vector.broadcast %reduce_sum3A_224 : i1 to vector<16xi1>
      %reduce_sum3A_226 = tpu.scan <sum>, %parallel_loop3A_64#1 masked %reduce_sum3A_225 : vector<16xi32>, vector<16xi1> -> vector<16xi32>
      %reduce_sum3A_227 = vector.extract %reduce_sum3A_226[15] : i32 from vector<16xi32>
      %lt3A_228 = arith.constant 32 : i32
      %lt3A_229 = arith.cmpi slt, %reduce_sum3A_227, %lt3A_228 : i32
      %convert_element_type3A_230 = arith.extui %lt3A_229 : i1 to i32
      %cond3A_231 = arith.constant 0 : i32
      %cond3A_232 = arith.cmpi ne, %convert_element_type3A_230, %cond3A_231 : i32
      %cond3A_233 = scf.if %cond3A_232 -> (vector<16xi32>) {
        %parallel_loop3A_394 = arith.constant 0 : i32
        %parallel_loop3A_395 = arith.constant 4096 : i32
        %parallel_loop3A_396 = arith.constant 16 : i32
        %parallel_loop3A_397 = scf.for %parallel_loop3A_398 = %parallel_loop3A_394 to %parallel_loop3A_395 step %parallel_loop3A_396 iter_args(%parallel_loop3A_399 = %broadcast_in_dim3A_10) -> (vector<16xi32>)  : i32 {
          %parallel_loop3A_400 = arith.index_cast %parallel_loop3A_398 : i32 to index
          %parallel_loop3A_401 = tpu.vector_load %arg4[%parallel_loop3A_400] {strides = array<i32>} : memref<4096xf32, #tpu.memory_space<vmem>>, vector<16xf32>,
          %parallel_loop3A_402 = arith.subf %gather3A_56, %parallel_loop3A_401 : vector<16xf32>
          %parallel_loop3A_403 = math.absf %parallel_loop3A_402 : vector<16xf32>
          %parallel_loop3A_404 = arith.index_cast %parallel_loop3A_398 : i32 to index
          %parallel_loop3A_405 = tpu.vector_load %arg5[%parallel_loop3A_404] {strides = array<i32>} : memref<4096xf32, #tpu.memory_space<vmem>>, vector<16xf32>,
          %parallel_loop3A_406 = arith.subf %gather3A_57, %parallel_loop3A_405 : vector<16xf32>
          %parallel_loop3A_407 = math.absf %parallel_loop3A_406 : vector<16xf32>
          %parallel_loop3A_408 = arith.index_cast %parallel_loop3A_398 : i32 to index
          %parallel_loop3A_409 = tpu.vector_load %arg6[%parallel_loop3A_408] {strides = array<i32>} : memref<4096xf32, #tpu.memory_space<vmem>>, vector<16xf32>,
          %parallel_loop3A_410 = arith.subf %gather3A_58, %parallel_loop3A_409 : vector<16xf32>
          %parallel_loop3A_411 = math.absf %parallel_loop3A_410 : vector<16xf32>
          %parallel_loop3A_412 = arith.constant 1.000000e+00 : f32
          %parallel_loop3A_413 = vector.broadcast %parallel_loop3A_412 : f32 to vector<16xf32>
          %parallel_loop3A_414 = arith.subf %parallel_loop3A_413, %parallel_loop3A_403 : vector<16xf32>
          %parallel_loop3A_415 = arith.minimumf %parallel_loop3A_403, %parallel_loop3A_414 : vector<16xf32>
          %parallel_loop3A_416 = arith.constant 1.000000e+00 : f32
          %parallel_loop3A_417 = vector.broadcast %parallel_loop3A_416 : f32 to vector<16xf32>
          %parallel_loop3A_418 = arith.subf %parallel_loop3A_417, %parallel_loop3A_407 : vector<16xf32>
          %parallel_loop3A_419 = arith.minimumf %parallel_loop3A_407, %parallel_loop3A_418 : vector<16xf32>
          %parallel_loop3A_420 = arith.constant 1.000000e+00 : f32
          %parallel_loop3A_421 = vector.broadcast %parallel_loop3A_420 : f32 to vector<16xf32>
          %parallel_loop3A_422 = arith.subf %parallel_loop3A_421, %parallel_loop3A_411 : vector<16xf32>
          %parallel_loop3A_423 = arith.minimumf %parallel_loop3A_411, %parallel_loop3A_422 : vector<16xf32>
          %parallel_loop3A_424 = arith.mulf %parallel_loop3A_415, %parallel_loop3A_415 : vector<16xf32>
          %parallel_loop3A_425 = arith.mulf %parallel_loop3A_419, %parallel_loop3A_419 : vector<16xf32>
          %parallel_loop3A_426 = arith.addf %parallel_loop3A_424, %parallel_loop3A_425 : vector<16xf32>
          %parallel_loop3A_427 = arith.mulf %parallel_loop3A_423, %parallel_loop3A_423 : vector<16xf32>
          %parallel_loop3A_428 = arith.addf %parallel_loop3A_426, %parallel_loop3A_427 : vector<16xf32>
          %parallel_loop3A_429 = arith.constant 4.000000e+00 : f32
          %parallel_loop3A_430 = vector.broadcast %parallel_loop3A_429 : f32 to vector<16xf32>
          %parallel_loop3A_431 = arith.cmpf olt, %parallel_loop3A_428, %parallel_loop3A_430 : vector<16xf32>
          %parallel_loop3A_432 = arith.constant 16 : i32
          %parallel_loop3A_433 = vector.broadcast %parallel_loop3A_432 : i32 to vector<16xi32>
          %parallel_loop3A_434 = arith.muli %parallel_loop3A_399, %parallel_loop3A_433 : vector<16xi32>
          %parallel_loop3A_435 = arith.addi %parallel_loop3A_434, %iota3A : vector<16xi32>
          tpu.vector_store_idx %arg12[%parallel_loop3A_435], %parallel_loop3A_428 masked %parallel_loop3A_431 : memref<4112xf32, #tpu.memory_space<vmem>>[vector<16xi32>], vector<16xf32>, vector<16xi1>
          %parallel_loop3A_436 = vector.broadcast %parallel_loop3A_398 : i32 to vector<16xi32>
          %parallel_loop3A_437 = arith.addi %iota3A, %parallel_loop3A_436 : vector<16xi32>
          tpu.vector_store_idx %arg13[%parallel_loop3A_435], %parallel_loop3A_437 masked %parallel_loop3A_431 : memref<4112xi32, #tpu.memory_space<vmem>>[vector<16xi32>], vector<16xi32>, vector<16xi1>
          %parallel_loop3A_438 = arith.extui %parallel_loop3A_431 : vector<16xi1> to vector<16xi32>
          %parallel_loop3A_439 = arith.addi %parallel_loop3A_399, %parallel_loop3A_438 : vector<16xi32>
          scf.yield %parallel_loop3A_439 : vector<16xi32>
        } {sc.loop_unroll_factor = 4 : i64, sc.parallel_access}
        scf.yield %parallel_loop3A_397 : vector<16xi32>
      } else {
        scf.yield %parallel_loop3A_64#1 : vector<16xi32>
      }
      %reduce_max3A_234 = arith.constant true
      %reduce_max3A_235 = vector.broadcast %reduce_max3A_234 : i1 to vector<16xi1>
      %reduce_max3A_236 = arith.constant -2147483648 : i32
      %reduce_max3A_237 = vector.broadcast %reduce_max3A_236 : i32 to vector<16xi32>
      %reduce_max3A_238 = arith.xori %cond3A_233, %reduce_max3A_237 : vector<16xi32>
      %reduce_max3A_239 = tpu.scan <max>, %reduce_max3A_238 masked %reduce_max3A_235 : vector<16xi32>, vector<16xi1> -> vector<16xi32>
      %reduce_max3A_240 = arith.xori %reduce_max3A_239, %reduce_max3A_237 : vector<16xi32>
      %reduce_max3A_241 = vector.extract %reduce_max3A_240[15] : i32 from vector<16xi32>
      %while3A_242 = arith.constant 0 : i32
      %while3A_243 = arith.subi %reduce_max3A_241, %while3A_242 : i32
      %while3A_244 = arith.addi %while3A_242, %while3A_243 : i32
      %while3A_245 = arith.constant 1 : i32
      %while3A_246 = arith.divsi %while3A_243, %while3A_245 : i32
      %while3A_247 = arith.muli %while3A_246, %while3A_245 : i32
      %while3A_248 = arith.addi %while3A_242, %while3A_247 : i32
      %while3A_249 = arith.constant 1 : i32
      %while3A_250:4 = scf.for %while3A_394 = %while3A_242 to %while3A_248 step %while3A_249 iter_args(%while3A_395 = %broadcast_in_dim3A_8, %while3A_396 = %broadcast_in_dim3A_10, %while3A_397 = %broadcast_in_dim3A_8, %while3A_398 = %broadcast_in_dim3A_10) -> (vector<16xf32>, vector<16xi32>, vector<16xf32>, vector<16xi32>)  : i32 {
        %gt3A_399 = vector.broadcast %while3A_394 : i32 to vector<16xi32>
        %gt3A_400 = arith.cmpi sgt, %cond3A_233, %gt3A_399 : vector<16xi32>
        %mul3A_401 = arith.constant 16 : i32
        %mul3A_402 = arith.muli %while3A_394, %mul3A_401 : i32
        %get3A = arith.index_cast %mul3A_402 : i32 to index
        %get3A_403 = tpu.vector_load %arg12[%get3A] {strides = array<i32>} : memref<4112xf32, #tpu.memory_space<vmem>>, vector<16xf32>,
        %select_n3A_404 = arith.select %gt3A_400, %get3A_403, %broadcast_in_dim3A_8 : vector<16xi1>, vector<16xf32>
        %mul3A_405 = arith.constant 16 : i32
        %mul3A_406 = arith.muli %while3A_394, %mul3A_405 : i32
        %get3A_407 = arith.index_cast %mul3A_406 : i32 to index
        %get3A_408 = tpu.vector_load %arg13[%get3A_407] {strides = array<i32>} : memref<4112xi32, #tpu.memory_space<vmem>>, vector<16xi32>,
        %masked_sort3A = arith.constant dense<true> : vector<16xi1>
        %masked_sort3A_409, %masked_sort3A_410, %masked_sort3A_411 = tpu.sort %select_n3A_404, %get3A_408 masked %masked_sort3A : (vector<16xf32>, vector<16xi32>, vector<16xi1>) -> (vector<16xi1>, vector<16xf32>, vector<16xi32>)
        %rev3A = arith.constant 15 : i32
        %rev3A_412 = vector.broadcast %rev3A : i32 to vector<16xi32>
        %rev3A_413 = tpu.iota {dimensions = array<i32: 0>} : vector<16xi32>
        %rev3A_414 = arith.subi %rev3A_412, %rev3A_413 : vector<16xi32>
        %rev3A_415 = tpu.dynamic_gather %masked_sort3A_410[%rev3A_414] in [0] : vector<16xf32>, vector<16xi32> -> vector<16xf32>
        %rev3A_416 = arith.constant 15 : i32
        %rev3A_417 = vector.broadcast %rev3A_416 : i32 to vector<16xi32>
        %rev3A_418 = tpu.iota {dimensions = array<i32: 0>} : vector<16xi32>
        %rev3A_419 = arith.subi %rev3A_417, %rev3A_418 : vector<16xi32>
        %rev3A_420 = tpu.dynamic_gather %masked_sort3A_411[%rev3A_419] in [0] : vector<16xi32>, vector<16xi32> -> vector<16xi32>
        %le3A = arith.cmpf ole, %while3A_397, %rev3A_415 : vector<16xf32>
        %select_n3A_421 = arith.select %le3A, %while3A_397, %rev3A_415 : vector<16xi1>, vector<16xf32>
        %select_n3A_422 = arith.select %le3A, %while3A_398, %rev3A_420 : vector<16xi1>, vector<16xi32>
        %masked_sort3A_423 = arith.constant dense<true> : vector<16xi1>
        %masked_sort3A_424, %masked_sort3A_425, %masked_sort3A_426 = tpu.sort %select_n3A_421, %select_n3A_422 masked %masked_sort3A_423 : (vector<16xf32>, vector<16xi32>, vector<16xi1>) -> (vector<16xi1>, vector<16xf32>, vector<16xi32>)
        %rev3A_427 = arith.constant 15 : i32
        %rev3A_428 = vector.broadcast %rev3A_427 : i32 to vector<16xi32>
        %rev3A_429 = tpu.iota {dimensions = array<i32: 0>} : vector<16xi32>
        %rev3A_430 = arith.subi %rev3A_428, %rev3A_429 : vector<16xi32>
        %rev3A_431 = tpu.dynamic_gather %masked_sort3A_425[%rev3A_430] in [0] : vector<16xf32>, vector<16xi32> -> vector<16xf32>
        %rev3A_432 = arith.constant 15 : i32
        %rev3A_433 = vector.broadcast %rev3A_432 : i32 to vector<16xi32>
        %rev3A_434 = tpu.iota {dimensions = array<i32: 0>} : vector<16xi32>
        %rev3A_435 = arith.subi %rev3A_433, %rev3A_434 : vector<16xi32>
        %rev3A_436 = tpu.dynamic_gather %masked_sort3A_426[%rev3A_435] in [0] : vector<16xi32>, vector<16xi32> -> vector<16xi32>
        %le3A_437 = arith.cmpf ole, %while3A_395, %rev3A_431 : vector<16xf32>
        %select_n3A_438 = arith.select %le3A_437, %while3A_395, %rev3A_431 : vector<16xi1>, vector<16xf32>
        %select_n3A_439 = arith.select %le3A_437, %while3A_396, %rev3A_436 : vector<16xi1>, vector<16xi32>
        %select_n3A_440 = arith.select %le3A_437, %rev3A_431, %while3A_395 : vector<16xi1>, vector<16xf32>
        %select_n3A_441 = arith.select %le3A_437, %rev3A_436, %while3A_396 : vector<16xi1>, vector<16xi32>
        %masked_sort3A_442 = arith.constant dense<true> : vector<16xi1>
        %masked_sort3A_443, %masked_sort3A_444, %masked_sort3A_445 = tpu.sort %select_n3A_438, %select_n3A_439 masked %masked_sort3A_442 : (vector<16xf32>, vector<16xi32>, vector<16xi1>) -> (vector<16xi1>, vector<16xf32>, vector<16xi32>)
        %masked_sort3A_446 = arith.constant dense<true> : vector<16xi1>
        %masked_sort3A_447, %masked_sort3A_448, %masked_sort3A_449 = tpu.sort %select_n3A_440, %select_n3A_441 masked %masked_sort3A_446 : (vector<16xf32>, vector<16xi32>, vector<16xi1>) -> (vector<16xi1>, vector<16xf32>, vector<16xi32>)
        scf.yield %masked_sort3A_444, %masked_sort3A_445, %masked_sort3A_448, %masked_sort3A_449 : vector<16xf32>, vector<16xi32>, vector<16xf32>, vector<16xi32>
      }
      %while3A_251 = arith.constant 1 : i32
      %while3A_252:4 = scf.for %while3A_394 = %while3A_248 to %while3A_244 step %while3A_251 iter_args(%while3A_395 = %while3A_250#0, %while3A_396 = %while3A_250#1, %while3A_397 = %while3A_250#2, %while3A_398 = %while3A_250#3) -> (vector<16xf32>, vector<16xi32>, vector<16xf32>, vector<16xi32>)  : i32 {
        %gt3A_399 = vector.broadcast %while3A_394 : i32 to vector<16xi32>
        %gt3A_400 = arith.cmpi sgt, %cond3A_233, %gt3A_399 : vector<16xi32>
        %mul3A_401 = arith.constant 16 : i32
        %mul3A_402 = arith.muli %while3A_394, %mul3A_401 : i32
        %get3A = arith.index_cast %mul3A_402 : i32 to index
        %get3A_403 = tpu.vector_load %arg12[%get3A] {strides = array<i32>} : memref<4112xf32, #tpu.memory_space<vmem>>, vector<16xf32>,
        %select_n3A_404 = arith.select %gt3A_400, %get3A_403, %broadcast_in_dim3A_8 : vector<16xi1>, vector<16xf32>
        %mul3A_405 = arith.constant 16 : i32
        %mul3A_406 = arith.muli %while3A_394, %mul3A_405 : i32
        %get3A_407 = arith.index_cast %mul3A_406 : i32 to index
        %get3A_408 = tpu.vector_load %arg13[%get3A_407] {strides = array<i32>} : memref<4112xi32, #tpu.memory_space<vmem>>, vector<16xi32>,
        %masked_sort3A = arith.constant dense<true> : vector<16xi1>
        %masked_sort3A_409, %masked_sort3A_410, %masked_sort3A_411 = tpu.sort %select_n3A_404, %get3A_408 masked %masked_sort3A : (vector<16xf32>, vector<16xi32>, vector<16xi1>) -> (vector<16xi1>, vector<16xf32>, vector<16xi32>)
        %rev3A = arith.constant 15 : i32
        %rev3A_412 = vector.broadcast %rev3A : i32 to vector<16xi32>
        %rev3A_413 = tpu.iota {dimensions = array<i32: 0>} : vector<16xi32>
        %rev3A_414 = arith.subi %rev3A_412, %rev3A_413 : vector<16xi32>
        %rev3A_415 = tpu.dynamic_gather %masked_sort3A_410[%rev3A_414] in [0] : vector<16xf32>, vector<16xi32> -> vector<16xf32>
        %rev3A_416 = arith.constant 15 : i32
        %rev3A_417 = vector.broadcast %rev3A_416 : i32 to vector<16xi32>
        %rev3A_418 = tpu.iota {dimensions = array<i32: 0>} : vector<16xi32>
        %rev3A_419 = arith.subi %rev3A_417, %rev3A_418 : vector<16xi32>
        %rev3A_420 = tpu.dynamic_gather %masked_sort3A_411[%rev3A_419] in [0] : vector<16xi32>, vector<16xi32> -> vector<16xi32>
        %le3A = arith.cmpf ole, %while3A_397, %rev3A_415 : vector<16xf32>
        %select_n3A_421 = arith.select %le3A, %while3A_397, %rev3A_415 : vector<16xi1>, vector<16xf32>
        %select_n3A_422 = arith.select %le3A, %while3A_398, %rev3A_420 : vector<16xi1>, vector<16xi32>
        %masked_sort3A_423 = arith.constant dense<true> : vector<16xi1>
        %masked_sort3A_424, %masked_sort3A_425, %masked_sort3A_426 = tpu.sort %select_n3A_421, %select_n3A_422 masked %masked_sort3A_423 : (vector<16xf32>, vector<16xi32>, vector<16xi1>) -> (vector<16xi1>, vector<16xf32>, vector<16xi32>)
        %rev3A_427 = arith.constant 15 : i32
        %rev3A_428 = vector.broadcast %rev3A_427 : i32 to vector<16xi32>
        %rev3A_429 = tpu.iota {dimensions = array<i32: 0>} : vector<16xi32>
        %rev3A_430 = arith.subi %rev3A_428, %rev3A_429 : vector<16xi32>
        %rev3A_431 = tpu.dynamic_gather %masked_sort3A_425[%rev3A_430] in [0] : vector<16xf32>, vector<16xi32> -> vector<16xf32>
        %rev3A_432 = arith.constant 15 : i32
        %rev3A_433 = vector.broadcast %rev3A_432 : i32 to vector<16xi32>
        %rev3A_434 = tpu.iota {dimensions = array<i32: 0>} : vector<16xi32>
        %rev3A_435 = arith.subi %rev3A_433, %rev3A_434 : vector<16xi32>
        %rev3A_436 = tpu.dynamic_gather %masked_sort3A_426[%rev3A_435] in [0] : vector<16xi32>, vector<16xi32> -> vector<16xi32>
        %le3A_437 = arith.cmpf ole, %while3A_395, %rev3A_431 : vector<16xf32>
        %select_n3A_438 = arith.select %le3A_437, %while3A_395, %rev3A_431 : vector<16xi1>, vector<16xf32>
        %select_n3A_439 = arith.select %le3A_437, %while3A_396, %rev3A_436 : vector<16xi1>, vector<16xi32>
        %select_n3A_440 = arith.select %le3A_437, %rev3A_431, %while3A_395 : vector<16xi1>, vector<16xf32>
        %select_n3A_441 = arith.select %le3A_437, %rev3A_436, %while3A_396 : vector<16xi1>, vector<16xi32>
        %masked_sort3A_442 = arith.constant dense<true> : vector<16xi1>
        %masked_sort3A_443, %masked_sort3A_444, %masked_sort3A_445 = tpu.sort %select_n3A_438, %select_n3A_439 masked %masked_sort3A_442 : (vector<16xf32>, vector<16xi32>, vector<16xi1>) -> (vector<16xi1>, vector<16xf32>, vector<16xi32>)
        %masked_sort3A_446 = arith.constant dense<true> : vector<16xi1>
        %masked_sort3A_447, %masked_sort3A_448, %masked_sort3A_449 = tpu.sort %select_n3A_440, %select_n3A_441 masked %masked_sort3A_446 : (vector<16xf32>, vector<16xi32>, vector<16xi1>) -> (vector<16xi1>, vector<16xf32>, vector<16xi32>)
        scf.yield %masked_sort3A_444, %masked_sort3A_445, %masked_sort3A_448, %masked_sort3A_449 : vector<16xf32>, vector<16xi32>, vector<16xf32>, vector<16xi32>
      }
      %mul3A_253 = arith.constant 128 : i32
      %mul3A_254 = vector.broadcast %mul3A_253 : i32 to vector<16xi32>
      %mul3A_255 = arith.muli %iota3A, %mul3A_254 : vector<16xi32>
      %add3A_256 = vector.broadcast %add3A_46 : i32 to vector<16xi32>
      %add3A_257 = arith.addi %mul3A_255, %add3A_256 : vector<16xi32>
      %add3A_258 = arith.constant 2048 : i32
      %add3A_259 = vector.broadcast %add3A_258 : i32 to vector<16xi32>
      %add3A_260 = arith.addi %add3A_257, %add3A_259 : vector<16xi32>
      %gather3A_261 = tpu.vector_load_idx %arg4[%while3A_252#1] : memref<4096xf32, #tpu.memory_space<vmem>>[vector<16xi32>], vector<16xf32>,
      %sub3A_262 = arith.subf %gather3A_56, %gather3A_261 : vector<16xf32>
      %gt3A_263 = arith.constant 5.000000e-01 : f32
      %gt3A_264 = vector.broadcast %gt3A_263 : f32 to vector<16xf32>
      %gt3A_265 = arith.cmpf ogt, %sub3A_262, %gt3A_264 : vector<16xf32>
      %jit3A_266 = arith.constant 1.000000e+00 : f32
      %jit3A_267 = arith.constant 0.000000e+00 : f32
      %broadcast_in_dim3A_268 = vector.broadcast %jit3A_266 : f32 to vector<16xf32>
      %broadcast_in_dim3A_269 = vector.broadcast %jit3A_267 : f32 to vector<16xf32>
      %select_n3A_270 = arith.select %gt3A_265, %broadcast_in_dim3A_268, %broadcast_in_dim3A_269 : vector<16xi1>, vector<16xf32>
      %sub3A_271 = arith.subf %sub3A_262, %select_n3A_270 : vector<16xf32>
      %lt3A_272 = arith.constant -5.000000e-01 : f32
      %lt3A_273 = vector.broadcast %lt3A_272 : f32 to vector<16xf32>
      %lt3A_274 = arith.cmpf olt, %sub3A_262, %lt3A_273 : vector<16xf32>
      %jit3A_275 = arith.constant 1.000000e+00 : f32
      %jit3A_276 = arith.constant 0.000000e+00 : f32
      %broadcast_in_dim3A_277 = vector.broadcast %jit3A_275 : f32 to vector<16xf32>
      %broadcast_in_dim3A_278 = vector.broadcast %jit3A_276 : f32 to vector<16xf32>
      %select_n3A_279 = arith.select %lt3A_274, %broadcast_in_dim3A_277, %broadcast_in_dim3A_278 : vector<16xi1>, vector<16xf32>
      %add3A_280 = arith.addf %sub3A_271, %select_n3A_279 : vector<16xf32>
      tpu.vector_store_idx %arg14[%add3A_257], %add3A_280 : memref<4096xf32, #tpu.memory_space<vmem>>[vector<16xi32>], vector<16xf32>,
      %gather3A_281 = tpu.vector_load_idx %arg4[%while3A_252#3] : memref<4096xf32, #tpu.memory_space<vmem>>[vector<16xi32>], vector<16xf32>,
      %sub3A_282 = arith.subf %gather3A_56, %gather3A_281 : vector<16xf32>
      %gt3A_283 = arith.constant 5.000000e-01 : f32
      %gt3A_284 = vector.broadcast %gt3A_283 : f32 to vector<16xf32>
      %gt3A_285 = arith.cmpf ogt, %sub3A_282, %gt3A_284 : vector<16xf32>
      %jit3A_286 = arith.constant 1.000000e+00 : f32
      %jit3A_287 = arith.constant 0.000000e+00 : f32
      %broadcast_in_dim3A_288 = vector.broadcast %jit3A_286 : f32 to vector<16xf32>
      %broadcast_in_dim3A_289 = vector.broadcast %jit3A_287 : f32 to vector<16xf32>
      %select_n3A_290 = arith.select %gt3A_285, %broadcast_in_dim3A_288, %broadcast_in_dim3A_289 : vector<16xi1>, vector<16xf32>
      %sub3A_291 = arith.subf %sub3A_282, %select_n3A_290 : vector<16xf32>
      %lt3A_292 = arith.constant -5.000000e-01 : f32
      %lt3A_293 = vector.broadcast %lt3A_292 : f32 to vector<16xf32>
      %lt3A_294 = arith.cmpf olt, %sub3A_282, %lt3A_293 : vector<16xf32>
      %jit3A_295 = arith.constant 1.000000e+00 : f32
      %jit3A_296 = arith.constant 0.000000e+00 : f32
      %broadcast_in_dim3A_297 = vector.broadcast %jit3A_295 : f32 to vector<16xf32>
      %broadcast_in_dim3A_298 = vector.broadcast %jit3A_296 : f32 to vector<16xf32>
      %select_n3A_299 = arith.select %lt3A_294, %broadcast_in_dim3A_297, %broadcast_in_dim3A_298 : vector<16xi1>, vector<16xf32>
      %add3A_300 = arith.addf %sub3A_291, %select_n3A_299 : vector<16xf32>
      tpu.vector_store_idx %arg14[%add3A_260], %add3A_300 : memref<4096xf32, #tpu.memory_space<vmem>>[vector<16xi32>], vector<16xf32>,
      %gather3A_301 = tpu.vector_load_idx %arg5[%while3A_252#1] : memref<4096xf32, #tpu.memory_space<vmem>>[vector<16xi32>], vector<16xf32>,
      %sub3A_302 = arith.subf %gather3A_57, %gather3A_301 : vector<16xf32>
      %gt3A_303 = arith.constant 5.000000e-01 : f32
      %gt3A_304 = vector.broadcast %gt3A_303 : f32 to vector<16xf32>
      %gt3A_305 = arith.cmpf ogt, %sub3A_302, %gt3A_304 : vector<16xf32>
      %jit3A_306 = arith.constant 1.000000e+00 : f32
      %jit3A_307 = arith.constant 0.000000e+00 : f32
      %broadcast_in_dim3A_308 = vector.broadcast %jit3A_306 : f32 to vector<16xf32>
      %broadcast_in_dim3A_309 = vector.broadcast %jit3A_307 : f32 to vector<16xf32>
      %select_n3A_310 = arith.select %gt3A_305, %broadcast_in_dim3A_308, %broadcast_in_dim3A_309 : vector<16xi1>, vector<16xf32>
      %sub3A_311 = arith.subf %sub3A_302, %select_n3A_310 : vector<16xf32>
      %lt3A_312 = arith.constant -5.000000e-01 : f32
      %lt3A_313 = vector.broadcast %lt3A_312 : f32 to vector<16xf32>
      %lt3A_314 = arith.cmpf olt, %sub3A_302, %lt3A_313 : vector<16xf32>
      %jit3A_315 = arith.constant 1.000000e+00 : f32
      %jit3A_316 = arith.constant 0.000000e+00 : f32
      %broadcast_in_dim3A_317 = vector.broadcast %jit3A_315 : f32 to vector<16xf32>
      %broadcast_in_dim3A_318 = vector.broadcast %jit3A_316 : f32 to vector<16xf32>
      %select_n3A_319 = arith.select %lt3A_314, %broadcast_in_dim3A_317, %broadcast_in_dim3A_318 : vector<16xi1>, vector<16xf32>
      %add3A_320 = arith.addf %sub3A_311, %select_n3A_319 : vector<16xf32>
      tpu.vector_store_idx %arg15[%add3A_257], %add3A_320 : memref<4096xf32, #tpu.memory_space<vmem>>[vector<16xi32>], vector<16xf32>,
      %gather3A_321 = tpu.vector_load_idx %arg5[%while3A_252#3] : memref<4096xf32, #tpu.memory_space<vmem>>[vector<16xi32>], vector<16xf32>,
      %sub3A_322 = arith.subf %gather3A_57, %gather3A_321 : vector<16xf32>
      %gt3A_323 = arith.constant 5.000000e-01 : f32
      %gt3A_324 = vector.broadcast %gt3A_323 : f32 to vector<16xf32>
      %gt3A_325 = arith.cmpf ogt, %sub3A_322, %gt3A_324 : vector<16xf32>
      %jit3A_326 = arith.constant 1.000000e+00 : f32
      %jit3A_327 = arith.constant 0.000000e+00 : f32
      %broadcast_in_dim3A_328 = vector.broadcast %jit3A_326 : f32 to vector<16xf32>
      %broadcast_in_dim3A_329 = vector.broadcast %jit3A_327 : f32 to vector<16xf32>
      %select_n3A_330 = arith.select %gt3A_325, %broadcast_in_dim3A_328, %broadcast_in_dim3A_329 : vector<16xi1>, vector<16xf32>
      %sub3A_331 = arith.subf %sub3A_322, %select_n3A_330 : vector<16xf32>
      %lt3A_332 = arith.constant -5.000000e-01 : f32
      %lt3A_333 = vector.broadcast %lt3A_332 : f32 to vector<16xf32>
      %lt3A_334 = arith.cmpf olt, %sub3A_322, %lt3A_333 : vector<16xf32>
      %jit3A_335 = arith.constant 1.000000e+00 : f32
      %jit3A_336 = arith.constant 0.000000e+00 : f32
      %broadcast_in_dim3A_337 = vector.broadcast %jit3A_335 : f32 to vector<16xf32>
      %broadcast_in_dim3A_338 = vector.broadcast %jit3A_336 : f32 to vector<16xf32>
      %select_n3A_339 = arith.select %lt3A_334, %broadcast_in_dim3A_337, %broadcast_in_dim3A_338 : vector<16xi1>, vector<16xf32>
      %add3A_340 = arith.addf %sub3A_331, %select_n3A_339 : vector<16xf32>
      tpu.vector_store_idx %arg15[%add3A_260], %add3A_340 : memref<4096xf32, #tpu.memory_space<vmem>>[vector<16xi32>], vector<16xf32>,
      %gather3A_341 = tpu.vector_load_idx %arg6[%while3A_252#1] : memref<4096xf32, #tpu.memory_space<vmem>>[vector<16xi32>], vector<16xf32>,
      %sub3A_342 = arith.subf %gather3A_58, %gather3A_341 : vector<16xf32>
      %gt3A_343 = arith.constant 5.000000e-01 : f32
      %gt3A_344 = vector.broadcast %gt3A_343 : f32 to vector<16xf32>
      %gt3A_345 = arith.cmpf ogt, %sub3A_342, %gt3A_344 : vector<16xf32>
      %jit3A_346 = arith.constant 1.000000e+00 : f32
      %jit3A_347 = arith.constant 0.000000e+00 : f32
      %broadcast_in_dim3A_348 = vector.broadcast %jit3A_346 : f32 to vector<16xf32>
      %broadcast_in_dim3A_349 = vector.broadcast %jit3A_347 : f32 to vector<16xf32>
      %select_n3A_350 = arith.select %gt3A_345, %broadcast_in_dim3A_348, %broadcast_in_dim3A_349 : vector<16xi1>, vector<16xf32>
      %sub3A_351 = arith.subf %sub3A_342, %select_n3A_350 : vector<16xf32>
      %lt3A_352 = arith.constant -5.000000e-01 : f32
      %lt3A_353 = vector.broadcast %lt3A_352 : f32 to vector<16xf32>
      %lt3A_354 = arith.cmpf olt, %sub3A_342, %lt3A_353 : vector<16xf32>
      %jit3A_355 = arith.constant 1.000000e+00 : f32
      %jit3A_356 = arith.constant 0.000000e+00 : f32
      %broadcast_in_dim3A_357 = vector.broadcast %jit3A_355 : f32 to vector<16xf32>
      %broadcast_in_dim3A_358 = vector.broadcast %jit3A_356 : f32 to vector<16xf32>
      %select_n3A_359 = arith.select %lt3A_354, %broadcast_in_dim3A_357, %broadcast_in_dim3A_358 : vector<16xi1>, vector<16xf32>
      %add3A_360 = arith.addf %sub3A_351, %select_n3A_359 : vector<16xf32>
      tpu.vector_store_idx %arg16[%add3A_257], %add3A_360 : memref<4096xf32, #tpu.memory_space<vmem>>[vector<16xi32>], vector<16xf32>,
      %gather3A_361 = tpu.vector_load_idx %arg6[%while3A_252#3] : memref<4096xf32, #tpu.memory_space<vmem>>[vector<16xi32>], vector<16xf32>,
      %sub3A_362 = arith.subf %gather3A_58, %gather3A_361 : vector<16xf32>
      %gt3A_363 = arith.constant 5.000000e-01 : f32
      %gt3A_364 = vector.broadcast %gt3A_363 : f32 to vector<16xf32>
      %gt3A_365 = arith.cmpf ogt, %sub3A_362, %gt3A_364 : vector<16xf32>
      %jit3A_366 = arith.constant 1.000000e+00 : f32
      %jit3A_367 = arith.constant 0.000000e+00 : f32
      %broadcast_in_dim3A_368 = vector.broadcast %jit3A_366 : f32 to vector<16xf32>
      %broadcast_in_dim3A_369 = vector.broadcast %jit3A_367 : f32 to vector<16xf32>
      %select_n3A_370 = arith.select %gt3A_365, %broadcast_in_dim3A_368, %broadcast_in_dim3A_369 : vector<16xi1>, vector<16xf32>
      %sub3A_371 = arith.subf %sub3A_362, %select_n3A_370 : vector<16xf32>
      %lt3A_372 = arith.constant -5.000000e-01 : f32
      %lt3A_373 = vector.broadcast %lt3A_372 : f32 to vector<16xf32>
      %lt3A_374 = arith.cmpf olt, %sub3A_362, %lt3A_373 : vector<16xf32>
      %jit3A_375 = arith.constant 1.000000e+00 : f32
      %jit3A_376 = arith.constant 0.000000e+00 : f32
      %broadcast_in_dim3A_377 = vector.broadcast %jit3A_375 : f32 to vector<16xf32>
      %broadcast_in_dim3A_378 = vector.broadcast %jit3A_376 : f32 to vector<16xf32>
      %select_n3A_379 = arith.select %lt3A_374, %broadcast_in_dim3A_377, %broadcast_in_dim3A_378 : vector<16xi1>, vector<16xf32>
      %add3A_380 = arith.addf %sub3A_371, %select_n3A_379 : vector<16xf32>
      tpu.vector_store_idx %arg16[%add3A_260], %add3A_380 : memref<4096xf32, #tpu.memory_space<vmem>>[vector<16xi32>], vector<16xf32>,
      %gather3A_381 = tpu.vector_load_idx %arg7[%while3A_252#1] : memref<4096xf32, #tpu.memory_space<vmem>>[vector<16xi32>], vector<16xf32>,
      %sub3A_382 = arith.subf %gather3A_59, %gather3A_381 : vector<16xf32>
      tpu.vector_store_idx %arg17[%add3A_257], %sub3A_382 : memref<4096xf32, #tpu.memory_space<vmem>>[vector<16xi32>], vector<16xf32>,
      %gather3A_383 = tpu.vector_load_idx %arg7[%while3A_252#3] : memref<4096xf32, #tpu.memory_space<vmem>>[vector<16xi32>], vector<16xf32>,
      %sub3A_384 = arith.subf %gather3A_59, %gather3A_383 : vector<16xf32>
      tpu.vector_store_idx %arg17[%add3A_260], %sub3A_384 : memref<4096xf32, #tpu.memory_space<vmem>>[vector<16xi32>], vector<16xf32>,
      %gather3A_385 = tpu.vector_load_idx %arg8[%while3A_252#1] : memref<4096xf32, #tpu.memory_space<vmem>>[vector<16xi32>], vector<16xf32>,
      %sub3A_386 = arith.subf %gather3A_60, %gather3A_385 : vector<16xf32>
      tpu.vector_store_idx %arg18[%add3A_257], %sub3A_386 : memref<4096xf32, #tpu.memory_space<vmem>>[vector<16xi32>], vector<16xf32>,
      %gather3A_387 = tpu.vector_load_idx %arg8[%while3A_252#3] : memref<4096xf32, #tpu.memory_space<vmem>>[vector<16xi32>], vector<16xf32>,
      %sub3A_388 = arith.subf %gather3A_60, %gather3A_387 : vector<16xf32>
      tpu.vector_store_idx %arg18[%add3A_260], %sub3A_388 : memref<4096xf32, #tpu.memory_space<vmem>>[vector<16xi32>], vector<16xf32>,
      %gather3A_389 = tpu.vector_load_idx %arg9[%while3A_252#1] : memref<4096xf32, #tpu.memory_space<vmem>>[vector<16xi32>], vector<16xf32>,
      %sub3A_390 = arith.subf %gather3A_61, %gather3A_389 : vector<16xf32>
      tpu.vector_store_idx %arg19[%add3A_257], %sub3A_390 : memref<4096xf32, #tpu.memory_space<vmem>>[vector<16xi32>], vector<16xf32>,
      %gather3A_391 = tpu.vector_load_idx %arg9[%while3A_252#3] : memref<4096xf32, #tpu.memory_space<vmem>>[vector<16xi32>], vector<16xf32>,
      %sub3A_392 = arith.subf %gather3A_61, %gather3A_391 : vector<16xf32>
      tpu.vector_store_idx %arg19[%add3A_260], %sub3A_392 : memref<4096xf32, #tpu.memory_space<vmem>>[vector<16xi32>], vector<16xf32>,
      %scan3A_393 = arith.constant 0 : i32
      scf.yield %scan3A_393 : i32
    }
    %scan3A_16 = arith.constant 64 : i32
    %mul3A_17 = arith.constant 4096 : i32
    %mul3A_18 = arith.muli %add3A, %mul3A_17 : i32
    %add3A_19 = arith.constant 0 : i32
    %add3A_20 = arith.addi %add3A_19, %mul3A_18 : i32
    "tpu.region"() ({
      %run_scoped3A_41 = tpu.sem_alloc : memref<!tpu.dma_semaphore, #tpu.memory_space<semaphore_mem>>
      %dma_start3A = tpu.memref_slice %arg3[%add3A_20] : memref<786432xf32, #tpu.memory_space<hbm>> -> memref<4096xf32, #tpu.memory_space<hbm>>
      %dma_start3A_42 = tpu.memref_slice %arg3[%add3A_20] : memref<786432xf32, #tpu.memory_space<hbm>> -> memref<4096xf32, #tpu.memory_space<hbm>>
      tpu.enqueue_dma source(%arg14 : memref<4096xf32, #tpu.memory_space<vmem>>) target(%dma_start3A_42 : memref<4096xf32, #tpu.memory_space<hbm>>) target_semaphore(%run_scoped3A_41 : memref<!tpu.dma_semaphore, #tpu.memory_space<semaphore_mem>>)
      %dma_wait3A = tpu.memref_slice %arg3[%add3A_20] : memref<786432xf32, #tpu.memory_space<hbm>> -> memref<4096xf32, #tpu.memory_space<hbm>>
      %dma_wait3A_43 = tpu.memref_slice %arg3[%add3A_20] : memref<786432xf32, #tpu.memory_space<hbm>> -> memref<4096xf32, #tpu.memory_space<hbm>>
      tpu.wait_dma2 semaphore(%run_scoped3A_41 : memref<!tpu.dma_semaphore, #tpu.memory_space<semaphore_mem>>) src(%arg14 : memref<4096xf32, #tpu.memory_space<vmem>>) dst(%dma_wait3A_43 : memref<4096xf32, #tpu.memory_space<hbm>>)
      tpu.yield
    }) : () -> ()
    %mul3A_21 = arith.constant 4096 : i32
    %mul3A_22 = arith.muli %add3A, %mul3A_21 : i32
    %add3A_23 = arith.constant 131072 : i32
    %add3A_24 = arith.addi %add3A_23, %mul3A_22 : i32
    "tpu.region"() ({
      %run_scoped3A_41 = tpu.sem_alloc : memref<!tpu.dma_semaphore, #tpu.memory_space<semaphore_mem>>
      %dma_start3A = tpu.memref_slice %arg3[%add3A_24] : memref<786432xf32, #tpu.memory_space<hbm>> -> memref<4096xf32, #tpu.memory_space<hbm>>
      %dma_start3A_42 = tpu.memref_slice %arg3[%add3A_24] : memref<786432xf32, #tpu.memory_space<hbm>> -> memref<4096xf32, #tpu.memory_space<hbm>>
      tpu.enqueue_dma source(%arg15 : memref<4096xf32, #tpu.memory_space<vmem>>) target(%dma_start3A_42 : memref<4096xf32, #tpu.memory_space<hbm>>) target_semaphore(%run_scoped3A_41 : memref<!tpu.dma_semaphore, #tpu.memory_space<semaphore_mem>>)
      %dma_wait3A = tpu.memref_slice %arg3[%add3A_24] : memref<786432xf32, #tpu.memory_space<hbm>> -> memref<4096xf32, #tpu.memory_space<hbm>>
      %dma_wait3A_43 = tpu.memref_slice %arg3[%add3A_24] : memref<786432xf32, #tpu.memory_space<hbm>> -> memref<4096xf32, #tpu.memory_space<hbm>>
      tpu.wait_dma2 semaphore(%run_scoped3A_41 : memref<!tpu.dma_semaphore, #tpu.memory_space<semaphore_mem>>) src(%arg15 : memref<4096xf32, #tpu.memory_space<vmem>>) dst(%dma_wait3A_43 : memref<4096xf32, #tpu.memory_space<hbm>>)
      tpu.yield
    }) : () -> ()
    %mul3A_25 = arith.constant 4096 : i32
    %mul3A_26 = arith.muli %add3A, %mul3A_25 : i32
    %add3A_27 = arith.constant 262144 : i32
    %add3A_28 = arith.addi %add3A_27, %mul3A_26 : i32
    "tpu.region"() ({
      %run_scoped3A_41 = tpu.sem_alloc : memref<!tpu.dma_semaphore, #tpu.memory_space<semaphore_mem>>
      %dma_start3A = tpu.memref_slice %arg3[%add3A_28] : memref<786432xf32, #tpu.memory_space<hbm>> -> memref<4096xf32, #tpu.memory_space<hbm>>
      %dma_start3A_42 = tpu.memref_slice %arg3[%add3A_28] : memref<786432xf32, #tpu.memory_space<hbm>> -> memref<4096xf32, #tpu.memory_space<hbm>>
      tpu.enqueue_dma source(%arg16 : memref<4096xf32, #tpu.memory_space<vmem>>) target(%dma_start3A_42 : memref<4096xf32, #tpu.memory_space<hbm>>) target_semaphore(%run_scoped3A_41 : memref<!tpu.dma_semaphore, #tpu.memory_space<semaphore_mem>>)
      %dma_wait3A = tpu.memref_slice %arg3[%add3A_28] : memref<786432xf32, #tpu.memory_space<hbm>> -> memref<4096xf32, #tpu.memory_space<hbm>>
      %dma_wait3A_43 = tpu.memref_slice %arg3[%add3A_28] : memref<786432xf32, #tpu.memory_space<hbm>> -> memref<4096xf32, #tpu.memory_space<hbm>>
      tpu.wait_dma2 semaphore(%run_scoped3A_41 : memref<!tpu.dma_semaphore, #tpu.memory_space<semaphore_mem>>) src(%arg16 : memref<4096xf32, #tpu.memory_space<vmem>>) dst(%dma_wait3A_43 : memref<4096xf32, #tpu.memory_space<hbm>>)
      tpu.yield
    }) : () -> ()
    %mul3A_29 = arith.constant 4096 : i32
    %mul3A_30 = arith.muli %add3A, %mul3A_29 : i32
    %add3A_31 = arith.constant 393216 : i32
    %add3A_32 = arith.addi %add3A_31, %mul3A_30 : i32
    "tpu.region"() ({
      %run_scoped3A_41 = tpu.sem_alloc : memref<!tpu.dma_semaphore, #tpu.memory_space<semaphore_mem>>
      %dma_start3A = tpu.memref_slice %arg3[%add3A_32] : memref<786432xf32, #tpu.memory_space<hbm>> -> memref<4096xf32, #tpu.memory_space<hbm>>
      %dma_start3A_42 = tpu.memref_slice %arg3[%add3A_32] : memref<786432xf32, #tpu.memory_space<hbm>> -> memref<4096xf32, #tpu.memory_space<hbm>>
      tpu.enqueue_dma source(%arg17 : memref<4096xf32, #tpu.memory_space<vmem>>) target(%dma_start3A_42 : memref<4096xf32, #tpu.memory_space<hbm>>) target_semaphore(%run_scoped3A_41 : memref<!tpu.dma_semaphore, #tpu.memory_space<semaphore_mem>>)
      %dma_wait3A = tpu.memref_slice %arg3[%add3A_32] : memref<786432xf32, #tpu.memory_space<hbm>> -> memref<4096xf32, #tpu.memory_space<hbm>>
      %dma_wait3A_43 = tpu.memref_slice %arg3[%add3A_32] : memref<786432xf32, #tpu.memory_space<hbm>> -> memref<4096xf32, #tpu.memory_space<hbm>>
      tpu.wait_dma2 semaphore(%run_scoped3A_41 : memref<!tpu.dma_semaphore, #tpu.memory_space<semaphore_mem>>) src(%arg17 : memref<4096xf32, #tpu.memory_space<vmem>>) dst(%dma_wait3A_43 : memref<4096xf32, #tpu.memory_space<hbm>>)
      tpu.yield
    }) : () -> ()
    %mul3A_33 = arith.constant 4096 : i32
    %mul3A_34 = arith.muli %add3A, %mul3A_33 : i32
    %add3A_35 = arith.constant 524288 : i32
    %add3A_36 = arith.addi %add3A_35, %mul3A_34 : i32
    "tpu.region"() ({
      %run_scoped3A_41 = tpu.sem_alloc : memref<!tpu.dma_semaphore, #tpu.memory_space<semaphore_mem>>
      %dma_start3A = tpu.memref_slice %arg3[%add3A_36] : memref<786432xf32, #tpu.memory_space<hbm>> -> memref<4096xf32, #tpu.memory_space<hbm>>
      %dma_start3A_42 = tpu.memref_slice %arg3[%add3A_36] : memref<786432xf32, #tpu.memory_space<hbm>> -> memref<4096xf32, #tpu.memory_space<hbm>>
      tpu.enqueue_dma source(%arg18 : memref<4096xf32, #tpu.memory_space<vmem>>) target(%dma_start3A_42 : memref<4096xf32, #tpu.memory_space<hbm>>) target_semaphore(%run_scoped3A_41 : memref<!tpu.dma_semaphore, #tpu.memory_space<semaphore_mem>>)
      %dma_wait3A = tpu.memref_slice %arg3[%add3A_36] : memref<786432xf32, #tpu.memory_space<hbm>> -> memref<4096xf32, #tpu.memory_space<hbm>>
      %dma_wait3A_43 = tpu.memref_slice %arg3[%add3A_36] : memref<786432xf32, #tpu.memory_space<hbm>> -> memref<4096xf32, #tpu.memory_space<hbm>>
      tpu.wait_dma2 semaphore(%run_scoped3A_41 : memref<!tpu.dma_semaphore, #tpu.memory_space<semaphore_mem>>) src(%arg18 : memref<4096xf32, #tpu.memory_space<vmem>>) dst(%dma_wait3A_43 : memref<4096xf32, #tpu.memory_space<hbm>>)
      tpu.yield
    }) : () -> ()
    %mul3A_37 = arith.constant 4096 : i32
    %mul3A_38 = arith.muli %add3A, %mul3A_37 : i32
    %add3A_39 = arith.constant 655360 : i32
    %add3A_40 = arith.addi %add3A_39, %mul3A_38 : i32
    "tpu.region"() ({
      %run_scoped3A_41 = tpu.sem_alloc : memref<!tpu.dma_semaphore, #tpu.memory_space<semaphore_mem>>
      %dma_start3A = tpu.memref_slice %arg3[%add3A_40] : memref<786432xf32, #tpu.memory_space<hbm>> -> memref<4096xf32, #tpu.memory_space<hbm>>
      %dma_start3A_42 = tpu.memref_slice %arg3[%add3A_40] : memref<786432xf32, #tpu.memory_space<hbm>> -> memref<4096xf32, #tpu.memory_space<hbm>>
      tpu.enqueue_dma source(%arg19 : memref<4096xf32, #tpu.memory_space<vmem>>) target(%dma_start3A_42 : memref<4096xf32, #tpu.memory_space<hbm>>) target_semaphore(%run_scoped3A_41 : memref<!tpu.dma_semaphore, #tpu.memory_space<semaphore_mem>>)
      %dma_wait3A = tpu.memref_slice %arg3[%add3A_40] : memref<786432xf32, #tpu.memory_space<hbm>> -> memref<4096xf32, #tpu.memory_space<hbm>>
      %dma_wait3A_43 = tpu.memref_slice %arg3[%add3A_40] : memref<786432xf32, #tpu.memory_space<hbm>> -> memref<4096xf32, #tpu.memory_space<hbm>>
      tpu.wait_dma2 semaphore(%run_scoped3A_41 : memref<!tpu.dma_semaphore, #tpu.memory_space<semaphore_mem>>) src(%arg19 : memref<4096xf32, #tpu.memory_space<vmem>>) dst(%dma_wait3A_43 : memref<4096xf32, #tpu.memory_space<hbm>>)
      tpu.yield
    }) : () -> ()
    return
  }
}

module attributes {stable_mosaic.version = 14 : i64} {
  func.func @_mlp_body(%arg0: i32, %arg1: memref<6x16384xf32, #tpu.memory_space<vmem>>, %arg2: memref<64x6xf32, #tpu.memory_space<vmem>>, %arg3: memref<64x1xf32, #tpu.memory_space<vmem>>, %arg4: memref<64x64xf32, #tpu.memory_space<vmem>>, %arg5: memref<64x1xf32, #tpu.memory_space<vmem>>, %arg6: memref<64x64xf32, #tpu.memory_space<vmem>>, %arg7: memref<64x1xf32, #tpu.memory_space<vmem>>, %arg8: memref<64x64xf32, #tpu.memory_space<vmem>>, %arg9: memref<64x64xf32, #tpu.memory_space<vmem>>, %arg10: memref<64x3xf32, #tpu.memory_space<vmem>>, %arg11: memref<512x3xf32, #tpu.memory_space<vmem>>) attributes {dimension_semantics = [#tpu.dimension_semantics<arbitrary>], iteration_bounds = array<i64: 8>, scalar_prefetch = 0 : i64, scratch_operands = 0 : i64, tpu.core_type = #tpu.core_type<tc>, window_params = [{transform_indices = @transform_0, window_bounds = array<i64: 6, 16384>}, {pipeline_mode = #tpu.pipeline_mode<synchronous>, transform_indices = @transform_1, window_bounds = array<i64: 64, 6>}, {pipeline_mode = #tpu.pipeline_mode<synchronous>, transform_indices = @transform_2, window_bounds = array<i64: 64, 1>}, {pipeline_mode = #tpu.pipeline_mode<synchronous>, transform_indices = @transform_3, window_bounds = array<i64: 64, 64>}, {pipeline_mode = #tpu.pipeline_mode<synchronous>, transform_indices = @transform_4, window_bounds = array<i64: 64, 1>}, {pipeline_mode = #tpu.pipeline_mode<synchronous>, transform_indices = @transform_5, window_bounds = array<i64: 64, 64>}, {pipeline_mode = #tpu.pipeline_mode<synchronous>, transform_indices = @transform_6, window_bounds = array<i64: 64, 1>}, {pipeline_mode = #tpu.pipeline_mode<synchronous>, transform_indices = @transform_7, window_bounds = array<i64: 64, 64>}, {pipeline_mode = #tpu.pipeline_mode<synchronous>, transform_indices = @transform_8, window_bounds = array<i64: 64, 64>}, {pipeline_mode = #tpu.pipeline_mode<synchronous>, transform_indices = @transform_9, window_bounds = array<i64: 64, 3>}, {transform_indices = @transform_10, window_bounds = array<i64: 512, 3>}]} {
    %get3A = arith.constant 0 : index
    %get3A_0 = arith.constant 0 : index
    %get3A_1 = vector.load %arg1[%get3A, %get3A_0] : memref<6x16384xf32, #tpu.memory_space<vmem>>, vector<6x16384xf32>
    %get3A_2 = arith.constant 0 : index
    %get3A_3 = arith.constant 0 : index
    %get3A_4 = vector.load %arg2[%get3A_2, %get3A_3] : memref<64x6xf32, #tpu.memory_space<vmem>>, vector<64x6xf32>
    %dot_general3A = arith.constant dense<0.000000e+00> : vector<64x16384xf32>
    %dot_general3A_5 = tpu.matmul %get3A_4, %get3A_1, %dot_general3A {dimension_numbers = #tpu.dot_dimension_numbers<[1], [0], [0], [1], [0, 0, 1, 1], [], []>, transpose_lhs_hint = false} : vector<64x6xf32>, vector<6x16384xf32>, vector<64x16384xf32> -> vector<64x16384xf32>
    %get3A_6 = arith.constant 0 : index
    %get3A_7 = arith.constant 0 : index
    %get3A_8 = vector.load %arg3[%get3A_6, %get3A_7] : memref<64x1xf32, #tpu.memory_space<vmem>>, vector<64x1xf32>
    %add3A = vector.broadcast %get3A_8 : vector<64x1xf32> to vector<64x16384xf32>
    %add3A_9 = arith.addf %dot_general3A_5, %add3A : vector<64x16384xf32>
    %integer_pow3A = arith.mulf %add3A_9, %add3A_9 : vector<64x16384xf32>
    %integer_pow3A_10 = arith.mulf %add3A_9, %integer_pow3A : vector<64x16384xf32>
    %mul3A = arith.constant 4.471500e-02 : f32
    %mul3A_11 = vector.broadcast %mul3A : f32 to vector<64x16384xf32>
    %mul3A_12 = arith.mulf %mul3A_11, %integer_pow3A_10 : vector<64x16384xf32>
    %add3A_13 = arith.addf %add3A_9, %mul3A_12 : vector<64x16384xf32>
    %mul3A_14 = arith.constant 0.797884583 : f32
    %mul3A_15 = vector.broadcast %mul3A_14 : f32 to vector<64x16384xf32>
    %mul3A_16 = arith.mulf %mul3A_15, %add3A_13 : vector<64x16384xf32>
    %tanh3A = math.tanh %mul3A_16 : vector<64x16384xf32>
    %add3A_17 = arith.constant 1.000000e+00 : f32
    %add3A_18 = vector.broadcast %add3A_17 : f32 to vector<64x16384xf32>
    %add3A_19 = arith.addf %add3A_18, %tanh3A : vector<64x16384xf32>
    %mul3A_20 = arith.constant 5.000000e-01 : f32
    %mul3A_21 = vector.broadcast %mul3A_20 : f32 to vector<64x16384xf32>
    %mul3A_22 = arith.mulf %mul3A_21, %add3A_19 : vector<64x16384xf32>
    %mul3A_23 = arith.mulf %add3A_9, %mul3A_22 : vector<64x16384xf32>
    %get3A_24 = arith.constant 0 : index
    %get3A_25 = arith.constant 0 : index
    %get3A_26 = vector.load %arg4[%get3A_24, %get3A_25] : memref<64x64xf32, #tpu.memory_space<vmem>>, vector<64x64xf32>
    %dot_general3A_27 = arith.constant dense<0.000000e+00> : vector<64x16384xf32>
    %dot_general3A_28 = tpu.matmul %get3A_26, %mul3A_23, %dot_general3A_27 {dimension_numbers = #tpu.dot_dimension_numbers<[1], [0], [0], [1], [0, 0, 1, 1], [], []>, transpose_lhs_hint = false} : vector<64x64xf32>, vector<64x16384xf32>, vector<64x16384xf32> -> vector<64x16384xf32>
    %get3A_29 = arith.constant 0 : index
    %get3A_30 = arith.constant 0 : index
    %get3A_31 = vector.load %arg5[%get3A_29, %get3A_30] : memref<64x1xf32, #tpu.memory_space<vmem>>, vector<64x1xf32>
    %add3A_32 = vector.broadcast %get3A_31 : vector<64x1xf32> to vector<64x16384xf32>
    %add3A_33 = arith.addf %dot_general3A_28, %add3A_32 : vector<64x16384xf32>
    %integer_pow3A_34 = arith.mulf %add3A_33, %add3A_33 : vector<64x16384xf32>
    %integer_pow3A_35 = arith.mulf %add3A_33, %integer_pow3A_34 : vector<64x16384xf32>
    %mul3A_36 = arith.constant 4.471500e-02 : f32
    %mul3A_37 = vector.broadcast %mul3A_36 : f32 to vector<64x16384xf32>
    %mul3A_38 = arith.mulf %mul3A_37, %integer_pow3A_35 : vector<64x16384xf32>
    %add3A_39 = arith.addf %add3A_33, %mul3A_38 : vector<64x16384xf32>
    %mul3A_40 = arith.constant 0.797884583 : f32
    %mul3A_41 = vector.broadcast %mul3A_40 : f32 to vector<64x16384xf32>
    %mul3A_42 = arith.mulf %mul3A_41, %add3A_39 : vector<64x16384xf32>
    %tanh3A_43 = math.tanh %mul3A_42 : vector<64x16384xf32>
    %add3A_44 = arith.constant 1.000000e+00 : f32
    %add3A_45 = vector.broadcast %add3A_44 : f32 to vector<64x16384xf32>
    %add3A_46 = arith.addf %add3A_45, %tanh3A_43 : vector<64x16384xf32>
    %mul3A_47 = arith.constant 5.000000e-01 : f32
    %mul3A_48 = vector.broadcast %mul3A_47 : f32 to vector<64x16384xf32>
    %mul3A_49 = arith.mulf %mul3A_48, %add3A_46 : vector<64x16384xf32>
    %mul3A_50 = arith.mulf %add3A_33, %mul3A_49 : vector<64x16384xf32>
    %get3A_51 = arith.constant 0 : index
    %get3A_52 = arith.constant 0 : index
    %get3A_53 = vector.load %arg6[%get3A_51, %get3A_52] : memref<64x64xf32, #tpu.memory_space<vmem>>, vector<64x64xf32>
    %dot_general3A_54 = arith.constant dense<0.000000e+00> : vector<64x16384xf32>
    %dot_general3A_55 = tpu.matmul %get3A_53, %mul3A_50, %dot_general3A_54 {dimension_numbers = #tpu.dot_dimension_numbers<[1], [0], [0], [1], [0, 0, 1, 1], [], []>, transpose_lhs_hint = false} : vector<64x64xf32>, vector<64x16384xf32>, vector<64x16384xf32> -> vector<64x16384xf32>
    %slice3A = vector.extract_strided_slice %dot_general3A_55 {offsets = [0, 0], sizes = [64, 128], strides = [1, 1]} : vector<64x16384xf32> to vector<64x128xf32>
    %slice3A_56 = vector.extract_strided_slice %dot_general3A_55 {offsets = [0, 128], sizes = [64, 128], strides = [1, 1]} : vector<64x16384xf32> to vector<64x128xf32>
    %add3A_57 = arith.addf %slice3A, %slice3A_56 : vector<64x128xf32>
    %slice3A_58 = vector.extract_strided_slice %dot_general3A_55 {offsets = [0, 256], sizes = [64, 128], strides = [1, 1]} : vector<64x16384xf32> to vector<64x128xf32>
    %add3A_59 = arith.addf %add3A_57, %slice3A_58 : vector<64x128xf32>
    %slice3A_60 = vector.extract_strided_slice %dot_general3A_55 {offsets = [0, 384], sizes = [64, 128], strides = [1, 1]} : vector<64x16384xf32> to vector<64x128xf32>
    %add3A_61 = arith.addf %add3A_59, %slice3A_60 : vector<64x128xf32>
    %slice3A_62 = vector.extract_strided_slice %dot_general3A_55 {offsets = [0, 512], sizes = [64, 128], strides = [1, 1]} : vector<64x16384xf32> to vector<64x128xf32>
    %add3A_63 = arith.addf %add3A_61, %slice3A_62 : vector<64x128xf32>
    %slice3A_64 = vector.extract_strided_slice %dot_general3A_55 {offsets = [0, 640], sizes = [64, 128], strides = [1, 1]} : vector<64x16384xf32> to vector<64x128xf32>
    %add3A_65 = arith.addf %add3A_63, %slice3A_64 : vector<64x128xf32>
    %slice3A_66 = vector.extract_strided_slice %dot_general3A_55 {offsets = [0, 768], sizes = [64, 128], strides = [1, 1]} : vector<64x16384xf32> to vector<64x128xf32>
    %add3A_67 = arith.addf %add3A_65, %slice3A_66 : vector<64x128xf32>
    %slice3A_68 = vector.extract_strided_slice %dot_general3A_55 {offsets = [0, 896], sizes = [64, 128], strides = [1, 1]} : vector<64x16384xf32> to vector<64x128xf32>
    %add3A_69 = arith.addf %add3A_67, %slice3A_68 : vector<64x128xf32>
    %slice3A_70 = vector.extract_strided_slice %dot_general3A_55 {offsets = [0, 1024], sizes = [64, 128], strides = [1, 1]} : vector<64x16384xf32> to vector<64x128xf32>
    %add3A_71 = arith.addf %add3A_69, %slice3A_70 : vector<64x128xf32>
    %slice3A_72 = vector.extract_strided_slice %dot_general3A_55 {offsets = [0, 1152], sizes = [64, 128], strides = [1, 1]} : vector<64x16384xf32> to vector<64x128xf32>
    %add3A_73 = arith.addf %add3A_71, %slice3A_72 : vector<64x128xf32>
    %slice3A_74 = vector.extract_strided_slice %dot_general3A_55 {offsets = [0, 1280], sizes = [64, 128], strides = [1, 1]} : vector<64x16384xf32> to vector<64x128xf32>
    %add3A_75 = arith.addf %add3A_73, %slice3A_74 : vector<64x128xf32>
    %slice3A_76 = vector.extract_strided_slice %dot_general3A_55 {offsets = [0, 1408], sizes = [64, 128], strides = [1, 1]} : vector<64x16384xf32> to vector<64x128xf32>
    %add3A_77 = arith.addf %add3A_75, %slice3A_76 : vector<64x128xf32>
    %slice3A_78 = vector.extract_strided_slice %dot_general3A_55 {offsets = [0, 1536], sizes = [64, 128], strides = [1, 1]} : vector<64x16384xf32> to vector<64x128xf32>
    %add3A_79 = arith.addf %add3A_77, %slice3A_78 : vector<64x128xf32>
    %slice3A_80 = vector.extract_strided_slice %dot_general3A_55 {offsets = [0, 1664], sizes = [64, 128], strides = [1, 1]} : vector<64x16384xf32> to vector<64x128xf32>
    %add3A_81 = arith.addf %add3A_79, %slice3A_80 : vector<64x128xf32>
    %slice3A_82 = vector.extract_strided_slice %dot_general3A_55 {offsets = [0, 1792], sizes = [64, 128], strides = [1, 1]} : vector<64x16384xf32> to vector<64x128xf32>
    %add3A_83 = arith.addf %add3A_81, %slice3A_82 : vector<64x128xf32>
    %slice3A_84 = vector.extract_strided_slice %dot_general3A_55 {offsets = [0, 1920], sizes = [64, 128], strides = [1, 1]} : vector<64x16384xf32> to vector<64x128xf32>
    %add3A_85 = arith.addf %add3A_83, %slice3A_84 : vector<64x128xf32>
    %slice3A_86 = vector.extract_strided_slice %dot_general3A_55 {offsets = [0, 2048], sizes = [64, 128], strides = [1, 1]} : vector<64x16384xf32> to vector<64x128xf32>
    %add3A_87 = arith.addf %add3A_85, %slice3A_86 : vector<64x128xf32>
    %slice3A_88 = vector.extract_strided_slice %dot_general3A_55 {offsets = [0, 2176], sizes = [64, 128], strides = [1, 1]} : vector<64x16384xf32> to vector<64x128xf32>
    %add3A_89 = arith.addf %add3A_87, %slice3A_88 : vector<64x128xf32>
    %slice3A_90 = vector.extract_strided_slice %dot_general3A_55 {offsets = [0, 2304], sizes = [64, 128], strides = [1, 1]} : vector<64x16384xf32> to vector<64x128xf32>
    %add3A_91 = arith.addf %add3A_89, %slice3A_90 : vector<64x128xf32>
    %slice3A_92 = vector.extract_strided_slice %dot_general3A_55 {offsets = [0, 2432], sizes = [64, 128], strides = [1, 1]} : vector<64x16384xf32> to vector<64x128xf32>
    %add3A_93 = arith.addf %add3A_91, %slice3A_92 : vector<64x128xf32>
    %slice3A_94 = vector.extract_strided_slice %dot_general3A_55 {offsets = [0, 2560], sizes = [64, 128], strides = [1, 1]} : vector<64x16384xf32> to vector<64x128xf32>
    %add3A_95 = arith.addf %add3A_93, %slice3A_94 : vector<64x128xf32>
    %slice3A_96 = vector.extract_strided_slice %dot_general3A_55 {offsets = [0, 2688], sizes = [64, 128], strides = [1, 1]} : vector<64x16384xf32> to vector<64x128xf32>
    %add3A_97 = arith.addf %add3A_95, %slice3A_96 : vector<64x128xf32>
    %slice3A_98 = vector.extract_strided_slice %dot_general3A_55 {offsets = [0, 2816], sizes = [64, 128], strides = [1, 1]} : vector<64x16384xf32> to vector<64x128xf32>
    %add3A_99 = arith.addf %add3A_97, %slice3A_98 : vector<64x128xf32>
    %slice3A_100 = vector.extract_strided_slice %dot_general3A_55 {offsets = [0, 2944], sizes = [64, 128], strides = [1, 1]} : vector<64x16384xf32> to vector<64x128xf32>
    %add3A_101 = arith.addf %add3A_99, %slice3A_100 : vector<64x128xf32>
    %slice3A_102 = vector.extract_strided_slice %dot_general3A_55 {offsets = [0, 3072], sizes = [64, 128], strides = [1, 1]} : vector<64x16384xf32> to vector<64x128xf32>
    %add3A_103 = arith.addf %add3A_101, %slice3A_102 : vector<64x128xf32>
    %slice3A_104 = vector.extract_strided_slice %dot_general3A_55 {offsets = [0, 3200], sizes = [64, 128], strides = [1, 1]} : vector<64x16384xf32> to vector<64x128xf32>
    %add3A_105 = arith.addf %add3A_103, %slice3A_104 : vector<64x128xf32>
    %slice3A_106 = vector.extract_strided_slice %dot_general3A_55 {offsets = [0, 3328], sizes = [64, 128], strides = [1, 1]} : vector<64x16384xf32> to vector<64x128xf32>
    %add3A_107 = arith.addf %add3A_105, %slice3A_106 : vector<64x128xf32>
    %slice3A_108 = vector.extract_strided_slice %dot_general3A_55 {offsets = [0, 3456], sizes = [64, 128], strides = [1, 1]} : vector<64x16384xf32> to vector<64x128xf32>
    %add3A_109 = arith.addf %add3A_107, %slice3A_108 : vector<64x128xf32>
    %slice3A_110 = vector.extract_strided_slice %dot_general3A_55 {offsets = [0, 3584], sizes = [64, 128], strides = [1, 1]} : vector<64x16384xf32> to vector<64x128xf32>
    %add3A_111 = arith.addf %add3A_109, %slice3A_110 : vector<64x128xf32>
    %slice3A_112 = vector.extract_strided_slice %dot_general3A_55 {offsets = [0, 3712], sizes = [64, 128], strides = [1, 1]} : vector<64x16384xf32> to vector<64x128xf32>
    %add3A_113 = arith.addf %add3A_111, %slice3A_112 : vector<64x128xf32>
    %slice3A_114 = vector.extract_strided_slice %dot_general3A_55 {offsets = [0, 3840], sizes = [64, 128], strides = [1, 1]} : vector<64x16384xf32> to vector<64x128xf32>
    %add3A_115 = arith.addf %add3A_113, %slice3A_114 : vector<64x128xf32>
    %slice3A_116 = vector.extract_strided_slice %dot_general3A_55 {offsets = [0, 3968], sizes = [64, 128], strides = [1, 1]} : vector<64x16384xf32> to vector<64x128xf32>
    %add3A_117 = arith.addf %add3A_115, %slice3A_116 : vector<64x128xf32>
    %slice3A_118 = vector.extract_strided_slice %dot_general3A_55 {offsets = [0, 4096], sizes = [64, 128], strides = [1, 1]} : vector<64x16384xf32> to vector<64x128xf32>
    %slice3A_119 = vector.extract_strided_slice %dot_general3A_55 {offsets = [0, 4224], sizes = [64, 128], strides = [1, 1]} : vector<64x16384xf32> to vector<64x128xf32>
    %add3A_120 = arith.addf %slice3A_118, %slice3A_119 : vector<64x128xf32>
    %slice3A_121 = vector.extract_strided_slice %dot_general3A_55 {offsets = [0, 4352], sizes = [64, 128], strides = [1, 1]} : vector<64x16384xf32> to vector<64x128xf32>
    %add3A_122 = arith.addf %add3A_120, %slice3A_121 : vector<64x128xf32>
    %slice3A_123 = vector.extract_strided_slice %dot_general3A_55 {offsets = [0, 4480], sizes = [64, 128], strides = [1, 1]} : vector<64x16384xf32> to vector<64x128xf32>
    %add3A_124 = arith.addf %add3A_122, %slice3A_123 : vector<64x128xf32>
    %slice3A_125 = vector.extract_strided_slice %dot_general3A_55 {offsets = [0, 4608], sizes = [64, 128], strides = [1, 1]} : vector<64x16384xf32> to vector<64x128xf32>
    %add3A_126 = arith.addf %add3A_124, %slice3A_125 : vector<64x128xf32>
    %slice3A_127 = vector.extract_strided_slice %dot_general3A_55 {offsets = [0, 4736], sizes = [64, 128], strides = [1, 1]} : vector<64x16384xf32> to vector<64x128xf32>
    %add3A_128 = arith.addf %add3A_126, %slice3A_127 : vector<64x128xf32>
    %slice3A_129 = vector.extract_strided_slice %dot_general3A_55 {offsets = [0, 4864], sizes = [64, 128], strides = [1, 1]} : vector<64x16384xf32> to vector<64x128xf32>
    %add3A_130 = arith.addf %add3A_128, %slice3A_129 : vector<64x128xf32>
    %slice3A_131 = vector.extract_strided_slice %dot_general3A_55 {offsets = [0, 4992], sizes = [64, 128], strides = [1, 1]} : vector<64x16384xf32> to vector<64x128xf32>
    %add3A_132 = arith.addf %add3A_130, %slice3A_131 : vector<64x128xf32>
    %slice3A_133 = vector.extract_strided_slice %dot_general3A_55 {offsets = [0, 5120], sizes = [64, 128], strides = [1, 1]} : vector<64x16384xf32> to vector<64x128xf32>
    %add3A_134 = arith.addf %add3A_132, %slice3A_133 : vector<64x128xf32>
    %slice3A_135 = vector.extract_strided_slice %dot_general3A_55 {offsets = [0, 5248], sizes = [64, 128], strides = [1, 1]} : vector<64x16384xf32> to vector<64x128xf32>
    %add3A_136 = arith.addf %add3A_134, %slice3A_135 : vector<64x128xf32>
    %slice3A_137 = vector.extract_strided_slice %dot_general3A_55 {offsets = [0, 5376], sizes = [64, 128], strides = [1, 1]} : vector<64x16384xf32> to vector<64x128xf32>
    %add3A_138 = arith.addf %add3A_136, %slice3A_137 : vector<64x128xf32>
    %slice3A_139 = vector.extract_strided_slice %dot_general3A_55 {offsets = [0, 5504], sizes = [64, 128], strides = [1, 1]} : vector<64x16384xf32> to vector<64x128xf32>
    %add3A_140 = arith.addf %add3A_138, %slice3A_139 : vector<64x128xf32>
    %slice3A_141 = vector.extract_strided_slice %dot_general3A_55 {offsets = [0, 5632], sizes = [64, 128], strides = [1, 1]} : vector<64x16384xf32> to vector<64x128xf32>
    %add3A_142 = arith.addf %add3A_140, %slice3A_141 : vector<64x128xf32>
    %slice3A_143 = vector.extract_strided_slice %dot_general3A_55 {offsets = [0, 5760], sizes = [64, 128], strides = [1, 1]} : vector<64x16384xf32> to vector<64x128xf32>
    %add3A_144 = arith.addf %add3A_142, %slice3A_143 : vector<64x128xf32>
    %slice3A_145 = vector.extract_strided_slice %dot_general3A_55 {offsets = [0, 5888], sizes = [64, 128], strides = [1, 1]} : vector<64x16384xf32> to vector<64x128xf32>
    %add3A_146 = arith.addf %add3A_144, %slice3A_145 : vector<64x128xf32>
    %slice3A_147 = vector.extract_strided_slice %dot_general3A_55 {offsets = [0, 6016], sizes = [64, 128], strides = [1, 1]} : vector<64x16384xf32> to vector<64x128xf32>
    %add3A_148 = arith.addf %add3A_146, %slice3A_147 : vector<64x128xf32>
    %slice3A_149 = vector.extract_strided_slice %dot_general3A_55 {offsets = [0, 6144], sizes = [64, 128], strides = [1, 1]} : vector<64x16384xf32> to vector<64x128xf32>
    %add3A_150 = arith.addf %add3A_148, %slice3A_149 : vector<64x128xf32>
    %slice3A_151 = vector.extract_strided_slice %dot_general3A_55 {offsets = [0, 6272], sizes = [64, 128], strides = [1, 1]} : vector<64x16384xf32> to vector<64x128xf32>
    %add3A_152 = arith.addf %add3A_150, %slice3A_151 : vector<64x128xf32>
    %slice3A_153 = vector.extract_strided_slice %dot_general3A_55 {offsets = [0, 6400], sizes = [64, 128], strides = [1, 1]} : vector<64x16384xf32> to vector<64x128xf32>
    %add3A_154 = arith.addf %add3A_152, %slice3A_153 : vector<64x128xf32>
    %slice3A_155 = vector.extract_strided_slice %dot_general3A_55 {offsets = [0, 6528], sizes = [64, 128], strides = [1, 1]} : vector<64x16384xf32> to vector<64x128xf32>
    %add3A_156 = arith.addf %add3A_154, %slice3A_155 : vector<64x128xf32>
    %slice3A_157 = vector.extract_strided_slice %dot_general3A_55 {offsets = [0, 6656], sizes = [64, 128], strides = [1, 1]} : vector<64x16384xf32> to vector<64x128xf32>
    %add3A_158 = arith.addf %add3A_156, %slice3A_157 : vector<64x128xf32>
    %slice3A_159 = vector.extract_strided_slice %dot_general3A_55 {offsets = [0, 6784], sizes = [64, 128], strides = [1, 1]} : vector<64x16384xf32> to vector<64x128xf32>
    %add3A_160 = arith.addf %add3A_158, %slice3A_159 : vector<64x128xf32>
    %slice3A_161 = vector.extract_strided_slice %dot_general3A_55 {offsets = [0, 6912], sizes = [64, 128], strides = [1, 1]} : vector<64x16384xf32> to vector<64x128xf32>
    %add3A_162 = arith.addf %add3A_160, %slice3A_161 : vector<64x128xf32>
    %slice3A_163 = vector.extract_strided_slice %dot_general3A_55 {offsets = [0, 7040], sizes = [64, 128], strides = [1, 1]} : vector<64x16384xf32> to vector<64x128xf32>
    %add3A_164 = arith.addf %add3A_162, %slice3A_163 : vector<64x128xf32>
    %slice3A_165 = vector.extract_strided_slice %dot_general3A_55 {offsets = [0, 7168], sizes = [64, 128], strides = [1, 1]} : vector<64x16384xf32> to vector<64x128xf32>
    %add3A_166 = arith.addf %add3A_164, %slice3A_165 : vector<64x128xf32>
    %slice3A_167 = vector.extract_strided_slice %dot_general3A_55 {offsets = [0, 7296], sizes = [64, 128], strides = [1, 1]} : vector<64x16384xf32> to vector<64x128xf32>
    %add3A_168 = arith.addf %add3A_166, %slice3A_167 : vector<64x128xf32>
    %slice3A_169 = vector.extract_strided_slice %dot_general3A_55 {offsets = [0, 7424], sizes = [64, 128], strides = [1, 1]} : vector<64x16384xf32> to vector<64x128xf32>
    %add3A_170 = arith.addf %add3A_168, %slice3A_169 : vector<64x128xf32>
    %slice3A_171 = vector.extract_strided_slice %dot_general3A_55 {offsets = [0, 7552], sizes = [64, 128], strides = [1, 1]} : vector<64x16384xf32> to vector<64x128xf32>
    %add3A_172 = arith.addf %add3A_170, %slice3A_171 : vector<64x128xf32>
    %slice3A_173 = vector.extract_strided_slice %dot_general3A_55 {offsets = [0, 7680], sizes = [64, 128], strides = [1, 1]} : vector<64x16384xf32> to vector<64x128xf32>
    %add3A_174 = arith.addf %add3A_172, %slice3A_173 : vector<64x128xf32>
    %slice3A_175 = vector.extract_strided_slice %dot_general3A_55 {offsets = [0, 7808], sizes = [64, 128], strides = [1, 1]} : vector<64x16384xf32> to vector<64x128xf32>
    %add3A_176 = arith.addf %add3A_174, %slice3A_175 : vector<64x128xf32>
    %slice3A_177 = vector.extract_strided_slice %dot_general3A_55 {offsets = [0, 7936], sizes = [64, 128], strides = [1, 1]} : vector<64x16384xf32> to vector<64x128xf32>
    %add3A_178 = arith.addf %add3A_176, %slice3A_177 : vector<64x128xf32>
    %slice3A_179 = vector.extract_strided_slice %dot_general3A_55 {offsets = [0, 8064], sizes = [64, 128], strides = [1, 1]} : vector<64x16384xf32> to vector<64x128xf32>
    %add3A_180 = arith.addf %add3A_178, %slice3A_179 : vector<64x128xf32>
    %slice3A_181 = vector.extract_strided_slice %dot_general3A_55 {offsets = [0, 8192], sizes = [64, 128], strides = [1, 1]} : vector<64x16384xf32> to vector<64x128xf32>
    %slice3A_182 = vector.extract_strided_slice %dot_general3A_55 {offsets = [0, 8320], sizes = [64, 128], strides = [1, 1]} : vector<64x16384xf32> to vector<64x128xf32>
    %add3A_183 = arith.addf %slice3A_181, %slice3A_182 : vector<64x128xf32>
    %slice3A_184 = vector.extract_strided_slice %dot_general3A_55 {offsets = [0, 8448], sizes = [64, 128], strides = [1, 1]} : vector<64x16384xf32> to vector<64x128xf32>
    %add3A_185 = arith.addf %add3A_183, %slice3A_184 : vector<64x128xf32>
    %slice3A_186 = vector.extract_strided_slice %dot_general3A_55 {offsets = [0, 8576], sizes = [64, 128], strides = [1, 1]} : vector<64x16384xf32> to vector<64x128xf32>
    %add3A_187 = arith.addf %add3A_185, %slice3A_186 : vector<64x128xf32>
    %slice3A_188 = vector.extract_strided_slice %dot_general3A_55 {offsets = [0, 8704], sizes = [64, 128], strides = [1, 1]} : vector<64x16384xf32> to vector<64x128xf32>
    %add3A_189 = arith.addf %add3A_187, %slice3A_188 : vector<64x128xf32>
    %slice3A_190 = vector.extract_strided_slice %dot_general3A_55 {offsets = [0, 8832], sizes = [64, 128], strides = [1, 1]} : vector<64x16384xf32> to vector<64x128xf32>
    %add3A_191 = arith.addf %add3A_189, %slice3A_190 : vector<64x128xf32>
    %slice3A_192 = vector.extract_strided_slice %dot_general3A_55 {offsets = [0, 8960], sizes = [64, 128], strides = [1, 1]} : vector<64x16384xf32> to vector<64x128xf32>
    %add3A_193 = arith.addf %add3A_191, %slice3A_192 : vector<64x128xf32>
    %slice3A_194 = vector.extract_strided_slice %dot_general3A_55 {offsets = [0, 9088], sizes = [64, 128], strides = [1, 1]} : vector<64x16384xf32> to vector<64x128xf32>
    %add3A_195 = arith.addf %add3A_193, %slice3A_194 : vector<64x128xf32>
    %slice3A_196 = vector.extract_strided_slice %dot_general3A_55 {offsets = [0, 9216], sizes = [64, 128], strides = [1, 1]} : vector<64x16384xf32> to vector<64x128xf32>
    %add3A_197 = arith.addf %add3A_195, %slice3A_196 : vector<64x128xf32>
    %slice3A_198 = vector.extract_strided_slice %dot_general3A_55 {offsets = [0, 9344], sizes = [64, 128], strides = [1, 1]} : vector<64x16384xf32> to vector<64x128xf32>
    %add3A_199 = arith.addf %add3A_197, %slice3A_198 : vector<64x128xf32>
    %slice3A_200 = vector.extract_strided_slice %dot_general3A_55 {offsets = [0, 9472], sizes = [64, 128], strides = [1, 1]} : vector<64x16384xf32> to vector<64x128xf32>
    %add3A_201 = arith.addf %add3A_199, %slice3A_200 : vector<64x128xf32>
    %slice3A_202 = vector.extract_strided_slice %dot_general3A_55 {offsets = [0, 9600], sizes = [64, 128], strides = [1, 1]} : vector<64x16384xf32> to vector<64x128xf32>
    %add3A_203 = arith.addf %add3A_201, %slice3A_202 : vector<64x128xf32>
    %slice3A_204 = vector.extract_strided_slice %dot_general3A_55 {offsets = [0, 9728], sizes = [64, 128], strides = [1, 1]} : vector<64x16384xf32> to vector<64x128xf32>
    %add3A_205 = arith.addf %add3A_203, %slice3A_204 : vector<64x128xf32>
    %slice3A_206 = vector.extract_strided_slice %dot_general3A_55 {offsets = [0, 9856], sizes = [64, 128], strides = [1, 1]} : vector<64x16384xf32> to vector<64x128xf32>
    %add3A_207 = arith.addf %add3A_205, %slice3A_206 : vector<64x128xf32>
    %slice3A_208 = vector.extract_strided_slice %dot_general3A_55 {offsets = [0, 9984], sizes = [64, 128], strides = [1, 1]} : vector<64x16384xf32> to vector<64x128xf32>
    %add3A_209 = arith.addf %add3A_207, %slice3A_208 : vector<64x128xf32>
    %slice3A_210 = vector.extract_strided_slice %dot_general3A_55 {offsets = [0, 10112], sizes = [64, 128], strides = [1, 1]} : vector<64x16384xf32> to vector<64x128xf32>
    %add3A_211 = arith.addf %add3A_209, %slice3A_210 : vector<64x128xf32>
    %slice3A_212 = vector.extract_strided_slice %dot_general3A_55 {offsets = [0, 10240], sizes = [64, 128], strides = [1, 1]} : vector<64x16384xf32> to vector<64x128xf32>
    %add3A_213 = arith.addf %add3A_211, %slice3A_212 : vector<64x128xf32>
    %slice3A_214 = vector.extract_strided_slice %dot_general3A_55 {offsets = [0, 10368], sizes = [64, 128], strides = [1, 1]} : vector<64x16384xf32> to vector<64x128xf32>
    %add3A_215 = arith.addf %add3A_213, %slice3A_214 : vector<64x128xf32>
    %slice3A_216 = vector.extract_strided_slice %dot_general3A_55 {offsets = [0, 10496], sizes = [64, 128], strides = [1, 1]} : vector<64x16384xf32> to vector<64x128xf32>
    %add3A_217 = arith.addf %add3A_215, %slice3A_216 : vector<64x128xf32>
    %slice3A_218 = vector.extract_strided_slice %dot_general3A_55 {offsets = [0, 10624], sizes = [64, 128], strides = [1, 1]} : vector<64x16384xf32> to vector<64x128xf32>
    %add3A_219 = arith.addf %add3A_217, %slice3A_218 : vector<64x128xf32>
    %slice3A_220 = vector.extract_strided_slice %dot_general3A_55 {offsets = [0, 10752], sizes = [64, 128], strides = [1, 1]} : vector<64x16384xf32> to vector<64x128xf32>
    %add3A_221 = arith.addf %add3A_219, %slice3A_220 : vector<64x128xf32>
    %slice3A_222 = vector.extract_strided_slice %dot_general3A_55 {offsets = [0, 10880], sizes = [64, 128], strides = [1, 1]} : vector<64x16384xf32> to vector<64x128xf32>
    %add3A_223 = arith.addf %add3A_221, %slice3A_222 : vector<64x128xf32>
    %slice3A_224 = vector.extract_strided_slice %dot_general3A_55 {offsets = [0, 11008], sizes = [64, 128], strides = [1, 1]} : vector<64x16384xf32> to vector<64x128xf32>
    %add3A_225 = arith.addf %add3A_223, %slice3A_224 : vector<64x128xf32>
    %slice3A_226 = vector.extract_strided_slice %dot_general3A_55 {offsets = [0, 11136], sizes = [64, 128], strides = [1, 1]} : vector<64x16384xf32> to vector<64x128xf32>
    %add3A_227 = arith.addf %add3A_225, %slice3A_226 : vector<64x128xf32>
    %slice3A_228 = vector.extract_strided_slice %dot_general3A_55 {offsets = [0, 11264], sizes = [64, 128], strides = [1, 1]} : vector<64x16384xf32> to vector<64x128xf32>
    %add3A_229 = arith.addf %add3A_227, %slice3A_228 : vector<64x128xf32>
    %slice3A_230 = vector.extract_strided_slice %dot_general3A_55 {offsets = [0, 11392], sizes = [64, 128], strides = [1, 1]} : vector<64x16384xf32> to vector<64x128xf32>
    %add3A_231 = arith.addf %add3A_229, %slice3A_230 : vector<64x128xf32>
    %slice3A_232 = vector.extract_strided_slice %dot_general3A_55 {offsets = [0, 11520], sizes = [64, 128], strides = [1, 1]} : vector<64x16384xf32> to vector<64x128xf32>
    %add3A_233 = arith.addf %add3A_231, %slice3A_232 : vector<64x128xf32>
    %slice3A_234 = vector.extract_strided_slice %dot_general3A_55 {offsets = [0, 11648], sizes = [64, 128], strides = [1, 1]} : vector<64x16384xf32> to vector<64x128xf32>
    %add3A_235 = arith.addf %add3A_233, %slice3A_234 : vector<64x128xf32>
    %slice3A_236 = vector.extract_strided_slice %dot_general3A_55 {offsets = [0, 11776], sizes = [64, 128], strides = [1, 1]} : vector<64x16384xf32> to vector<64x128xf32>
    %add3A_237 = arith.addf %add3A_235, %slice3A_236 : vector<64x128xf32>
    %slice3A_238 = vector.extract_strided_slice %dot_general3A_55 {offsets = [0, 11904], sizes = [64, 128], strides = [1, 1]} : vector<64x16384xf32> to vector<64x128xf32>
    %add3A_239 = arith.addf %add3A_237, %slice3A_238 : vector<64x128xf32>
    %slice3A_240 = vector.extract_strided_slice %dot_general3A_55 {offsets = [0, 12032], sizes = [64, 128], strides = [1, 1]} : vector<64x16384xf32> to vector<64x128xf32>
    %add3A_241 = arith.addf %add3A_239, %slice3A_240 : vector<64x128xf32>
    %slice3A_242 = vector.extract_strided_slice %dot_general3A_55 {offsets = [0, 12160], sizes = [64, 128], strides = [1, 1]} : vector<64x16384xf32> to vector<64x128xf32>
    %add3A_243 = arith.addf %add3A_241, %slice3A_242 : vector<64x128xf32>
    %slice3A_244 = vector.extract_strided_slice %dot_general3A_55 {offsets = [0, 12288], sizes = [64, 128], strides = [1, 1]} : vector<64x16384xf32> to vector<64x128xf32>
    %slice3A_245 = vector.extract_strided_slice %dot_general3A_55 {offsets = [0, 12416], sizes = [64, 128], strides = [1, 1]} : vector<64x16384xf32> to vector<64x128xf32>
    %add3A_246 = arith.addf %slice3A_244, %slice3A_245 : vector<64x128xf32>
    %slice3A_247 = vector.extract_strided_slice %dot_general3A_55 {offsets = [0, 12544], sizes = [64, 128], strides = [1, 1]} : vector<64x16384xf32> to vector<64x128xf32>
    %add3A_248 = arith.addf %add3A_246, %slice3A_247 : vector<64x128xf32>
    %slice3A_249 = vector.extract_strided_slice %dot_general3A_55 {offsets = [0, 12672], sizes = [64, 128], strides = [1, 1]} : vector<64x16384xf32> to vector<64x128xf32>
    %add3A_250 = arith.addf %add3A_248, %slice3A_249 : vector<64x128xf32>
    %slice3A_251 = vector.extract_strided_slice %dot_general3A_55 {offsets = [0, 12800], sizes = [64, 128], strides = [1, 1]} : vector<64x16384xf32> to vector<64x128xf32>
    %add3A_252 = arith.addf %add3A_250, %slice3A_251 : vector<64x128xf32>
    %slice3A_253 = vector.extract_strided_slice %dot_general3A_55 {offsets = [0, 12928], sizes = [64, 128], strides = [1, 1]} : vector<64x16384xf32> to vector<64x128xf32>
    %add3A_254 = arith.addf %add3A_252, %slice3A_253 : vector<64x128xf32>
    %slice3A_255 = vector.extract_strided_slice %dot_general3A_55 {offsets = [0, 13056], sizes = [64, 128], strides = [1, 1]} : vector<64x16384xf32> to vector<64x128xf32>
    %add3A_256 = arith.addf %add3A_254, %slice3A_255 : vector<64x128xf32>
    %slice3A_257 = vector.extract_strided_slice %dot_general3A_55 {offsets = [0, 13184], sizes = [64, 128], strides = [1, 1]} : vector<64x16384xf32> to vector<64x128xf32>
    %add3A_258 = arith.addf %add3A_256, %slice3A_257 : vector<64x128xf32>
    %slice3A_259 = vector.extract_strided_slice %dot_general3A_55 {offsets = [0, 13312], sizes = [64, 128], strides = [1, 1]} : vector<64x16384xf32> to vector<64x128xf32>
    %add3A_260 = arith.addf %add3A_258, %slice3A_259 : vector<64x128xf32>
    %slice3A_261 = vector.extract_strided_slice %dot_general3A_55 {offsets = [0, 13440], sizes = [64, 128], strides = [1, 1]} : vector<64x16384xf32> to vector<64x128xf32>
    %add3A_262 = arith.addf %add3A_260, %slice3A_261 : vector<64x128xf32>
    %slice3A_263 = vector.extract_strided_slice %dot_general3A_55 {offsets = [0, 13568], sizes = [64, 128], strides = [1, 1]} : vector<64x16384xf32> to vector<64x128xf32>
    %add3A_264 = arith.addf %add3A_262, %slice3A_263 : vector<64x128xf32>
    %slice3A_265 = vector.extract_strided_slice %dot_general3A_55 {offsets = [0, 13696], sizes = [64, 128], strides = [1, 1]} : vector<64x16384xf32> to vector<64x128xf32>
    %add3A_266 = arith.addf %add3A_264, %slice3A_265 : vector<64x128xf32>
    %slice3A_267 = vector.extract_strided_slice %dot_general3A_55 {offsets = [0, 13824], sizes = [64, 128], strides = [1, 1]} : vector<64x16384xf32> to vector<64x128xf32>
    %add3A_268 = arith.addf %add3A_266, %slice3A_267 : vector<64x128xf32>
    %slice3A_269 = vector.extract_strided_slice %dot_general3A_55 {offsets = [0, 13952], sizes = [64, 128], strides = [1, 1]} : vector<64x16384xf32> to vector<64x128xf32>
    %add3A_270 = arith.addf %add3A_268, %slice3A_269 : vector<64x128xf32>
    %slice3A_271 = vector.extract_strided_slice %dot_general3A_55 {offsets = [0, 14080], sizes = [64, 128], strides = [1, 1]} : vector<64x16384xf32> to vector<64x128xf32>
    %add3A_272 = arith.addf %add3A_270, %slice3A_271 : vector<64x128xf32>
    %slice3A_273 = vector.extract_strided_slice %dot_general3A_55 {offsets = [0, 14208], sizes = [64, 128], strides = [1, 1]} : vector<64x16384xf32> to vector<64x128xf32>
    %add3A_274 = arith.addf %add3A_272, %slice3A_273 : vector<64x128xf32>
    %slice3A_275 = vector.extract_strided_slice %dot_general3A_55 {offsets = [0, 14336], sizes = [64, 128], strides = [1, 1]} : vector<64x16384xf32> to vector<64x128xf32>
    %add3A_276 = arith.addf %add3A_274, %slice3A_275 : vector<64x128xf32>
    %slice3A_277 = vector.extract_strided_slice %dot_general3A_55 {offsets = [0, 14464], sizes = [64, 128], strides = [1, 1]} : vector<64x16384xf32> to vector<64x128xf32>
    %add3A_278 = arith.addf %add3A_276, %slice3A_277 : vector<64x128xf32>
    %slice3A_279 = vector.extract_strided_slice %dot_general3A_55 {offsets = [0, 14592], sizes = [64, 128], strides = [1, 1]} : vector<64x16384xf32> to vector<64x128xf32>
    %add3A_280 = arith.addf %add3A_278, %slice3A_279 : vector<64x128xf32>
    %slice3A_281 = vector.extract_strided_slice %dot_general3A_55 {offsets = [0, 14720], sizes = [64, 128], strides = [1, 1]} : vector<64x16384xf32> to vector<64x128xf32>
    %add3A_282 = arith.addf %add3A_280, %slice3A_281 : vector<64x128xf32>
    %slice3A_283 = vector.extract_strided_slice %dot_general3A_55 {offsets = [0, 14848], sizes = [64, 128], strides = [1, 1]} : vector<64x16384xf32> to vector<64x128xf32>
    %add3A_284 = arith.addf %add3A_282, %slice3A_283 : vector<64x128xf32>
    %slice3A_285 = vector.extract_strided_slice %dot_general3A_55 {offsets = [0, 14976], sizes = [64, 128], strides = [1, 1]} : vector<64x16384xf32> to vector<64x128xf32>
    %add3A_286 = arith.addf %add3A_284, %slice3A_285 : vector<64x128xf32>
    %slice3A_287 = vector.extract_strided_slice %dot_general3A_55 {offsets = [0, 15104], sizes = [64, 128], strides = [1, 1]} : vector<64x16384xf32> to vector<64x128xf32>
    %add3A_288 = arith.addf %add3A_286, %slice3A_287 : vector<64x128xf32>
    %slice3A_289 = vector.extract_strided_slice %dot_general3A_55 {offsets = [0, 15232], sizes = [64, 128], strides = [1, 1]} : vector<64x16384xf32> to vector<64x128xf32>
    %add3A_290 = arith.addf %add3A_288, %slice3A_289 : vector<64x128xf32>
    %slice3A_291 = vector.extract_strided_slice %dot_general3A_55 {offsets = [0, 15360], sizes = [64, 128], strides = [1, 1]} : vector<64x16384xf32> to vector<64x128xf32>
    %add3A_292 = arith.addf %add3A_290, %slice3A_291 : vector<64x128xf32>
    %slice3A_293 = vector.extract_strided_slice %dot_general3A_55 {offsets = [0, 15488], sizes = [64, 128], strides = [1, 1]} : vector<64x16384xf32> to vector<64x128xf32>
    %add3A_294 = arith.addf %add3A_292, %slice3A_293 : vector<64x128xf32>
    %slice3A_295 = vector.extract_strided_slice %dot_general3A_55 {offsets = [0, 15616], sizes = [64, 128], strides = [1, 1]} : vector<64x16384xf32> to vector<64x128xf32>
    %add3A_296 = arith.addf %add3A_294, %slice3A_295 : vector<64x128xf32>
    %slice3A_297 = vector.extract_strided_slice %dot_general3A_55 {offsets = [0, 15744], sizes = [64, 128], strides = [1, 1]} : vector<64x16384xf32> to vector<64x128xf32>
    %add3A_298 = arith.addf %add3A_296, %slice3A_297 : vector<64x128xf32>
    %slice3A_299 = vector.extract_strided_slice %dot_general3A_55 {offsets = [0, 15872], sizes = [64, 128], strides = [1, 1]} : vector<64x16384xf32> to vector<64x128xf32>
    %add3A_300 = arith.addf %add3A_298, %slice3A_299 : vector<64x128xf32>
    %slice3A_301 = vector.extract_strided_slice %dot_general3A_55 {offsets = [0, 16000], sizes = [64, 128], strides = [1, 1]} : vector<64x16384xf32> to vector<64x128xf32>
    %add3A_302 = arith.addf %add3A_300, %slice3A_301 : vector<64x128xf32>
    %slice3A_303 = vector.extract_strided_slice %dot_general3A_55 {offsets = [0, 16128], sizes = [64, 128], strides = [1, 1]} : vector<64x16384xf32> to vector<64x128xf32>
    %add3A_304 = arith.addf %add3A_302, %slice3A_303 : vector<64x128xf32>
    %slice3A_305 = vector.extract_strided_slice %dot_general3A_55 {offsets = [0, 16256], sizes = [64, 128], strides = [1, 1]} : vector<64x16384xf32> to vector<64x128xf32>
    %add3A_306 = arith.addf %add3A_304, %slice3A_305 : vector<64x128xf32>
    %concatenate3A = tpu.concatenate %add3A_117, %add3A_180, %add3A_243, %add3A_306 in 1 : vector<64x128xf32>, vector<64x128xf32>, vector<64x128xf32>, vector<64x128xf32> -> vector<64x512xf32>
    %mul3A_307 = arith.constant 3.125000e-02 : f32
    %mul3A_308 = vector.broadcast %mul3A_307 : f32 to vector<64x512xf32>
    %mul3A_309 = arith.mulf %concatenate3A, %mul3A_308 : vector<64x512xf32>
    %get3A_310 = arith.constant 0 : index
    %get3A_311 = arith.constant 0 : index
    %get3A_312 = vector.load %arg7[%get3A_310, %get3A_311] : memref<64x1xf32, #tpu.memory_space<vmem>>, vector<64x1xf32>
    %add3A_313 = vector.broadcast %get3A_312 : vector<64x1xf32> to vector<64x512xf32>
    %add3A_314 = arith.addf %mul3A_309, %add3A_313 : vector<64x512xf32>
    %get3A_315 = arith.constant 0 : index
    %get3A_316 = arith.constant 0 : index
    %get3A_317 = vector.load %arg8[%get3A_315, %get3A_316] : memref<64x64xf32, #tpu.memory_space<vmem>>, vector<64x64xf32>
    %dot_general3A_318 = arith.constant dense<0.000000e+00> : vector<64x512xf32>
    %dot_general3A_319 = tpu.matmul %get3A_317, %add3A_314, %dot_general3A_318 {dimension_numbers = #tpu.dot_dimension_numbers<[1], [0], [0], [1], [0, 0, 1, 1], [], []>, transpose_lhs_hint = false} : vector<64x64xf32>, vector<64x512xf32>, vector<64x512xf32> -> vector<64x512xf32>
    %integer_pow3A_320 = arith.mulf %dot_general3A_319, %dot_general3A_319 : vector<64x512xf32>
    %integer_pow3A_321 = arith.mulf %dot_general3A_319, %integer_pow3A_320 : vector<64x512xf32>
    %mul3A_322 = arith.constant 4.471500e-02 : f32
    %mul3A_323 = vector.broadcast %mul3A_322 : f32 to vector<64x512xf32>
    %mul3A_324 = arith.mulf %mul3A_323, %integer_pow3A_321 : vector<64x512xf32>
    %add3A_325 = arith.addf %dot_general3A_319, %mul3A_324 : vector<64x512xf32>
    %mul3A_326 = arith.constant 0.797884583 : f32
    %mul3A_327 = vector.broadcast %mul3A_326 : f32 to vector<64x512xf32>
    %mul3A_328 = arith.mulf %mul3A_327, %add3A_325 : vector<64x512xf32>
    %tanh3A_329 = math.tanh %mul3A_328 : vector<64x512xf32>
    %add3A_330 = arith.constant 1.000000e+00 : f32
    %add3A_331 = vector.broadcast %add3A_330 : f32 to vector<64x512xf32>
    %add3A_332 = arith.addf %add3A_331, %tanh3A_329 : vector<64x512xf32>
    %mul3A_333 = arith.constant 5.000000e-01 : f32
    %mul3A_334 = vector.broadcast %mul3A_333 : f32 to vector<64x512xf32>
    %mul3A_335 = arith.mulf %mul3A_334, %add3A_332 : vector<64x512xf32>
    %mul3A_336 = arith.mulf %dot_general3A_319, %mul3A_335 : vector<64x512xf32>
    %get3A_337 = arith.constant 0 : index
    %get3A_338 = arith.constant 0 : index
    %get3A_339 = vector.load %arg9[%get3A_337, %get3A_338] : memref<64x64xf32, #tpu.memory_space<vmem>>, vector<64x64xf32>
    %dot_general3A_340 = arith.constant dense<0.000000e+00> : vector<64x512xf32>
    %dot_general3A_341 = tpu.matmul %get3A_339, %mul3A_336, %dot_general3A_340 {dimension_numbers = #tpu.dot_dimension_numbers<[1], [0], [0], [1], [0, 0, 1, 1], [], []>, transpose_lhs_hint = false} : vector<64x64xf32>, vector<64x512xf32>, vector<64x512xf32> -> vector<64x512xf32>
    %integer_pow3A_342 = arith.mulf %dot_general3A_341, %dot_general3A_341 : vector<64x512xf32>
    %integer_pow3A_343 = arith.mulf %dot_general3A_341, %integer_pow3A_342 : vector<64x512xf32>
    %mul3A_344 = arith.constant 4.471500e-02 : f32
    %mul3A_345 = vector.broadcast %mul3A_344 : f32 to vector<64x512xf32>
    %mul3A_346 = arith.mulf %mul3A_345, %integer_pow3A_343 : vector<64x512xf32>
    %add3A_347 = arith.addf %dot_general3A_341, %mul3A_346 : vector<64x512xf32>
    %mul3A_348 = arith.constant 0.797884583 : f32
    %mul3A_349 = vector.broadcast %mul3A_348 : f32 to vector<64x512xf32>
    %mul3A_350 = arith.mulf %mul3A_349, %add3A_347 : vector<64x512xf32>
    %tanh3A_351 = math.tanh %mul3A_350 : vector<64x512xf32>
    %add3A_352 = arith.constant 1.000000e+00 : f32
    %add3A_353 = vector.broadcast %add3A_352 : f32 to vector<64x512xf32>
    %add3A_354 = arith.addf %add3A_353, %tanh3A_351 : vector<64x512xf32>
    %mul3A_355 = arith.constant 5.000000e-01 : f32
    %mul3A_356 = vector.broadcast %mul3A_355 : f32 to vector<64x512xf32>
    %mul3A_357 = arith.mulf %mul3A_356, %add3A_354 : vector<64x512xf32>
    %mul3A_358 = arith.mulf %dot_general3A_341, %mul3A_357 : vector<64x512xf32>
    %transpose3A = tpu.transpose %mul3A_358, [1, 0] : vector<64x512xf32> -> vector<512x64xf32>
    %get3A_359 = arith.constant 0 : index
    %get3A_360 = arith.constant 0 : index
    %get3A_361 = vector.load %arg10[%get3A_359, %get3A_360] : memref<64x3xf32, #tpu.memory_space<vmem>>, vector<64x3xf32>
    %dot_general3A_362 = arith.constant dense<0.000000e+00> : vector<512x3xf32>
    %dot_general3A_363 = tpu.matmul %transpose3A, %get3A_361, %dot_general3A_362 {dimension_numbers = #tpu.dot_dimension_numbers<[1], [0], [0], [1], [0, 0, 1, 1], [], []>, transpose_lhs_hint = false} : vector<512x64xf32>, vector<64x3xf32>, vector<512x3xf32> -> vector<512x3xf32>
    %swap3A = arith.constant 0 : index
    %swap3A_364 = arith.constant 0 : index
    %swap3A_365 = vector.load %arg11[%swap3A, %swap3A_364] : memref<512x3xf32, #tpu.memory_space<vmem>>, vector<512x3xf32>
    tpu.vector_store %arg11[%swap3A, %swap3A_364], %dot_general3A_363 {strides = array<i32>} : memref<512x3xf32, #tpu.memory_space<vmem>>, vector<512x3xf32>,
    return
  }
  func.func @transform_0(%arg0: i32) -> (i32, i32) {
    %c0_i32 = arith.constant 0 : i32
    %c0_i32_0 = arith.constant 0 : i32
    return %c0_i32, %arg0 : i32, i32
  }
  func.func @transform_1(%arg0: i32) -> (i32, i32) {
    %c0_i32 = arith.constant 0 : i32
    %c0_i32_0 = arith.constant 0 : i32
    %c0_i32_1 = arith.constant 0 : i32
    return %c0_i32, %c0_i32_0 : i32, i32
  }
  func.func @transform_2(%arg0: i32) -> (i32, i32) {
    %c0_i32 = arith.constant 0 : i32
    %c0_i32_0 = arith.constant 0 : i32
    %c0_i32_1 = arith.constant 0 : i32
    return %c0_i32, %c0_i32_0 : i32, i32
  }
  func.func @transform_3(%arg0: i32) -> (i32, i32) {
    %c0_i32 = arith.constant 0 : i32
    %c0_i32_0 = arith.constant 0 : i32
    %c0_i32_1 = arith.constant 0 : i32
    return %c0_i32, %c0_i32_0 : i32, i32
  }
  func.func @transform_4(%arg0: i32) -> (i32, i32) {
    %c0_i32 = arith.constant 0 : i32
    %c0_i32_0 = arith.constant 0 : i32
    %c0_i32_1 = arith.constant 0 : i32
    return %c0_i32, %c0_i32_0 : i32, i32
  }
  func.func @transform_5(%arg0: i32) -> (i32, i32) {
    %c0_i32 = arith.constant 0 : i32
    %c0_i32_0 = arith.constant 0 : i32
    %c0_i32_1 = arith.constant 0 : i32
    return %c0_i32, %c0_i32_0 : i32, i32
  }
  func.func @transform_6(%arg0: i32) -> (i32, i32) {
    %c0_i32 = arith.constant 0 : i32
    %c0_i32_0 = arith.constant 0 : i32
    %c0_i32_1 = arith.constant 0 : i32
    return %c0_i32, %c0_i32_0 : i32, i32
  }
  func.func @transform_7(%arg0: i32) -> (i32, i32) {
    %c0_i32 = arith.constant 0 : i32
    %c0_i32_0 = arith.constant 0 : i32
    %c0_i32_1 = arith.constant 0 : i32
    return %c0_i32, %c0_i32_0 : i32, i32
  }
  func.func @transform_8(%arg0: i32) -> (i32, i32) {
    %c0_i32 = arith.constant 0 : i32
    %c0_i32_0 = arith.constant 0 : i32
    %c0_i32_1 = arith.constant 0 : i32
    return %c0_i32, %c0_i32_0 : i32, i32
  }
  func.func @transform_9(%arg0: i32) -> (i32, i32) {
    %c0_i32 = arith.constant 0 : i32
    %c0_i32_0 = arith.constant 0 : i32
    %c0_i32_1 = arith.constant 0 : i32
    return %c0_i32, %c0_i32_0 : i32, i32
  }
  func.func @transform_10(%arg0: i32) -> (i32, i32) {
    %c0_i32 = arith.constant 0 : i32
    %c0_i32_0 = arith.constant 0 : i32
    return %arg0, %c0_i32 : i32, i32
  }
}

</mosaic_0001>

<sc_bundles>
// kernel: kernel.4.cloned.1.call-start
scs
__scs_entry_jumppad:
0x0: {  	(pc) =	sbr.rel $0x88, $3  }
0x1: {  	(tag) =	ssettag $0x0;
	lr =	simm.s32 $0x1  }
0x2: {  	[smem:$0x3F96] =	sst lr;
	_ =	strace $0xD0000000  }
0x3: {  	_ = 	snop  }
0x4: {  	_ = 	snop  }
0x5: {  	_ = 	snop  }
0x6: {  	_ = 	snop  }
0x7: {  	_ = 	snop  }
__scs_overlays_trampoline_lowered:
0x8: {  	[smem:$0x3FA5] =	sst s0  }
0x9: {  	[smem:$0x3FA6] =	sst s1  }
0xa: {  	[smem:$0x3FA7] =	sst s2  }
0xb: {  	[smem:$0x3FA8] =	sst s3  }
0xc: {  	[smem:$0x3FA9] =	sst s4  }
0xd: {  	[smem:$0x3FAA] =	sst s5  }
0xe: {  	[smem:$0x3FAB] =	sst s6  }
0xf: {  	[smem:$0x3FAC] =	sst s7  }
0x10: {  	[smem:$0x3FAD] =	sst s8  }
0x11: {  	[smem:$0x3FAE] =	sst s9;
	s0 =	simm.s32 @!p0 $0x0  }
0x12: {  	s1 =	sld [smem:$0x3F94];
	s0 =	simm.s32 @p0 $0x1  }
0x13: {  	[smem:$0x3FAF] =	sst s0;
	s0 =	simm.s32 @!p1 $0x0  }
0x14: {  	s2 =	sld [smem:$0x3F93];
	s0 =	simm.s32 @p1 $0x1  }
0x15: {  	[smem:$0x3FB0] =	sst s0;
	s0 =	simm.s32 @!p2 $0x0  }
0x16: {  	s3 =	sld [smem:$0x3FDB];
	s0 =	simm.s32 @p2 $0x1  }
0x17: {  	s4 =	simm.s32 $0x1BF5;
	[smem:$0x3FB2] =	sst s0  }
0x18: {  	s0 =	sld [smem:$0x3F95];
	_ =	swait.ge [sflag:s4], $0x0  }
0x19: {  	s7 =	sld [smem:$0x3F96]  }
0x1a: {  	s8 =	sadd.s32 $0xFFFFE003, lr  }
0x1b: {  	s9 =	sadd.s32 $0xFFFFFEF7, lr;
	s5 =	simm.s32 $0xFFFFFFFF;
	p2 =	slt.u32 s8, $0xFFFFF086  }
0x1c: {  	p1 =	slt.u32 s9, $0xF7A;
	s5 =	simm.s32 @!p2 $0x0  }
0x1d: {  	s5 =	simm.s32 @p1 $0x1;
	p0 =	seq.s32 s7, s2  }
0x1e: {  	s7 =	smul.u32 @!p0 $0xF7A, s2;
	p2 =	seq.s32 @!p0 s5, $0x0  }
0x1f: {  	s9 =	smul.u32 $0xF7A, s1;
	s8 =	simm.s32 @!p0 $0x1BF5;
	p2 =	por !p2, p0  }
0x20: {  	[sflag:s8] =	ssyncset.s32 @!p0 $0xFFFFF086;
	s6 =	sadd.s32 @!p0 s3, s7;
	s7 =	simm.s32 @!p0 $0x108  }
0x21: {  	s3 =	sadd.s32 s3, s9;
	s6 =	sadd.s32 @!p0 $0x88, s6;
	s7 =	simm.s32 @p2 $0x1082  }
0x22: {  	[simem:s7], [sflag:s8] =	dma.local @!p0 [hbm:s6], $0xF7A  }
0x23: {  	s9 =	sor.u32 $0xD0000000, s2;
	s6 =	simm.s32 $0x108;
	_ =	swait.ge @!p0 [sflag:s8], $0x0  }
0x24: {  	s3 =	sadd.s32 $0x88, s3;
	s6 =	simm.s32 @!p1 $0x1082;
	[sflag:s4] =	ssyncset.s32 $0xFFFFF086  }
0x25: {  	[simem:s6], [sflag:s4] =	dma.local [hbm:s3], $0xF7A  }
0x26: {  	[smem:$0x3F96] =	sst s1;
	(tag) =	ssettag s2;
	_ =	strace s9  }
0x27: {  	s1 =	sld [smem:$0x3FA6]  }
0x28: {  	s2 =	sld [smem:$0x3FA7]  }
0x29: {  	s4 =	sld [smem:$0x3FA9]  }
0x2a: {  	p0 =	seq.s32 s5, $0x0;
	s5 =	sld [smem:$0x3FAA]  }
0x2b: {  	s6 =	sld [smem:$0x3FAB]  }
0x2c: {  	s7 =	sld [smem:$0x3FAC]  }
0x2d: {  	s3 =	simm.s32 $0x108;
	s8 =	sld [smem:$0x3FAD]  }
0x2e: {  	s3 =	simm.s32 @!p0 $0x1082;
	s9 =	sld [smem:$0x3FAE]  }
0x2f: {  	lr =	sadd.s32 s0, s3;
	s0 =	sld [smem:$0x3FA5]  }
0x30: {  	s3 =	sld [smem:$0x3FA8]  }
0x31: {  	[smem:$0x3FB1] =	sst s10  }
0x32: {  	s10 =	sld [smem:$0x3FAF];
	_ =	sdelay $0x3  }
0x33: {  	p0 =	seq.s32 s10, $0x1;
	s10 =	sld [smem:$0x3FB1];
	_ =	sdelay $0x3  }
0x34: {  	[smem:$0x3FB1] =	sst s10  }
0x35: {  	s10 =	sld [smem:$0x3FB0];
	_ =	sdelay $0x3  }
0x36: {  	p1 =	seq.s32 s10, $0x1;
	s10 =	sld [smem:$0x3FB1];
	_ =	sdelay $0x3  }
0x37: {  	[smem:$0x3FB1] =	sst s10  }
0x38: {  	s10 =	sld [smem:$0x3FB2]  }
0x39: {  	_ = 	snop;
	(pc) =	sbr.ind lr, $3  }
0x3a: {  	_ = 	snop  }
0x3b: {  	_ = 	snop  }
0x3c: {  	p2 =	seq.s32 s10, $0x1;
	s10 =	sld [smem:$0x3FB1]  }
0x3d: {  	_ =	shalt  }
0x3e: {  	_ =	shalt  }
0x3f: {  	_ =	shalt  }
0x40: {  	_ =	shalt  }
0x41: {  	_ =	shalt  }
0x42: {  	_ =	shalt  }
0x43: {  	_ =	shalt  }
0x44: {  	_ =	shalt  }
0x45: {  	_ =	shalt  }
0x46: {  	_ =	shalt  }
0x47: {  	_ =	shalt  }
0x48: {  	_ =	shalt  }
0x49: {  	_ =	shalt  }
0x4a: {  	_ =	shalt  }
0x4b: {  	_ =	shalt  }
0x4c: {  	_ =	shalt  }
0x4d: {  	_ =	shalt  }
0x4e: {  	_ =	shalt  }
0x4f: {  	_ =	shalt  }
0x50: {  	_ =	shalt  }
0x51: {  	_ =	shalt  }
0x52: {  	_ =	shalt  }
0x53: {  	_ =	shalt  }
0x54: {  	_ =	shalt  }
0x55: {  	_ =	shalt  }
0x56: {  	_ =	shalt  }
0x57: {  	_ =	shalt  }
0x58: {  	_ =	shalt  }
0x59: {  	_ =	shalt  }
0x5a: {  	_ =	shalt  }
0x5b: {  	_ =	shalt  }
0x5c: {  	_ =	shalt  }
0x5d: {  	_ =	shalt  }
0x5e: {  	_ =	shalt  }
0x5f: {  	_ =	shalt  }
0x60: {  	_ =	shalt  }
0x61: {  	_ =	shalt  }
0x62: {  	_ =	shalt  }
0x63: {  	_ =	shalt  }
0x64: {  	_ =	shalt  }
0x65: {  	_ =	shalt  }
0x66: {  	_ =	shalt  }
0x67: {  	_ =	shalt  }
0x68: {  	_ =	shalt  }
0x69: {  	_ =	shalt  }
0x6a: {  	_ =	shalt  }
0x6b: {  	_ =	shalt  }
0x6c: {  	_ =	shalt  }
0x6d: {  	_ =	shalt  }
0x6e: {  	_ =	shalt  }
0x6f: {  	_ =	shalt  }
0x70: {  	_ =	shalt  }
0x71: {  	_ =	shalt  }
0x72: {  	_ =	shalt  }
0x73: {  	_ =	shalt  }
0x74: {  	_ =	shalt  }
0x75: {  	_ =	shalt  }
0x76: {  	_ =	shalt  }
0x77: {  	_ =	shalt  }
0x78: {  	_ =	shalt  }
0x79: {  	_ =	shalt  }
0x7a: {  	_ =	shalt  }
0x7b: {  	_ =	shalt  }
0x7c: {  	_ =	shalt  }
0x7d: {  	_ =	shalt  }
0x7e: {  	_ =	shalt  }
0x7f: {  	_ =	shalt  }
0x80: {  	_ =	shalt  }
0x81: {  	_ =	shalt  }
0x82: {  	_ =	shalt  }
0x83: {  	_ =	shalt  }
0x84: {  	_ =	shalt  }
0x85: {  	_ =	shalt  }
0x86: {  	_ =	shalt  }
0x87: {  	_ =	shalt  }
.Lfunc_end0:
.L_simem_size_0:
called_computation_lowered:
.L_overlay_start_0:
0x88: {  	s2 =	sld [smem:$0x3FD9]  }
0x89: {  	s3 =	sld [smem:$0x3FFE];
	_ =	sdelay $0x1  }
0x8a: {  	s1 =	srdreg.scid  }
0x8b: {  	s0 =	sand.u32 $0x1, s1  }
0x8c: {  	s16 =	sshll.u32 s0, $0xA;
	s2 =	sadd.s32 s3, s2  }
0x8d: {  	s2 =	sadd.s32 s2, s16  }
0x8e: {  	[smem:$0x3FBD] =	sst s2  }
0x8f: {  	_ = 	snop  }
0x90: {  	(tm) =	ssettm $0x1  }
0x91: {  	s17 =	sld [smem:$0x3FFB];
	_ =	sdelay $0x3  }
0x92: {  	_ =	strace s17  }
0x93: {  	s2 =	sld [smem:$0x3FFC];
	_ =	sdelay $0x3  }
0x94: {  	_ =	strace s2  }
0x95: {  	s2 =	sld [smem:$0x3FFD];
	_ =	sdelay $0x3  }
0x96: {  	_ =	strace s2  }
0x97: {  	_ =	strace $0x8FFFFFFF  }
0x98: {  	s18 =	sld [smem:$0x3FDB];
	_ =	sdelay $0x1  }
0x99: {  	s19 =	simm.s32 $_scs_section_size  }
0x9a: {  	s4 =	simm.s32 $_size__tile_overlayer_lowered;
	s5 =	simm.s32 $_tile_overlayer_lowered  }
0x9b: {  	s22 =	simm.s32 $0x1BFF;
	s21 =	sshll.u32 s5, $0x1;
	s2 =	sadd.s32 s19, s18  }
0x9c: {  	s6 =	simm.s32 $0x0;
	s20 =	sshll.u32 s4, $0x1;
	s4 =	sadd.s32 s21, s2  }
0x9d: {  	[timem:s6], [sflag:s22] =	dma.local [hbm:s4], s20  }
0x9e: {  	_ =	swait.ge [sflag:s22], s20  }
0x9f: {  	s3 =	ssub.s32 $0x0, s20;
	[sflag:s22] =	ssyncset.done $0x0  }
0xa0: {  	[sflag:s22] =	ssyncadd.s32 s3;
	_ =	sdelay $0x1  }
0xa1: {  	s23 =	simm.s32 $0x1B8B  }
0xa2: {  	_ =	swait.ge [sflag:s23], $0x1  }
0xa3: {  	[sflag:s23] =	ssyncset.done $0x0  }
0xa4: {  	s25 =	simm.s32 $0x1B8E;
	s24 =	sld [smem:$0x3FFE];
	[sflag:s23] =	ssyncadd.s32 $0xFFFFFFFF  }
0xa5: {  	s26 =	simm.s32 $execute0_lowered;
	[smem:$0x3FD2] =	sst s25  }
0xa6: {  	s4 =	sshll.u32 s26, $0x1;
	_ =	strace $0x80000046;
	[dreg:$0x1] =	wrdreg $0xFFFFFFFF  }
0xa7: {  	s28 =	simm.s32 $_size_execute0_lowered;
	s2 =	sadd.s32 s2, s4;
	[dreg:$0x0] =	wrdreg $0x0  }
0xa8: {  	s4 =	sshll.u32 s28, $0x1;
	[dreg:$0x2] =	wrdreg s2  }
0xa9: {  	[dreg:$0x3] =	wrdreg s4  }
0xaa: {  	[dreg:$0x4] =	wrdreg $0xC0  }
0xab: {  	_ =	task [dreg:s6], $0x5FFFF  }
0xac: {  	[dreg:$0x1] =	wrdreg $0xFFFFFFFF  }
0xad: {  	[dreg:$0x0] =	wrdreg $0x60  }
0xae: {  	[dreg:$0x2] =	wrdreg s24  }
0xaf: {  	[dreg:$0x3] =	wrdreg $0x9  }
0xb0: {  	_ =	task.clear_ibuf [dreg:s6], $0x4FFFF;
	_ =	strace $0x90000046  }
0xb1: {  	s29 =	simm.s32 $0x9;
	_ =	strace $0x80000048  }
0xb2: {  	_ =	swait.ge [sflag:s29], $0x1  }
0xb3: {  	[sflag:s29] =	ssyncadd.s32 $0xFFFFFFFF  }
0xb4: {  	_ =	strace $0x90000048  }
0xb5: {  	_ =	sfence  }
0xb6: {  	s30 =	sld [smem:$0x0];
	_ =	sdelay $0x2  }
0xb7: {  	s31 =	sshll.u32 s1, $0xD;
	s1 =	sshrl.u32 s1, $0x2  }
0xb8: {  	s3 =	sand.u32 $0x4000, s31;
	s1 =	sadd.s32 s1, s30  }
0xb9: {  	s0 =	sor.u32 s3, s0;
	s1 =	sshll.u32 s1, $0x11  }
0xba: {  	s0 =	sor.u32 s1, s0  }
0xbb: {  	s0 =	sadd.s32 $0x8F2B, s0  }
0xbc: {  	[sflag:s0] =	ssyncadd.remote.s32 $0x1  }
0xbd: {  	_ =	sfence.sel $0xFFFF  }
0xbe: {  	[dreg:$0x0] =	wrdreg $0xFFFFFFFF;
	(pc) =	sbr.abs _section_cstart, $3  }
0xbf: {  	[dreg:$0x1] =	wrdreg $0xFFFFFFFF  }
0xc0: {  	_ =	task.clear_ibuf [dreg:s6], $0x2FFFF;
	_ =	strace $0x9FFFFFFF  }
0xc1: {  	(tm) =	ssettm $0x7FFFFFFF  }
tec
execute0_lowered:
.L_overlay_start_1:
0x0: {  	(tag) =	ssettag $0x1  }
0x1: {  	s0 =	rddreg [dreg:$0x0]  }
0x2: {  	s1 =	srdreg.scid;
	s3 =	stileid.u32;
	s2 =	simm.s32 $0x0  }
0x3: {  	s28 =	simm.s32 $0x8100;
	s29 =	simm.s32 $0x9180;
	s30 =	simm.s32 $0xA200  }
0x4: {  	s31 =	simm.s32 $0xB200;
	[smem:$0x7FF] =	sst s2;
	s5 =	sadd.s32 $0x1600, s0  }
0x5: {  	s16 =	sadd.s32 $0x1610, s0;
	_ =	strace $0x80000047;
	[dreg:$0x2] =	wrdreg s5  }
0x6: {  	s6 =	simm.s32 $0x0;
	s17 =	sadd.s32 $0x1620, s0;
	[dreg:$0x3] =	wrdreg s16  }
0x7: {  	s1 =	sand.u32 $0x1, s1;
	s18 =	sadd.s32 $0x1630, s0;
	[dreg:$0x4] =	wrdreg s17  }
0x8: {  	s3 =	sshll.u32 s3, $0x1;
	s19 =	sadd.s32 $0x1640, s0;
	[dreg:$0x5] =	wrdreg s18  }
0x9: {  	s3 =	sor.u32 s1, s3;
	s1 =	ssub.s32 $0x2, s1;
	[dreg:$0x6] =	wrdreg s19  }
0xa: {  	s17 =	simm.s32 $0x80;
	s18 =	simm.s32 $0x400;
	s4 =	sshll.u32 s3, $0x9  }
0xb: {  	s19 =	simm.s32 $0x1;
	s14 =	sadd.s32 s4, s0;
	s0 =	sadd.s32 $0x1650, s0  }
0xc: {  	s5 =	simm.s32 $0xF200;
	[dreg:$0x7] =	wrdreg s0;
	s20 =	sadd.s32 $0x2600, s14  }
0xd: {  	s15 =	sshrl.u32 s1, $0x1;
	s21 =	sadd.s32 $0x6600, s14;
	[dreg:$0x8] =	wrdreg s20  }
0xe: {  	s1 =	ssub.s32 s1, s15;
	s22 =	sadd.s32 $0xA600, s14;
	[dreg:$0x9] =	wrdreg s21  }
0xf: {  	s4 =	sshll.u32 s3, $0x7;
	s23 =	sadd.s32 $0xE600, s14;
	[dreg:$0xa] =	wrdreg s22  }
0x10: {  	s3 =	simm.s32 $0xE200;
	s24 =	sadd.s32 $0x12600, s14;
	[dreg:$0xb] =	wrdreg s23  }
.Ltmp0:
0x11: {  	s25 =	sadd.s32 $0x16600, s14;
	[dreg:$0xc] =	wrdreg s24;
	(pc) =	sbr.rel .LBB2_1-.Ltmp0, $4  }
0x12: {  	s26 =	smax.u32 s1, $0x1;
	s0 =	simm.s32 $0xC200;
	[dreg:$0xd] =	wrdreg s25  }
0x13: {  	s1 =	simm.s32 $0xD200;
	[dreg:$0xe] =	wrdreg s26;
	s20 =	simm.s32 $0x1000  }
0x14: {  	s21 =	simm.s32 $0x2000;
	s22 =	simm.s32 $0x3000;
	s23 =	simm.s32 $0x4000  }
0x15: {  	v39 =	vlaneseq.u32;
	s24 =	simm.s32 $0x5000;
	s25 =	simm.s32 $0x6000;
	s26 =	simm.s32 $0x7080  }
.LBB2_28:
0x16: {  	s7 =	rddreg [dreg:$0x8]  }
0x17: {  	[hbm4b:s7+s2] =	stream.linear.scatter [tilespmem:s30], [sflag:$0x1], $0x1000, $0x38;
	[tilespmem:$0x10200] =	vst v63  }
0x18: {  	_ =	swait.ge [sflag:s19], $0x1000  }
0x19: {  	[sflag:s19] =	ssyncset.done $0x0  }
0x1a: {  	s11 =	rddreg [dreg:$0x9];
	[sflag:s19] =	ssyncadd.s32 $0xFFFFF000  }
0x1b: {  	[hbm4b:s11+s2] =	stream.linear.scatter [tilespmem:s31], [sflag:$0x1], $0x1000, $0x38;
	[tilespmem:$0x10200] =	vst v63  }
0x1c: {  	_ =	swait.ge [sflag:s19], $0x1000  }
0x1d: {  	[sflag:s19] =	ssyncset.done $0x0  }
0x1e: {  	s12 =	rddreg [dreg:$0xa];
	[sflag:s19] =	ssyncadd.s32 $0xFFFFF000  }
0x1f: {  	[hbm4b:s12+s2] =	stream.linear.scatter [tilespmem:s0], [sflag:$0x1], $0x1000, $0x38;
	[tilespmem:$0x10200] =	vst v63  }
0x20: {  	_ =	swait.ge [sflag:s19], $0x1000  }
0x21: {  	[sflag:s19] =	ssyncset.done $0x0  }
0x22: {  	s13 =	rddreg [dreg:$0xb];
	[sflag:s19] =	ssyncadd.s32 $0xFFFFF000  }
0x23: {  	[hbm4b:s13+s2] =	stream.linear.scatter [tilespmem:s1], [sflag:$0x1], $0x1000, $0x38;
	[tilespmem:$0x10200] =	vst v63  }
0x24: {  	_ =	swait.ge [sflag:s19], $0x1000  }
0x25: {  	[sflag:s19] =	ssyncset.done $0x0  }
0x26: {  	s14 =	rddreg [dreg:$0xc];
	[sflag:s19] =	ssyncadd.s32 $0xFFFFF000  }
0x27: {  	[hbm4b:s14+s2] =	stream.linear.scatter [tilespmem:s3], [sflag:$0x1], $0x1000, $0x38;
	[tilespmem:$0x10200] =	vst v63  }
0x28: {  	_ =	swait.ge [sflag:s19], $0x1000  }
0x29: {  	[sflag:s19] =	ssyncset.done $0x0  }
0x2a: {  	s15 =	rddreg [dreg:$0xd];
	[sflag:s19] =	ssyncadd.s32 $0xFFFFF000  }
0x2b: {  	[hbm4b:s15+s2] =	stream.linear.scatter [tilespmem:s5], [sflag:$0x1], $0x1000, $0x38;
	[tilespmem:$0x10200] =	vst v63  }
0x2c: {  	_ =	swait.ge [sflag:s19], $0x1000  }
0x2d: {  	s6 =	sadd.s32 $0x1, s6;
	s16 =	rddreg [dreg:$0xe]  }
0x2e: {  	p0 =	sne.s32 s6, s16  }
.Ltmp1:
0x2f: {  	_ = 	snop;
	(pc) =	sbr.rel @!p0 .LBB2_29-.Ltmp1, $3  }
0x30: {  	_ =	sdelay $0x1  }
0x31: {  	[sflag:s19] =	ssyncset.done $0x0  }
0x32: {  	[sflag:s19] =	ssyncadd.s32 $0xFFFFF000  }
.LBB2_1:
0x33: {  	s7 =	rddreg [dreg:$0x2]  }
0x34: {  	[tilespmem:s2], [sflag:$0x1] =	stream.strided.gather [hbm4b:s7+s17], $0x1000, s18, s17, $0x38;
	[tilespmem:$0x10200] =	vst v63  }
0x35: {  	_ =	swait.ge [sflag:s19], $0x1000  }
0x36: {  	[sflag:s19] =	ssyncset.done $0x0  }
0x37: {  	s12 =	rddreg [dreg:$0x3];
	[sflag:s19] =	ssyncadd.s32 $0xFFFFF000  }
0x38: {  	[tilespmem:s20], [sflag:$0x1] =	stream.strided.gather [hbm4b:s12+s17], $0x1000, s18, s17, $0x38;
	[tilespmem:$0x10200] =	vst v63  }
0x39: {  	_ =	swait.ge [sflag:s19], $0x1000  }
0x3a: {  	[sflag:s19] =	ssyncset.done $0x0  }
0x3b: {  	s13 =	rddreg [dreg:$0x4];
	[sflag:s19] =	ssyncadd.s32 $0xFFFFF000  }
0x3c: {  	[tilespmem:s21], [sflag:$0x1] =	stream.strided.gather [hbm4b:s13+s17], $0x1000, s18, s17, $0x38;
	[tilespmem:$0x10200] =	vst v63  }
0x3d: {  	_ =	swait.ge [sflag:s19], $0x1000  }
0x3e: {  	[sflag:s19] =	ssyncset.done $0x0  }
0x3f: {  	s14 =	rddreg [dreg:$0x5];
	[sflag:s19] =	ssyncadd.s32 $0xFFFFF000  }
0x40: {  	[tilespmem:s22], [sflag:$0x1] =	stream.strided.gather [hbm4b:s14+s17], $0x1000, s18, s17, $0x38;
	[tilespmem:$0x10200] =	vst v63  }
0x41: {  	_ =	swait.ge [sflag:s19], $0x1000  }
0x42: {  	[sflag:s19] =	ssyncset.done $0x0  }
0x43: {  	s15 =	rddreg [dreg:$0x6];
	[sflag:s19] =	ssyncadd.s32 $0xFFFFF000  }
0x44: {  	[tilespmem:s23], [sflag:$0x1] =	stream.strided.gather [hbm4b:s15+s17], $0x1000, s18, s17, $0x38;
	[tilespmem:$0x10200] =	vst v63  }
0x45: {  	_ =	swait.ge [sflag:s19], $0x1000  }
0x46: {  	[sflag:s19] =	ssyncset.done $0x0  }
.Ltmp2:
0x47: {  	s16 =	rddreg [dreg:$0x7];
	[sflag:s19] =	ssyncadd.s32 $0xFFFFF000;
	(pc) =	sbr.rel .LBB2_2-.Ltmp2, $4  }
0x48: {  	[tilespmem:s24], [sflag:$0x1] =	stream.strided.gather [hbm4b:s16+s17], $0x1000, s18, s17, $0x38;
	[tilespmem:$0x10200] =	vst v63  }
0x49: {  	_ =	swait.ge [sflag:s19], $0x1000  }
0x4a: {  	[sflag:s19] =	ssyncset.done $0x0  }
0x4b: {  	s7 =	simm.s32 $0x0;
	[sflag:s19] =	ssyncadd.s32 $0xFFFFF000  }
.LBB2_20:
0x4c: {  	v10 =	vimm.s32 $0x0  }
.LBB2_27:
0x4d: {  	_ =	sdelay $0x3  }
0x4e: {  	v1 =	vld.idx.msk [tilespmem:v9+s2+$0x0], $0xffff;
	_ =	sdelay $0x4  }
0x4f: {  	v1 =	vsub.f32 v0, v1;
	_ =	sdelay $0x1  }
0x50: {  	vm0 =	vgt.f32 v1, $5.000000000e-01  }
0x51: {  	v2 =	vor.u32 s8, v16;
	v3 =	vsel vm0, $0x3F800000, v5  }
0x52: {  	vm5 =	vlt.f32 v1, $-5.000000000e-01;
	v3 =	vsub.f32 v1, v3  }
0x53: {  	v1 =	vsel vm5, $0x3F800000, v5  }
0x54: {  	v1 =	vadd.f32 v3, v1;
	_ =	sdelay $0x1  }
0x55: {  	[tilespmem:v2+s30+$0x0] =	vst.idx.msk $0xffff, v1  }
0x56: {  	v1 =	vld.idx.msk [tilespmem:v10+s2+$0x0], $0xffff;
	_ =	sdelay $0x4  }
0x57: {  	v1 =	vsub.f32 v0, v1;
	_ =	sdelay $0x1  }
0x58: {  	vm6 =	vgt.f32 v1, $5.000000000e-01  }
0x59: {  	v56 =	vor.u32 s8, v11;
	v4 =	vsel vm6, $0x3F800000, v5  }
0x5a: {  	vm7 =	vlt.f32 v1, $-5.000000000e-01;
	v4 =	vsub.f32 v1, v4  }
0x5b: {  	v1 =	vsel vm7, $0x3F800000, v5  }
0x5c: {  	v1 =	vadd.f32 v4, v1;
	_ =	sdelay $0x1  }
0x5d: {  	[tilespmem:v56+s30+$0x0] =	vst.idx.msk $0xffff, v1  }
0x5e: {  	v1 =	vld.idx.msk [tilespmem:v9+s20+$0x0], $0xffff;
	_ =	sdelay $0x4  }
0x5f: {  	v1 =	vsub.f32 v34, v1;
	_ =	sdelay $0x1  }
0x60: {  	vm8 =	vgt.f32 v1, $5.000000000e-01  }
0x61: {  	v57 =	vsel vm8, $0x3F800000, v5  }
0x62: {  	vm9 =	vlt.f32 v1, $-5.000000000e-01;
	v4 =	vsub.f32 v1, v57  }
0x63: {  	v1 =	vsel vm9, $0x3F800000, v5  }
0x64: {  	v1 =	vadd.f32 v4, v1;
	_ =	sdelay $0x1  }
0x65: {  	[tilespmem:v2+s31+$0x0] =	vst.idx.msk $0xffff, v1  }
0x66: {  	v1 =	vld.idx.msk [tilespmem:v10+s20+$0x0], $0xffff;
	_ =	sdelay $0x4  }
0x67: {  	v1 =	vsub.f32 v34, v1;
	_ =	sdelay $0x1  }
0x68: {  	vm10 =	vgt.f32 v1, $5.000000000e-01  }
0x69: {  	v58 =	vsel vm10, $0x3F800000, v5  }
0x6a: {  	vm11 =	vlt.f32 v1, $-5.000000000e-01;
	v4 =	vsub.f32 v1, v58  }
0x6b: {  	v1 =	vsel vm11, $0x3F800000, v5  }
0x6c: {  	v1 =	vadd.f32 v4, v1;
	_ =	sdelay $0x1  }
0x6d: {  	[tilespmem:v56+s31+$0x0] =	vst.idx.msk $0xffff, v1  }
0x6e: {  	v1 =	vld.idx.msk [tilespmem:v9+s21+$0x0], $0xffff;
	_ =	sdelay $0x4  }
0x6f: {  	v1 =	vsub.f32 v33, v1;
	_ =	sdelay $0x1  }
0x70: {  	vm12 =	vgt.f32 v1, $5.000000000e-01  }
0x71: {  	v59 =	vsel vm12, $0x3F800000, v5  }
0x72: {  	vm13 =	vlt.f32 v1, $-5.000000000e-01;
	v4 =	vsub.f32 v1, v59  }
0x73: {  	v1 =	vsel vm13, $0x3F800000, v5  }
0x74: {  	v1 =	vadd.f32 v4, v1;
	_ =	sdelay $0x1  }
0x75: {  	[tilespmem:v2+s0+$0x0] =	vst.idx.msk $0xffff, v1  }
0x76: {  	v1 =	vld.idx.msk [tilespmem:v10+s21+$0x0], $0xffff;
	_ =	sdelay $0x4  }
0x77: {  	v1 =	vsub.f32 v33, v1;
	_ =	sdelay $0x1  }
0x78: {  	vm14 =	vgt.f32 v1, $5.000000000e-01  }
0x79: {  	v60 =	vsel vm14, $0x3F800000, v5  }
0x7a: {  	vm15 =	vlt.f32 v1, $-5.000000000e-01;
	v4 =	vsub.f32 v1, v60  }
0x7b: {  	v1 =	vsel vm15, $0x3F800000, v5  }
0x7c: {  	v1 =	vadd.f32 v4, v1;
	_ =	sdelay $0x1  }
0x7d: {  	v61 =	vld [tilespmem:$0x1FFD0];
	[tilespmem:v56+s0+$0x0] =	vst.idx.msk $0xffff, v1  }
0x7e: {  	v1 =	vld.idx.msk [tilespmem:v9+s22+$0x0], $0xffff;
	_ =	sdelay $0x4  }
0x7f: {  	v1 =	vsub.f32 v61, v1;
	_ =	sdelay $0x1  }
0x80: {  	[tilespmem:v2+s1+$0x0] =	vst.idx.msk $0xffff, v1  }
0x81: {  	v1 =	vld.idx.msk [tilespmem:v10+s22+$0x0], $0xffff;
	_ =	sdelay $0x4  }
0x82: {  	v1 =	vsub.f32 v61, v1;
	_ =	sdelay $0x1  }
0x83: {  	v62 =	vld [tilespmem:$0x1FFE0];
	[tilespmem:v56+s1+$0x0] =	vst.idx.msk $0xffff, v1  }
0x84: {  	v1 =	vld.idx.msk [tilespmem:v9+s23+$0x0], $0xffff;
	_ =	sdelay $0x4  }
0x85: {  	v1 =	vsub.f32 v62, v1;
	_ =	sdelay $0x1  }
0x86: {  	[tilespmem:v2+s3+$0x0] =	vst.idx.msk $0xffff, v1  }
0x87: {  	v1 =	vld.idx.msk [tilespmem:v10+s23+$0x0], $0xffff;
	_ =	sdelay $0x4  }
0x88: {  	v1 =	vsub.f32 v62, v1;
	_ =	sdelay $0x1  }
0x89: {  	v63 =	vld [tilespmem:$0x1FFF0];
	[tilespmem:v56+s3+$0x0] =	vst.idx.msk $0xffff, v1  }
0x8a: {  	v1 =	vld.idx.msk [tilespmem:v9+s24+$0x0], $0xffff;
	_ =	sdelay $0x4  }
0x8b: {  	v1 =	vsub.f32 v63, v1;
	_ =	sdelay $0x1  }
0x8c: {  	[tilespmem:v2+s5+$0x0] =	vst.idx.msk $0xffff, v1  }
0x8d: {  	v1 =	vld.idx.msk [tilespmem:v10+s24+$0x0], $0xffff  }
0x8e: {  	s7 =	sadd.s32 $0x1, s7  }
0x8f: {  	p0 =	sne.s32 s7, $0x40  }
.Ltmp3:
0x90: {  	_ = 	snop;
	(pc) =	sbr.rel @!p0 .LBB2_28-.Ltmp3, $3  }
0x91: {  	_ = 	snop  }
0x92: {  	v1 =	vsub.f32 v63, v1;
	_ =	sdelay $0x1  }
0x93: {  	[tilespmem:v56+s5+$0x0] =	vst.idx.msk $0xffff, v1  }
.LBB2_2:
0x94: {  	s11 =	simm.s32 $0x2020  }
0x95: {  	s12 =	simm.s32 $0x20;
	v7 =	vld [tilespmem:s11+$0x10]  }
0x96: {  	s9 =	sshll.u32 s7, $0x1;
	s13 =	simm.s32 $0x1020;
	v8 =	vld [tilespmem:s12+$0x10]  }
0x97: {  	s8 =	sor.u32 s4, s9;
	v12 =	vld [tilespmem:s13+$0x10]  }
0x98: {  	v13 =	vld [tilespmem:s11+$0x0];
	v3 =	vmov s8  }
0x99: {  	v14 =	vld [tilespmem:s11+$0xFFFFFFF0];
	v3 =	vand.u32 $0xFFFFFFFE, v3  }
0x9a: {  	v15 =	vld [tilespmem:s11+$0xFFFFFFE0];
	v6 =	vbroadcast v3, $0x0  }
0x9b: {  	v16 =	vld [tilespmem:s12+$0x0];
	s8 =	sshllo.u32 s7, $0x1  }
0x9c: {  	v21 =	vld [tilespmem:s13+$0x0];
	s10 =	sor.u32 s4, s8  }
0x9d: {  	v23 =	vld [tilespmem:s12+$0xFFFFFFF0];
	v18 =	vmov s10  }
0x9e: {  	v25 =	vld [tilespmem:s13+$0xFFFFFFF0]  }
0x9f: {  	v27 =	vld [tilespmem:s12+$0xFFFFFFE0]  }
0xa0: {  	s10 =	simm.s32 $0x0;
	v3 =	vld.idx.msk [tilespmem:v6+s21+$0x0], $0xffff  }
0xa1: {  	v1 =	vld.idx.msk [tilespmem:v6+s10+$0x0], $0xffff  }
0xa2: {  	v11 =	vld.idx.msk [tilespmem:v18+s10+$0x0], $0xffff  }
0xa3: {  	v0 =	vld.idx.msk [tilespmem:v18+s20+$0x0], $0xffff  }
0xa4: {  	v9 =	vld.idx.msk [tilespmem:v18+s21+$0x0], $0xffff  }
0xa5: {  	v2 =	vld.idx.msk [tilespmem:v6+s20+$0x0], $0xffff;
	[tilespmem:$0x1FF70] =	vst v3  }
0xa6: {  	v20 =	vsub.f32 v1, v8;
	v31 =	vsub.f32 v1, v16;
	v28 =	vld [tilespmem:s13+$0xFFFFFFE0]  }
0xa7: {  	v34 =	vsub.f32 v1, v23;
	v38 =	vsub.f32 v1, v27;
	[tilespmem:$0x1FF80] =	vst v1;
	v1 =	vld.idx.msk [tilespmem:v6+s22+$0x0], $0xffff;
	_ =	sdelay $0x1  }
0xa8: {  	v30 =	vsub.f32 v9, v15;
	v33 =	vsub.f32 v11, v16  }
0xa9: {  	v36 =	vsub.f32 v11, v23;
	v37 =	vsub.f32 v0, v25  }
0xaa: {  	v40 =	vsub.f32 v11, v27;
	v19 =	vsub.f32 v3, v7  }
0xab: {  	v7 =	vsub.f32 v9, v7;
	v22 =	vsub.f32 v2, v12;
	[tilespmem:$0x1FFA0] =	vst v1;
	v1 =	vld.idx.msk [tilespmem:v6+s23+$0x0], $0xffff  }
0xac: {  	v8 =	vsub.f32 v11, v8;
	v12 =	vsub.f32 v0, v12  }
0xad: {  	v17 =	vimm.s32 $0x0;
	v24 =	vsub.f32 v3, v13;
	v13 =	vsub.f32 v9, v13  }
0xae: {  	v5 =	vimm.s32 $0x0;
	v26 =	vsub.f32 v3, v14;
	v14 =	vsub.f32 v9, v14  }
0xaf: {  	v10 =	vlaneseq.u32;
	v29 =	vsub.f32 v3, v15;
	v32 =	vsub.f32 v2, v21  }
0xb0: {  	v21 =	vsub.f32 v0, v21;
	v15 =	vshll.u32 v17, $0x4;
	v35 =	vsub.f32 v2, v25;
	[tilespmem:$0x1FFB0] =	vst v1;
	v1 =	vld.idx.msk [tilespmem:v6+s24+$0x0], $0xffff  }
0xb1: {  	v16 =	vor.u32 v39, v15;
	v15 =	vor.u32 v39, v15;
	v30 =	vand.u32 $0x7FFFFFFF, v30  }
0xb2: {  	v19 =	vand.u32 $0x7FFFFFFF, v19;
	v48 =	vand.u32 $0x7FFFFFFF, v20;
	v60 =	vand.u32 $0x7FFFFFFF, v22  }
0xb3: {  	v7 =	vand.u32 $0x7FFFFFFF, v7;
	v23 =	vand.u32 $0x7FFFFFFF, v24;
	v62 =	vand.u32 $0x7FFFFFFF, v8  }
0xb4: {  	v63 =	vand.u32 $0x7FFFFFFF, v12;
	v27 =	vand.u32 $0x7FFFFFFF, v26;
	v24 =	vand.u32 $0x7FFFFFFF, v14  }
0xb5: {  	v29 =	vand.u32 $0x7FFFFFFF, v29;
	v26 =	vand.u32 $0x7FFFFFFF, v31;
	v53 =	vsub.f32 $1.000000000e+00, v30;
	[tilespmem:$0x1FFC0] =	vst v1;
	v1 =	vld.idx.msk [tilespmem:v18+s22+$0x0], $0xffff  }
0xb6: {  	v25 =	vand.u32 $0x7FFFFFFF, v32;
	v61 =	vsub.f32 $1.000000000e+00, v19;
	v8 =	vsub.f32 $1.000000000e+00, v7  }
0xb7: {  	v31 =	vand.u32 $0x7FFFFFFF, v33;
	v59 =	vsub.f32 $1.000000000e+00, v48;
	v12 =	vsub.f32 $1.000000000e+00, v60  }
0xb8: {  	v22 =	vand.u32 $0x7FFFFFFF, v21;
	v14 =	vsub.f32 $1.000000000e+00, v63;
	v43 =	vsub.f32 $1.000000000e+00, v23  }
0xb9: {  	v32 =	vand.u32 $0x7FFFFFFF, v34;
	v51 =	vsub.f32 $1.000000000e+00, v27;
	v46 =	vsub.f32 $1.000000000e+00, v24  }
0xba: {  	v21 =	vand.u32 $0x7FFFFFFF, v35;
	v52 =	vsub.f32 $1.000000000e+00, v29;
	v54 =	vsub.f32 $1.000000000e+00, v26;
	[tilespmem:$0x1FFD0] =	vst v1;
	v1 =	vld.idx.msk [tilespmem:v18+s23+$0x0], $0xffff  }
0xbb: {  	v33 =	vand.u32 $0x7FFFFFFF, v36;
	v56 =	vsub.f32 $1.000000000e+00, v25;
	v57 =	vsub.f32 $1.000000000e+00, v31  }
0xbc: {  	v20 =	vand.u32 $0x7FFFFFFF, v37;
	v58 =	vsub.f32 $1.000000000e+00, v22;
	v55 =	vsub.f32 $1.000000000e+00, v32  }
0xbd: {  	v36 =	vand.u32 $0x7FFFFFFF, v38;
	v50 =	vsub.f32 $1.000000000e+00, v21;
	v47 =	vsub.f32 $1.000000000e+00, v33  }
0xbe: {  	v35 =	vand.u32 $0x7FFFFFFF, v40;
	v42 =	vsub.f32 $1.000000000e+00, v20;
	v49 =	vsub.f32 $1.000000000e+00, v36  }
0xbf: {  	v59 =	vmin.f32 v48, v59;
	v61 =	vmin.f32 v19, v61;
	v19 =	vor.u32 s10, v10;
	[tilespmem:$0x1FFE0] =	vst v1;
	v1 =	vld.idx.msk [tilespmem:v18+s24+$0x0], $0xffff  }
0xc0: {  	v38 =	vmin.f32 v7, v8;
	v60 =	vmin.f32 v60, v12;
	v39 =	vsub.f32 v2, v28  }
0xc1: {  	v41 =	vsub.f32 v0, v28;
	v28 =	vand.u32 $0x7FFFFFFF, v13;
	v13 =	vsub.f32 $1.000000000e+00, v62  }
0xc2: {  	v48 =	vsub.f32 $1.000000000e+00, v35;
	v44 =	vsub.f32 $1.000000000e+00, v28;
	v37 =	vand.u32 $0x7FFFFFFF, v39  }
0xc3: {  	[tilespmem:$0x1FF90] =	vst v2;
	v34 =	vand.u32 $0x7FFFFFFF, v41;
	v40 =	vmin.f32 v62, v13;
	v41 =	vmin.f32 v63, v14  }
0xc4: {  	s14 =	simm.s32 $0x40;
	v45 =	vsub.f32 $1.000000000e+00, v37;
	v39 =	vsub.f32 $1.000000000e+00, v34;
	v18 =	vimm.s32 $0x0;
	[tilespmem:$0x1FFF0] =	vst v1  }
.LBB2_3:
0xc5: {  	v40 =	vmul.f32 v40, v40  }
0xc6: {  	v41 =	vmul.f32 v41, v41;
	v12 =	vmin.f32 v27, v51;
	v13 =	vmin.f32 v23, v43  }
0xc7: {  	v14 =	vmin.f32 v28, v44;
	v23 =	vmin.f32 v29, v52;
	v27 =	vmin.f32 v30, v53  }
0xc8: {  	v24 =	vmin.f32 v24, v46;
	v26 =	vmin.f32 v26, v54;
	v25 =	vmin.f32 v25, v56  }
0xc9: {  	v28 =	vmin.f32 v31, v57;
	v22 =	vmin.f32 v22, v58;
	v29 =	vmul.f32 v61, v61  }
0xca: {  	v30 =	vmul.f32 v38, v38;
	v31 =	vmin.f32 v32, v55;
	v44 =	vmul.f32 v59, v59  }
0xcb: {  	v46 =	vmul.f32 v60, v60;
	v21 =	vmin.f32 v21, v50;
	v33 =	vmin.f32 v33, v47  }
0xcc: {  	v20 =	vmin.f32 v20, v42;
	v13 =	vmul.f32 v13, v13;
	v14 =	vmul.f32 v14, v14  }
0xcd: {  	v36 =	vmin.f32 v36, v49;
	v26 =	vmul.f32 v26, v26;
	v25 =	vmul.f32 v25, v25  }
0xce: {  	v37 =	vmin.f32 v37, v45;
	v28 =	vmul.f32 v28, v28;
	v22 =	vmul.f32 v22, v22  }
0xcf: {  	v35 =	vmin.f32 v35, v48;
	v31 =	vmul.f32 v31, v31;
	v21 =	vmul.f32 v21, v21  }
0xd0: {  	v3 =	vld [tilespmem:$0x1FF70];
	v34 =	vmin.f32 v34, v39;
	v33 =	vmul.f32 v33, v33;
	v20 =	vmul.f32 v20, v20  }
0xd1: {  	v1 =	vld [tilespmem:$0x1FF80];
	v36 =	vmul.f32 v36, v36;
	v37 =	vmul.f32 v37, v37;
	v51 =	vadd.f32 v41, v40  }
0xd2: {  	s12 =	sadd.s32 $0x40, s12;
	v2 =	vld [tilespmem:$0x1FF90];
	v35 =	vmul.f32 v35, v35;
	v32 =	vadd.f32 v46, v44;
	v25 =	vadd.f32 v25, v26  }
0xd3: {  	s13 =	sadd.s32 $0x40, s13;
	v53 =	vld [tilespmem:s12+$0x10];
	v34 =	vmul.f32 v34, v34;
	v22 =	vadd.f32 v22, v28;
	v21 =	vadd.f32 v21, v31  }
0xd4: {  	s11 =	sadd.s32 $0x40, s11;
	v55 =	vld [tilespmem:s13+$0x10];
	v12 =	vmul.f32 v12, v12;
	v26 =	vadd.f32 v20, v33;
	v28 =	vadd.f32 v37, v36  }
0xd5: {  	v57 =	vld [tilespmem:s11+$0x0];
	v52 =	vmul.f32 v24, v24;
	v31 =	vadd.f32 v34, v35;
	v30 =	vadd.f32 v30, v51  }
0xd6: {  	v60 =	vld [tilespmem:s12+$0x0];
	v23 =	vmul.f32 v23, v23;
	v29 =	vadd.f32 v29, v32;
	v24 =	vadd.f32 v13, v25  }
0xd7: {  	v61 =	vld [tilespmem:s12+$0xFFFFFFF0];
	v27 =	vmul.f32 v27, v27;
	v25 =	vadd.f32 v14, v22;
	v22 =	vadd.f32 v12, v21  }
0xd8: {  	v62 =	vld [tilespmem:s13+$0xFFFFFFF0];
	v21 =	vadd.f32 v52, v26;
	v12 =	vadd.f32 v23, v28  }
0xd9: {  	v13 =	vadd.f32 v27, v31;
	v39 =	vsub.f32 v2, v55  }
0xda: {  	v32 =	vsub.f32 v11, v53;
	v34 =	vsub.f32 v0, v55  }
0xdb: {  	s15 =	sadd.s32 $0x10, s10;
	v42 =	vsub.f32 v3, v57;
	v36 =	vsub.f32 v9, v57  }
0xdc: {  	v20 =	vor.u32 s15, v10;
	v48 =	vsub.f32 v1, v60;
	v35 =	vsub.f32 v11, v60  }
0xdd: {  	vm4 =	vlt.f32 v30, $2.400000020e-02;
	v51 =	vsub.f32 v1, v61;
	v52 =	vsub.f32 v2, v62  }
0xde: {  	v40 =	vsub.f32 v11, v61;
	v41 =	vsub.f32 v0, v62;
	vm5 =	vlt.f32 v29, $2.400000020e-02  }
0xdf: {  	vm3 =	vlt.f32 v24, $2.400000020e-02;
	vm2 =	vlt.f32 v25, $2.400000020e-02;
	vm7 =	vlt.f32 v12, $2.400000020e-02  }
0xe0: {  	vm1 =	vlt.f32 v22, $2.400000020e-02;
	vm0 =	vlt.f32 v21, $2.400000020e-02;
	vm6 =	vlt.f32 v13, $2.400000020e-02  }
0xe1: {  	v31 =	vld [tilespmem:s11+$0x10];
	v23 =	vsel vm5, $0x1, v5;
	v62 =	vand.u32 $0x7FFFFFFF, v39;
	v8 =	vand.u32 $0x7FFFFFFF, v32  }
0xe2: {  	v7 =	vand.u32 $0x7FFFFFFF, v34;
	v32 =	vand.u32 $0x7FFFFFFF, v51;
	v14 =	vsel vm3, $0x1, v5  }
0xe3: {  	v26 =	vsel vm7, $0x1, v5;
	v27 =	vsel vm6, $0x1, v5;
	v28 =	vsel vm1, $0x1, v5  }
0xe4: {  	v4 =	vsub.f32 $1.000000000e+00, v7;
	v26 =	vadd.s32 v26, v17;
	v27 =	vadd.s32 v27, v18  }
0xe5: {  	v17 =	vsel vm0, $0x1, v5;
	v18 =	vsel vm4, $0x1, v5;
	v28 =	vadd.s32 v28, v26  }
0xe6: {  	v54 =	vadd.s32 v17, v27;
	v17 =	vsel vm2, $0x1, v5;
	v38 =	vsub.f32 v3, v31  }
0xe7: {  	v31 =	vsub.f32 v9, v31;
	v14 =	vadd.s32 v14, v28;
	v56 =	vadd.s32 v17, v54  }
0xe8: {  	v17 =	vadd.s32 v23, v14;
	v18 =	vadd.s32 v18, v56;
	v23 =	vshll.u32 v54, $0x4  }
0xe9: {  	v38 =	vand.u32 $0x7FFFFFFF, v38;
	[tilespmem:v16+s25+$0x0] =	vst.idx.msk vm7, v12;
	v12 =	vshll.u32 v14, $0x4;
	v14 =	vld [tilespmem:s11+$0xFFFFFFF0];
	v59 =	vshll.u32 v17, $0x4  }
0xea: {  	v46 =	vor.u32 v10, v23;
	[tilespmem:v16+s26+$0x0] =	vst.idx.msk vm7, v19;
	v16 =	vshll.u32 v28, $0x4;
	v12 =	vor.u32 v10, v12  }
0xeb: {  	v28 =	vshll.u32 v56, $0x4;
	v58 =	vld [tilespmem:s11+$0xFFFFFFE0];
	[tilespmem:v15+s28+$0x0] =	vst.idx.msk vm6, v13;
	v13 =	vshll.u32 v26, $0x4;
	v26 =	vshll.u32 v27, $0x4  }
0xec: {  	v27 =	vshll.u32 v18, $0x4;
	v28 =	vor.u32 v10, v28;
	v43 =	vor.u32 v10, v16;
	[tilespmem:v15+s29+$0x0] =	vst.idx.msk vm6, v19;
	v15 =	vld [tilespmem:s13+$0x0]  }
0xed: {  	s15 =	sadd.s32 $0x30, s10;
	v16 =	vor.u32 v10, v59;
	v19 =	vsub.f32 v1, v53;
	v13 =	vor.u32 v10, v13;
	v63 =	vld [tilespmem:s12+$0xFFFFFFE0]  }
0xee: {  	v50 =	vor.u32 v10, v26;
	v26 =	vor.u32 s15, v10;
	v23 =	vld [tilespmem:s13+$0xFFFFFFE0];
	v45 =	vsub.f32 v3, v14  }
0xef: {  	s16 =	sadd.s32 $0x20, s10;
	v14 =	vsub.f32 v9, v14;
	v61 =	vand.u32 $0x7FFFFFFF, v19;
	v19 =	vor.u32 s14, v10;
	[tilespmem:v12+s25+$0x0] =	vst.idx.msk vm5, v29  }
0xf0: {  	v47 =	vsub.f32 v3, v58;
	v33 =	vsub.f32 v9, v58;
	v58 =	vor.u32 s16, v10;
	[tilespmem:v12+s26+$0x0] =	vst.idx.msk vm5, v26  }
0xf1: {  	[tilespmem:v43+s25+$0x0] =	vst.idx.msk vm3, v24;
	v24 =	vand.u32 $0x7FFFFFFF, v14;
	v14 =	vsub.f32 $1.000000000e+00, v38;
	v3 =	vsub.f32 $1.000000000e+00, v8  }
0xf2: {  	v49 =	vsub.f32 v2, v15;
	v37 =	vsub.f32 v0, v15;
	v15 =	vor.u32 v10, v27  }
0xf3: {  	[tilespmem:v28+s28+$0x0] =	vst.idx.msk vm4, v30;
	v27 =	vand.u32 $0x7FFFFFFF, v45;
	v55 =	vsub.f32 v1, v63;
	v59 =	vsub.f32 v2, v23  }
0xf4: {  	[tilespmem:v43+s26+$0x0] =	vst.idx.msk vm3, v58;
	v12 =	vsub.f32 v11, v63;
	v60 =	vsub.f32 v0, v23;
	v63 =	vand.u32 $0x7FFFFFFF, v31  }
0xf5: {  	[tilespmem:v28+s29+$0x0] =	vst.idx.msk vm4, v26;
	v23 =	vand.u32 $0x7FFFFFFF, v42;
	v28 =	vand.u32 $0x7FFFFFFF, v36;
	v29 =	vand.u32 $0x7FFFFFFF, v47  }
0xf6: {  	[tilespmem:v13+s25+$0x0] =	vst.idx.msk vm1, v22;
	v30 =	vand.u32 $0x7FFFFFFF, v33;
	v26 =	vand.u32 $0x7FFFFFFF, v48;
	v2 =	vsub.f32 $1.000000000e+00, v61  }
0xf7: {  	[tilespmem:v46+s28+$0x0] =	vst.idx.msk vm2, v25;
	v31 =	vand.u32 $0x7FFFFFFF, v35;
	v1 =	vsub.f32 $1.000000000e+00, v62;
	v51 =	vsub.f32 $1.000000000e+00, v27  }
0xf8: {  	[tilespmem:v13+s26+$0x0] =	vst.idx.msk vm1, v20;
	v33 =	vand.u32 $0x7FFFFFFF, v40;
	v40 =	vmin.f32 v8, v3;
	v6 =	vsub.f32 $1.000000000e+00, v63  }
0xf9: {  	v25 =	vand.u32 $0x7FFFFFFF, v49;
	[tilespmem:v46+s29+$0x0] =	vst.idx.msk vm2, v58;
	v43 =	vsub.f32 $1.000000000e+00, v23;
	v44 =	vsub.f32 $1.000000000e+00, v28  }
0xfa: {  	[tilespmem:v50+s28+$0x0] =	vst.idx.msk vm0, v21;
	v21 =	vand.u32 $0x7FFFFFFF, v52;
	v46 =	vsub.f32 $1.000000000e+00, v24;
	v52 =	vsub.f32 $1.000000000e+00, v29  }
0xfb: {  	v22 =	vand.u32 $0x7FFFFFFF, v37;
	v53 =	vsub.f32 $1.000000000e+00, v30;
	v54 =	vsub.f32 $1.000000000e+00, v26  }
0xfc: {  	v57 =	vsub.f32 $1.000000000e+00, v31;
	v47 =	vsub.f32 $1.000000000e+00, v33;
	[tilespmem:v50+s29+$0x0] =	vst.idx.msk vm0, v20;
	v20 =	vand.u32 $0x7FFFFFFF, v41  }
0xfd: {  	p0 =	slt.u32 s14, $0xFC0;
	v56 =	vsub.f32 $1.000000000e+00, v25;
	v36 =	vand.u32 $0x7FFFFFFF, v55;
	v58 =	vsub.f32 $1.000000000e+00, v22  }
.Ltmp4:
0xfe: {  	v37 =	vand.u32 $0x7FFFFFFF, v59;
	v55 =	vsub.f32 $1.000000000e+00, v32;
	v50 =	vsub.f32 $1.000000000e+00, v21;
	(pc) =	sbr.rel @p0 .LBB2_3-.Ltmp4, $4  }
0xff: {  	v35 =	vand.u32 $0x7FFFFFFF, v12;
	v34 =	vand.u32 $0x7FFFFFFF, v60;
	v59 =	vmin.f32 v61, v2  }
0x100: {  	v61 =	vmin.f32 v38, v14;
	v60 =	vmin.f32 v62, v1;
	v42 =	vsub.f32 $1.000000000e+00, v20  }
0x101: {  	v41 =	vmin.f32 v7, v4;
	v49 =	vsub.f32 $1.000000000e+00, v36;
	v45 =	vsub.f32 $1.000000000e+00, v37  }
0x102: {  	s10 =	smov.u32 s14;
	s14 =	sadd.s32 $0x40, s14;
	v48 =	vsub.f32 $1.000000000e+00, v35;
	v39 =	vsub.f32 $1.000000000e+00, v34;
	v38 =	vmin.f32 v63, v6  }
0x103: {  	v1 =	vmin.f32 v27, v51  }
0x104: {  	v2 =	vmin.f32 v23, v43;
	v3 =	vmin.f32 v28, v44;
	v4 =	vmin.f32 v29, v52  }
0x105: {  	v6 =	vmin.f32 v30, v53;
	v7 =	vmin.f32 v24, v46;
	v8 =	vmin.f32 v26, v54  }
0x106: {  	v12 =	vmin.f32 v25, v56;
	v13 =	vmin.f32 v31, v57;
	v14 =	vmin.f32 v22, v58  }
0x107: {  	v22 =	vmul.f32 v61, v61;
	v23 =	vmul.f32 v59, v59;
	v51 =	vmin.f32 v32, v55  }
0x108: {  	v52 =	vmul.f32 v60, v60;
	v21 =	vmin.f32 v21, v50;
	v60 =	vmul.f32 v40, v40  }
0x109: {  	v53 =	vmin.f32 v36, v49;
	v2 =	vmul.f32 v2, v2;
	v8 =	vmul.f32 v8, v8  }
0x10a: {  	v54 =	vmin.f32 v37, v45;
	v12 =	vmul.f32 v12, v12;
	v13 =	vmul.f32 v13, v13  }
0x10b: {  	v55 =	vmin.f32 v33, v47;
	v26 =	vmul.f32 v53, v53;
	v27 =	vmul.f32 v54, v54  }
0x10c: {  	v20 =	vmin.f32 v20, v42;
	v24 =	vmul.f32 v51, v51;
	v21 =	vmul.f32 v21, v21  }
0x10d: {  	v56 =	vmin.f32 v35, v48;
	v4 =	vmul.f32 v4, v4;
	v57 =	vmul.f32 v55, v55  }
0x10e: {  	v1 =	vmul.f32 v1, v1;
	v58 =	vmin.f32 v34, v39;
	v59 =	vmul.f32 v20, v20  }
0x10f: {  	v6 =	vmul.f32 v6, v6;
	v26 =	vadd.f32 v27, v26;
	v21 =	vadd.f32 v21, v24  }
0x110: {  	v14 =	vmul.f32 v14, v14;
	v23 =	vadd.f32 v52, v23;
	v8 =	vadd.f32 v12, v8  }
0x111: {  	v7 =	vmul.f32 v7, v7;
	v4 =	vadd.f32 v4, v26;
	v1 =	vadd.f32 v1, v21  }
0x112: {  	v12 =	vmul.f32 v56, v56;
	v2 =	vadd.f32 v2, v8;
	v8 =	vadd.f32 v22, v23  }
0x113: {  	v21 =	vmul.f32 v58, v58;
	vm4 =	vlt.f32 v4, $2.400000020e-02;
	vm0 =	vlt.f32 v1, $2.400000020e-02  }
0x114: {  	vm1 =	vlt.f32 v2, $2.400000020e-02;
	vm2 =	vlt.f32 v8, $2.400000020e-02;
	v22 =	vsel vm4, $0x1, v5  }
0x115: {  	v12 =	vadd.f32 v21, v12;
	v23 =	vsel vm0, $0x1, v5;
	v17 =	vadd.s32 v22, v17  }
0x116: {  	v21 =	vadd.f32 v59, v57;
	v22 =	vsel vm1, $0x1, v5;
	v23 =	vadd.s32 v23, v17  }
0x117: {  	v20 =	vsel vm2, $0x1, v5;
	v6 =	vadd.f32 v6, v12;
	v22 =	vadd.s32 v22, v23  }
0x118: {  	v61 =	vmul.f32 v41, v41;
	v3 =	vmul.f32 v3, v3;
	v20 =	vadd.s32 v20, v22  }
0x119: {  	v12 =	vadd.f32 v14, v13;
	v7 =	vadd.f32 v7, v21;
	vm6 =	vlt.f32 v6, $2.400000020e-02;
	(xrf0) =	vadd.scan.msk.s32 $0xffff, v20  }
0x11a: {  	v13 =	vmul.f32 v38, v38;
	v14 =	vadd.f32 v61, v60  }
0x11b: {  	v3 =	vadd.f32 v3, v12;
	vm3 =	vlt.f32 v7, $2.400000020e-02;
	v12 =	vsel vm6, $0x1, v5  }
0x11c: {  	v12 =	vadd.s32 v12, v18;
	v18 =	vsel vm3, $0x1, v5  }
0x11d: {  	v13 =	vadd.f32 v13, v14;
	[tilespmem:v16+s25+$0x0] =	vst.idx.msk vm4, v4  }
0x11e: {  	v22 =	vshll.u32 v22, $0x4;
	vm5 =	vlt.f32 v3, $2.400000020e-02;
	[tilespmem:v16+s26+$0x0] =	vst.idx.msk vm4, v19;
	v16 =	vshll.u32 v23, $0x4  }
0x11f: {  	v14 =	vadd.s32 v18, v12;
	v21 =	vsel vm5, $0x1, v5;
	[tilespmem:v15+s28+$0x0] =	vst.idx.msk vm6, v6;
	v6 =	vor.u32 v10, v16;
	v18, _, _ =	vpop (xrf0)  }
0x120: {  	(v2sf) =	vpush v18, $0xF;
	v18 =	vadd.s32 v21, v14;
	v21 =	vor.u32 v10, v22  }
0x121: {  	vm7 =	vlt.f32 v13, $2.400000020e-02;
	v4 =	vshll.u32 v18, $0x4  }
0x122: {  	v4 =	vor.u32 v10, v4  }
0x123: {  	[tilespmem:v15+s29+$0x0] =	vst.idx.msk vm6, v19  }
0x124: {  	s11 =	sadd.s32 $0x30, s10;
	v14 =	vshll.u32 v14, $0x4;
	[tilespmem:v6+s25+$0x0] =	vst.idx.msk vm1, v2  }
0x125: {  	v15 =	vor.u32 s11, v10;
	[tilespmem:v21+s25+$0x0] =	vst.idx.msk vm2, v8;
	v8 =	vor.u32 v10, v14  }
0x126: {  	v14 =	vshll.u32 v17, $0x4;
	[tilespmem:v21+s26+$0x0] =	vst.idx.msk vm2, v15  }
0x127: {  	s14 =	sadd.s32 $0x20, s10;
	[tilespmem:v4+s28+$0x0] =	vst.idx.msk vm7, v13;
	v13 =	vor.u32 v10, v14  }
0x128: {  	[tilespmem:v4+s29+$0x0] =	vst.idx.msk vm7, v15;
	v4 =	vshll.u32 v12, $0x4;
	v12 =	vor.u32 s14, v10  }
0x129: {  	v2 =	vor.u32 v10, v4;
	[tilespmem:v6+s26+$0x0] =	vst.idx.msk vm1, v12  }
0x12a: {  	[tilespmem:v8+s28+$0x0] =	vst.idx.msk vm5, v3  }
0x12b: {  	s15 =	sadd.s32 $0x10, s10;
	[tilespmem:v8+s29+$0x0] =	vst.idx.msk vm5, v12  }
0x12c: {  	v3 =	vor.u32 s15, v10;
	[tilespmem:v13+s25+$0x0] =	vst.idx.msk vm0, v1  }
0x12d: {  	[tilespmem:v13+s26+$0x0] =	vst.idx.msk vm0, v3  }
0x12e: {  	[tilespmem:v2+s28+$0x0] =	vst.idx.msk vm3, v7  }
0x12f: {  	s16 =	spop (v2sf);
	[tilespmem:v2+s29+$0x0] =	vst.idx.msk vm3, v3  }
0x130: {  	v62 =	vmov v9;
	p0 =	sgt.s32 s16, $0x1F;
	v9 =	vld [tilespmem:$0x1FF70]  }
.Ltmp5:
0x131: {  	v10 =	vld [tilespmem:$0x1FF90];
	(pc) =	sbr.rel @p0 .LBB2_8-.Ltmp5, $3  }
0x132: {  	v63 =	vmov v0;
	v0 =	vmov v11;
	v11 =	vld [tilespmem:$0x1FF80];
	_ =	sdelay $0x1  }
0x133: {  	v39 =	vlaneseq.u32;
	v1 =	vsel vm7, $0x1, v5  }
0x134: {  	v38 =	vimm.s32 $0x0;
	v5 =	vimm.f32 $0.0e+00;
	v15 =	vadd.s32 v1, v18  }
0x135: {  	s10 =	simm.s32 $0x2020  }
0x136: {  	s11 =	simm.s32 $0x20;
	v1 =	vld [tilespmem:s10+$0x10]  }
0x137: {  	s12 =	simm.s32 $0x1020;
	v2 =	vld [tilespmem:s11+$0x10]  }
0x138: {  	v3 =	vld [tilespmem:s12+$0x10]  }
0x139: {  	v4 =	vld [tilespmem:s10+$0x0]  }
0x13a: {  	v6 =	vld [tilespmem:s10+$0xFFFFFFF0]  }
0x13b: {  	v7 =	vld [tilespmem:s10+$0xFFFFFFE0]  }
0x13c: {  	v8 =	vld [tilespmem:s11+$0x0]  }
0x13d: {  	v12 =	vld [tilespmem:s12+$0x0]  }
0x13e: {  	v13 =	vld [tilespmem:s11+$0xFFFFFFF0]  }
0x13f: {  	v14 =	vld [tilespmem:s12+$0xFFFFFFF0]  }
0x140: {  	v16 =	vld [tilespmem:s11+$0xFFFFFFE0]  }
0x141: {  	v17 =	vld [tilespmem:s12+$0xFFFFFFE0];
	v2 =	vsub.f32 v11, v2;
	v1 =	vsub.f32 v9, v1  }
0x142: {  	v4 =	vsub.f32 v9, v4;
	v3 =	vsub.f32 v10, v3  }
0x143: {  	v7 =	vsub.f32 v9, v7;
	v6 =	vsub.f32 v9, v6  }
0x144: {  	v8 =	vsub.f32 v11, v8;
	v12 =	vsub.f32 v10, v12  }
0x145: {  	v22 =	vimm.s32 $0x0;
	v13 =	vsub.f32 v11, v13;
	v14 =	vsub.f32 v10, v14  }
0x146: {  	v18 =	vshll.u32 v22, $0x4;
	v16 =	vsub.f32 v11, v16;
	v17 =	vsub.f32 v10, v17  }
0x147: {  	v1 =	vand.u32 $0x7FFFFFFF, v1;
	v4 =	vand.u32 $0x7FFFFFFF, v4;
	v2 =	vand.u32 $0x7FFFFFFF, v2  }
0x148: {  	v3 =	vand.u32 $0x7FFFFFFF, v3;
	v7 =	vand.u32 $0x7FFFFFFF, v7;
	v6 =	vand.u32 $0x7FFFFFFF, v6  }
0x149: {  	v8 =	vand.u32 $0x7FFFFFFF, v8;
	v12 =	vand.u32 $0x7FFFFFFF, v12;
	v19 =	vsub.f32 $1.000000000e+00, v2  }
0x14a: {  	v13 =	vand.u32 $0x7FFFFFFF, v13;
	v20 =	vsub.f32 $1.000000000e+00, v1;
	v21 =	vsub.f32 $1.000000000e+00, v4  }
0x14b: {  	v14 =	vand.u32 $0x7FFFFFFF, v14;
	v23 =	vsub.f32 $1.000000000e+00, v3;
	v24 =	vsub.f32 $1.000000000e+00, v7  }
0x14c: {  	v26 =	vand.u32 $0x7FFFFFFF, v16;
	v25 =	vsub.f32 $1.000000000e+00, v6;
	v27 =	vsub.f32 $1.000000000e+00, v8  }
0x14d: {  	v17 =	vand.u32 $0x7FFFFFFF, v17;
	v28 =	vsub.f32 $1.000000000e+00, v12;
	v29 =	vsub.f32 $1.000000000e+00, v13  }
0x14e: {  	v16 =	vor.u32 v39, v18;
	v30 =	vsub.f32 $1.000000000e+00, v14;
	v18 =	vsub.f32 $1.000000000e+00, v26  }
0x14f: {  	v31 =	vsub.f32 $1.000000000e+00, v17;
	v2 =	vmin.f32 v2, v19;
	v3 =	vmin.f32 v3, v23  }
0x150: {  	v1 =	vmin.f32 v1, v20;
	v7 =	vmin.f32 v7, v24;
	v6 =	vmin.f32 v6, v25  }
0x151: {  	v18 =	vmin.f32 v26, v18;
	v13 =	vmin.f32 v13, v29;
	v8 =	vmin.f32 v8, v27  }
0x152: {  	v17 =	vmin.f32 v17, v31;
	v7 =	vmul.f32 v7, v7;
	v2 =	vmul.f32 v2, v2  }
0x153: {  	v14 =	vmin.f32 v14, v30;
	v18 =	vmul.f32 v18, v18;
	v17 =	vmul.f32 v17, v17  }
0x154: {  	v12 =	vmin.f32 v12, v28;
	v13 =	vmul.f32 v13, v13;
	v14 =	vmul.f32 v14, v14  }
0x155: {  	s12 =	simm.s32 $0x2060;
	v4 =	vmin.f32 v4, v21;
	v8 =	vmul.f32 v8, v8;
	v12 =	vmul.f32 v12, v12  }
0x156: {  	s14 =	simm.s32 $0x1060;
	v25 =	vld [tilespmem:s12+$0x10];
	v6 =	vmul.f32 v6, v6;
	v3 =	vmul.f32 v3, v3;
	v17 =	vadd.f32 v17, v18  }
0x157: {  	s13 =	simm.s32 $0x60;
	v32 =	vld [tilespmem:s14+$0xFFFFFFF0];
	v4 =	vmul.f32 v4, v4;
	v13 =	vadd.f32 v14, v13;
	v8 =	vadd.f32 v12, v8  }
0x158: {  	v34 =	vld [tilespmem:s13+$0xFFFFFFE0];
	v1 =	vmul.f32 v1, v1;
	v2 =	vadd.f32 v3, v2;
	v7 =	vadd.f32 v7, v17  }
0x159: {  	v14 =	vld [tilespmem:s13+$0x10];
	v18 =	vadd.f32 v6, v13  }
0x15a: {  	v3 =	vld [tilespmem:s12+$0x0];
	v19 =	vadd.f32 v4, v8;
	v20 =	vadd.f32 v1, v2;
	vm2 =	vlt.f32 v7, $4.000000000e+00  }
0x15b: {  	v26 =	vld [tilespmem:s12+$0xFFFFFFF0];
	v27 =	vsub.f32 v9, v25;
	vm0 =	vlt.f32 v18, $4.000000000e+00;
	v4 =	vsel vm2, $0x1, v38  }
0x15c: {  	v12 =	vld [tilespmem:s14+$0x10];
	vm1 =	vlt.f32 v19, $4.000000000e+00;
	v2 =	vsel vm0, $0x1, v38;
	v1 =	vadd.s32 v4, v22  }
0x15d: {  	v28 =	vld [tilespmem:s12+$0xFFFFFFE0];
	vm3 =	vlt.f32 v20, $4.000000000e+00;
	v4 =	vsel vm1, $0x1, v38;
	v2 =	vadd.s32 v2, v1  }
0x15e: {  	v29 =	vld [tilespmem:s13+$0x0];
	v33 =	vsub.f32 v11, v14;
	v6 =	vshll.u32 v2, $0x4;
	v2 =	vadd.s32 v4, v2  }
0x15f: {  	v30 =	vld [tilespmem:s14+$0x0];
	v37 =	vsub.f32 v9, v3;
	v4 =	vsel vm3, $0x1, v38;
	v8 =	vshll.u32 v2, $0x4  }
0x160: {  	v31 =	vld [tilespmem:s13+$0xFFFFFFF0];
	v1 =	vshll.u32 v1, $0x4;
	v17 =	vadd.s32 v4, v2;
	v24 =	vor.u32 v39, v8  }
0x161: {  	s10 =	simm.s32 $0x0;
	v35 =	vld [tilespmem:s14+$0xFFFFFFE0];
	v36 =	vsub.f32 v10, v12;
	v22 =	vor.u32 v39, v1;
	v2 =	vshll.u32 v17, $0x4  }
0x162: {  	s15 =	simm.s32 $0x80;
	s16 =	simm.s32 $0x10;
	s11 =	simm.s32 $0x40;
	v21 =	vor.u32 s10, v39;
	v23 =	vor.u32 v39, v6;
	[tilespmem:v16+s25+$0x0] =	vst.idx.msk vm2, v7;
	v25 =	vor.u32 v39, v2  }
.LBB2_6:
0x163: {  	p0 =	slt.u32 s15, $0xFC0;
	v1 =	vsub.f32 v9, v28;
	v2 =	vsub.f32 v9, v26;
	[tilespmem:v16+s26+$0x0] =	vst.idx.msk vm2, v21;
	v3 =	vor.u32 s16, v39;
	s16 =	sadd.s32 $0x20, s10  }
0x164: {  	v4 =	vsub.f32 v11, v29;
	v6 =	vsub.f32 v10, v30;
	v16 =	vmovc v25;
	v7 =	vor.u32 s16, v39;
	s16 =	sadd.s32 $0x30, s10;
	s10 =	smov.u32 s11;
	s11 =	smov.u32 s15  }
0x165: {  	v8 =	vsub.f32 v11, v31;
	v12 =	vsub.f32 v10, v32;
	[tilespmem:v24+s25+$0x0] =	vst.idx.msk vm3, v20;
	v13 =	vor.u32 s16, v39  }
0x166: {  	v21 =	vand.u32 $0x7FFFFFFF, v27;
	v14 =	vsub.f32 v11, v34;
	v20 =	vsub.f32 v10, v35;
	[tilespmem:v24+s26+$0x0] =	vst.idx.msk vm3, v13  }
0x167: {  	v25 =	vand.u32 $0x7FFFFFFF, v36;
	v13 =	vand.u32 $0x7FFFFFFF, v37;
	v24 =	vand.u32 $0x7FFFFFFF, v33;
	[tilespmem:v23+s25+$0x0] =	vst.idx.msk vm1, v19  }
0x168: {  	v1 =	vand.u32 $0x7FFFFFFF, v1;
	v2 =	vand.u32 $0x7FFFFFFF, v2;
	v4 =	vand.u32 $0x7FFFFFFF, v4;
	[tilespmem:v23+s26+$0x0] =	vst.idx.msk vm1, v7  }
0x169: {  	v6 =	vand.u32 $0x7FFFFFFF, v6;
	v19 =	vsub.f32 $1.000000000e+00, v21;
	v7 =	vsub.f32 $1.000000000e+00, v24;
	[tilespmem:v22+s25+$0x0] =	vst.idx.msk vm0, v18  }
0x16a: {  	v8 =	vand.u32 $0x7FFFFFFF, v8;
	v23 =	vsub.f32 $1.000000000e+00, v25;
	v18 =	vsub.f32 $1.000000000e+00, v13;
	[tilespmem:v22+s26+$0x0] =	vst.idx.msk vm0, v3  }
0x16b: {  	v12 =	vand.u32 $0x7FFFFFFF, v12;
	v3 =	vsub.f32 $1.000000000e+00, v1;
	v22 =	vsub.f32 $1.000000000e+00, v2  }
0x16c: {  	v26 =	vsub.f32 $1.000000000e+00, v4;
	v27 =	vsub.f32 $1.000000000e+00, v6;
	v14 =	vand.u32 $0x7FFFFFFF, v14  }
0x16d: {  	v28 =	vsub.f32 $1.000000000e+00, v8;
	v29 =	vsub.f32 $1.000000000e+00, v12;
	v20 =	vand.u32 $0x7FFFFFFF, v20  }
0x16e: {  	v30 =	vsub.f32 $1.000000000e+00, v14;
	v31 =	vsub.f32 $1.000000000e+00, v20  }
0x16f: {  	v19 =	vmin.f32 v21, v19;
	v7 =	vmin.f32 v24, v7;
	v23 =	vmin.f32 v25, v23  }
0x170: {  	v1 =	vmin.f32 v1, v3;
	v2 =	vmin.f32 v2, v22;
	v3 =	vmin.f32 v13, v18  }
0x171: {  	v8 =	vmin.f32 v8, v28;
	v4 =	vmin.f32 v4, v26;
	v13 =	vmin.f32 v14, v30  }
0x172: {  	v7 =	vmul.f32 v7, v7;
	v14 =	vmin.f32 v20, v31;
	v1 =	vmul.f32 v1, v1  }
0x173: {  	v12 =	vmin.f32 v12, v29;
	v13 =	vmul.f32 v13, v13;
	v14 =	vmul.f32 v14, v14  }
0x174: {  	s12 =	sadd.s32 $0x40, s12;
	v6 =	vmin.f32 v6, v27;
	v8 =	vmul.f32 v8, v8;
	v12 =	vmul.f32 v12, v12  }
0x175: {  	s13 =	sadd.s32 $0x40, s13;
	v4 =	vmul.f32 v4, v4;
	v6 =	vmul.f32 v6, v6;
	v13 =	vadd.f32 v14, v13;
	v22 =	vld [tilespmem:s12+$0x10]  }
0x176: {  	s14 =	sadd.s32 $0x40, s14;
	v8 =	vadd.f32 v12, v8;
	v12 =	vmul.f32 v23, v23;
	v2 =	vmul.f32 v2, v2;
	v14 =	vld [tilespmem:s13+$0x10]  }
0x177: {  	v4 =	vadd.f32 v6, v4;
	v3 =	vmul.f32 v3, v3;
	v1 =	vadd.f32 v1, v13;
	v36 =	vld [tilespmem:s14+$0x10]  }
0x178: {  	v18 =	vadd.f32 v2, v8;
	v2 =	vadd.f32 v12, v7;
	v7 =	vmul.f32 v19, v19;
	v6 =	vld [tilespmem:s12+$0x0]  }
0x179: {  	v21 =	vor.u32 s10, v39;
	v19 =	vadd.f32 v3, v4;
	vm2 =	vlt.f32 v1, $4.000000000e+00;
	v26 =	vld [tilespmem:s12+$0xFFFFFFF0]  }
0x17a: {  	vm0 =	vlt.f32 v18, $4.000000000e+00;
	v20 =	vadd.f32 v7, v2;
	v3 =	vsel vm2, $0x1, v38;
	v28 =	vld [tilespmem:s12+$0xFFFFFFE0]  }
0x17b: {  	vm1 =	vlt.f32 v19, $4.000000000e+00;
	v2 =	vadd.s32 v3, v17;
	v3 =	vsel vm0, $0x1, v38;
	v29 =	vld [tilespmem:s13+$0x0]  }
0x17c: {  	v4 =	vsel vm1, $0x1, v38;
	vm3 =	vlt.f32 v20, $4.000000000e+00;
	v3 =	vadd.s32 v3, v2;
	v30 =	vld [tilespmem:s14+$0x0]  }
.Ltmp6:
0x17d: {  	v7 =	vshll.u32 v3, $0x4;
	v3 =	vadd.s32 v4, v3;
	v4 =	vsel vm3, $0x1, v38;
	v31 =	vld [tilespmem:s13+$0xFFFFFFF0];
	(pc) =	sbr.rel @p0 .LBB2_6-.Ltmp6, $4  }
0x17e: {  	v2 =	vshll.u32 v2, $0x4;
	v8 =	vshll.u32 v3, $0x4;
	v17 =	vadd.s32 v4, v3;
	v32 =	vld [tilespmem:s14+$0xFFFFFFF0]  }
0x17f: {  	v23 =	vor.u32 v39, v7;
	v3 =	vshll.u32 v17, $0x4;
	v24 =	vor.u32 v39, v8;
	v34 =	vld [tilespmem:s13+$0xFFFFFFE0];
	[tilespmem:v16+s25+$0x0] =	vst.idx.msk vm2, v1  }
0x180: {  	v27 =	vsub.f32 v9, v22;
	v22 =	vor.u32 v39, v2;
	v33 =	vsub.f32 v11, v14;
	v35 =	vld [tilespmem:s14+$0xFFFFFFE0]  }
0x181: {  	s15 =	sadd.s32 $0x40, s15;
	s16 =	sadd.s32 $0x10, s10;
	v25 =	vor.u32 v39, v3;
	v36 =	vsub.f32 v10, v36;
	v37 =	vsub.f32 v9, v6  }
0x182: {  	v1 =	vsub.f32 v9, v28;
	v2 =	vsub.f32 v9, v26  }
0x183: {  	v3 =	vsub.f32 v11, v29;
	v4 =	vsub.f32 v10, v30  }
0x184: {  	v6 =	vsub.f32 v11, v31;
	v14 =	vand.u32 $0x7FFFFFFF, v33;
	v27 =	vand.u32 $0x7FFFFFFF, v27  }
0x185: {  	v7 =	vsub.f32 v10, v32;
	v13 =	vand.u32 $0x7FFFFFFF, v37;
	v50 =	vand.u32 $0x7FFFFFFF, v36  }
0x186: {  	v51 =	vsub.f32 $1.000000000e+00, v14;
	v8 =	vsub.f32 v11, v34;
	v1 =	vand.u32 $0x7FFFFFFF, v1  }
0x187: {  	v2 =	vand.u32 $0x7FFFFFFF, v2;
	v3 =	vand.u32 $0x7FFFFFFF, v3;
	v4 =	vand.u32 $0x7FFFFFFF, v4  }
0x188: {  	v6 =	vand.u32 $0x7FFFFFFF, v6;
	v52 =	vsub.f32 $1.000000000e+00, v13;
	v53 =	vsub.f32 $1.000000000e+00, v50  }
0x189: {  	v12 =	vsub.f32 v10, v35;
	v54 =	vsub.f32 $1.000000000e+00, v1;
	v7 =	vand.u32 $0x7FFFFFFF, v7  }
0x18a: {  	v55 =	vsub.f32 $1.000000000e+00, v2;
	v14 =	vmin.f32 v14, v51;
	v56 =	vsub.f32 $1.000000000e+00, v3  }
0x18b: {  	v57 =	vsub.f32 $1.000000000e+00, v6;
	v61 =	vsub.f32 $1.000000000e+00, v4;
	v8 =	vand.u32 $0x7FFFFFFF, v8  }
0x18c: {  	v26 =	vmin.f32 v50, v53;
	v59 =	vsub.f32 $1.000000000e+00, v7;
	v13 =	vmin.f32 v13, v52  }
0x18d: {  	v12 =	vand.u32 $0x7FFFFFFF, v12;
	v1 =	vmin.f32 v1, v54;
	v58 =	vsub.f32 $1.000000000e+00, v8  }
0x18e: {  	v6 =	vmin.f32 v6, v57;
	v3 =	vmin.f32 v3, v56;
	v60 =	vsub.f32 $1.000000000e+00, v12  }
0x18f: {  	v4 =	vmin.f32 v4, v61;
	v1 =	vmul.f32 v1, v1;
	v3 =	vmul.f32 v3, v3  }
0x190: {  	v4 =	vmul.f32 v4, v4;
	v8 =	vmin.f32 v8, v58;
	v12 =	vmin.f32 v12, v60  }
0x191: {  	v7 =	vmin.f32 v7, v59;
	v8 =	vmul.f32 v8, v8;
	v12 =	vmul.f32 v12, v12  }
0x192: {  	v2 =	vmin.f32 v2, v55;
	v6 =	vmul.f32 v6, v6;
	v7 =	vmul.f32 v7, v7  }
0x193: {  	v2 =	vmul.f32 v2, v2;
	v3 =	vadd.f32 v4, v3;
	v8 =	vadd.f32 v12, v8  }
0x194: {  	v4 =	vmul.f32 v13, v13;
	v6 =	vadd.f32 v7, v6;
	v12 =	vsub.f32 $1.000000000e+00, v27  }
0x195: {  	v14 =	vmul.f32 v14, v14;
	v7 =	vmul.f32 v26, v26;
	v1 =	vadd.f32 v1, v8  }
0x196: {  	v3 =	vadd.f32 v4, v3;
	v2 =	vadd.f32 v2, v6;
	v12 =	vmin.f32 v27, v12  }
0x197: {  	v6 =	vadd.f32 v7, v14;
	v4 =	vmul.f32 v12, v12;
	vm5 =	vlt.f32 v1, $4.000000000e+00  }
0x198: {  	[tilespmem:v16+s26+$0x0] =	vst.idx.msk vm2, v21;
	vm14 =	vlt.f32 v3, $4.000000000e+00;
	vm4 =	vlt.f32 v2, $4.000000000e+00;
	v7 =	vsel vm5, $0x1, v38  }
0x199: {  	s12 =	sadd.s32 $0x30, s10;
	[tilespmem:v24+s25+$0x0] =	vst.idx.msk vm3, v20;
	v12 =	vsel vm4, $0x1, v38;
	v4 =	vadd.f32 v4, v6;
	v7 =	vadd.s32 v7, v17  }
0x19a: {  	[tilespmem:v23+s25+$0x0] =	vst.idx.msk vm1, v19;
	v8 =	vor.u32 s12, v39;
	v6 =	vadd.s32 v12, v7;
	v12 =	vsel vm14, $0x1, v38  }
0x19b: {  	s13 =	sadd.s32 $0x20, s10;
	[tilespmem:v24+s26+$0x0] =	vst.idx.msk vm3, v8;
	vm15 =	vlt.f32 v4, $4.000000000e+00;
	v8 =	vadd.s32 v12, v6;
	v6 =	vshll.u32 v6, $0x4  }
0x19c: {  	[tilespmem:v22+s25+$0x0] =	vst.idx.msk vm0, v18;
	v12 =	vor.u32 s13, v39;
	v13 =	vshll.u32 v8, $0x4;
	v6 =	vor.u32 v39, v6  }
0x19d: {  	v7 =	vshll.u32 v7, $0x4;
	[tilespmem:v23+s26+$0x0] =	vst.idx.msk vm1, v12;
	v12 =	vor.u32 v39, v13  }
0x19e: {  	v13 =	vor.u32 s16, v39;
	[tilespmem:v25+s25+$0x0] =	vst.idx.msk vm5, v1;
	v1 =	vor.u32 v39, v7  }
0x19f: {  	[tilespmem:v22+s26+$0x0] =	vst.idx.msk vm0, v13;
	v13 =	vor.u32 s11, v39  }
0x1a0: {  	[tilespmem:v25+s26+$0x0] =	vst.idx.msk vm5, v13  }
0x1a1: {  	[tilespmem:v6+s25+$0x0] =	vst.idx.msk vm14, v3  }
0x1a2: {  	s14 =	sadd.s32 $0x30, s11;
	[tilespmem:v12+s25+$0x0] =	vst.idx.msk vm15, v4  }
0x1a3: {  	s15 =	sadd.s32 $0x20, s11;
	v4 =	vor.u32 s14, v39;
	[tilespmem:v1+s25+$0x0] =	vst.idx.msk vm4, v2  }
0x1a4: {  	s16 =	sadd.s32 $0x10, s11;
	[tilespmem:v12+s26+$0x0] =	vst.idx.msk vm15, v4;
	v4 =	vor.u32 s15, v39  }
0x1a5: {  	v3 =	vsel vm15, $0x1, v38;
	[tilespmem:v6+s26+$0x0] =	vst.idx.msk vm14, v4;
	v4 =	vor.u32 s16, v39  }
0x1a6: {  	v20 =	vadd.s32 v3, v8;
	[tilespmem:v1+s26+$0x0] =	vst.idx.msk vm4, v4  }
.LBB2_8:
0x1a7: {  	v1 =	vxor.u32 $0x80000000, v20  }
0x1a8: {  	(xrf0) =	vmax.scan.msk.u32 $0xffff, v1;
	_ =	sdelay $0x5  }
0x1a9: {  	v1, _, _ =	vpop (xrf0)  }
0x1aa: {  	(v2sf) =	vpush v1, $0xF;
	_ =	sdelay $0xe  }
0x1ab: {  	s10 =	spop (v2sf)  }
0x1ac: {  	s10 =	sxor.u32 $0x80000000, s10  }
0x1ad: {  	p0 =	slt.s32 s10, $0x1  }
.Ltmp7:
0x1ae: {  	_ = 	snop;
	(pc) =	sbr.rel @p0 .LBB2_15-.Ltmp7, $2  }
0x1af: {  	_ =	sdelay $0x2  }
0x1b0: {  	v17 =	vimm.s32 $0x0;
	v19 =	vimm.s32 $0x0;
	v18 =	vimm.s32 $0x0;
	v33 =	vmovc v62;
	v34 =	vmovc v63  }
0x1b1: {  	s11 =	simm.s32 $0x6000  }
0x1b2: {  	s12 =	simm.s32 $0x7080;
	v1 =	vld [tilespmem:s11+$0x0]  }
0x1b3: {  	p1 =	sne.s32 s10, $0x1;
	v2 =	vld [tilespmem:s12+$0x0]  }
.Ltmp8:
0x1b4: {  	_ = 	snop;
	(pc) =	sbr.rel @!p1 .LBB2_10-.Ltmp8, $4  }
0x1b5: {  	s16 =	simm.s32 $0x0  }
0x1b6: {  	vm0 =	vgt.s32 v20, s16  }
0x1b7: {  	v1 =	vnsel vm0, $0x7F800000, v1  }
0x1b8: {  	v16 =	vimm.f32 $+Inf;
	s13 =	simm.s32 $0x1;
	p0 =	por $0x0, $0x0;
	(xrf1) =	vsort.ascd.msk.f32 $0xffff, v1, v2  }
0x1b9: {  	_ =	sdelay $0x8  }
0x1ba: {  	v1 =	vmul.u32 $0xFFFFFFFF, v39;
	_ =	sdelay $0x3  }
0x1bb: {  	v18 =	vadd.s32 $0xF, v1;
	v1, v2, _ =	vpop (xrf1)  }
0x1bc: {  	s11 =	simm.s32 $0x6010;
	v1 =	vperm.xlane v1, v18  }
0x1bd: {  	s12 =	simm.s32 $0x7090;
	v3 =	vld [tilespmem:s11+$0x0];
	v2 =	vperm.xlane v2, v18  }
0x1be: {  	p1 =	sne.s32 s10, $0x2;
	v4 =	vld [tilespmem:s12+$0x0];
	vm0 =	vle.f32 v16, v1  }
.Ltmp9:
0x1bf: {  	v1 =	vsel vm0, v16, v1;
	v2 =	vsel vm0, v17, v2;
	(pc) =	sbr.rel @!p1 .LBB2_12-.Ltmp9, $4  }
0x1c0: {  	(xrf1) =	vsort.ascd.msk.f32 $0xffff, v1, v2  }
0x1c1: {  	vm15 =	vgt.s32 v20, s13  }
0x1c2: {  	v1 =	vnsel vm15, $0x7F800000, v3  }
0x1c3: {  	s13 =	simm.s32 $0x2;
	p0 =	por $0x1, $0x1;
	v21 =	vimm.f32 $+Inf;
	v19 =	vimm.s32 $0x0;
	(xrf1) =	vsort.ascd.msk.f32 $0xffff, v1, v4  }
.LBB2_13:
0x1c4: {  	_ = 	snop  }
0x1c5: {  	s14 =	smov.u32 s13;
	s13 =	sadd.s32 $0x1, s13  }
0x1c6: {  	p1 =	sne.s32 s10, s13;
	_ =	sdelay $0x7  }
0x1c7: {  	v1, v2, _ =	vpop (xrf1)  }
0x1c8: {  	v1 =	vperm.xlane v1, v18  }
0x1c9: {  	v2 =	vperm.xlane v2, v18  }
0x1ca: {  	v3, v4, _ =	vpop (xrf1);
	vm0 =	vle.f32 v21, v1  }
0x1cb: {  	v3 =	vperm.xlane v3, v18;
	v6 =	vsel vm0, v1, v21;
	v7 =	vsel vm0, v2, v19  }
0x1cc: {  	v1 =	vsel vm0, v21, v1;
	v2 =	vsel vm0, v19, v2;
	(xrf1) =	vsort.ascd.msk.f32 $0xffff, v6, v7  }
0x1cd: {  	(xrf1) =	vsort.ascd.msk.f32 $0xffff, v1, v2;
	_ =	sdelay $0xb  }
0x1ce: {  	s11 =	sadd.s32 $0x10, s11  }
0x1cf: {  	s12 =	sadd.s32 $0x10, s12;
	v2 =	vperm.xlane v4, v18;
	v1 =	vld [tilespmem:s11+$0x0];
	v4, v6, _ =	vpop (xrf1)  }
0x1d0: {  	v7 =	vld [tilespmem:s12+$0x0];
	vm0 =	vle.f32 v4, v3;
	v21, v19, _ =	vpop (xrf1)  }
.Ltmp10:
0x1d1: {  	v3 =	vsel vm0, v4, v3;
	v2 =	vsel vm0, v6, v2;
	(pc) =	sbr.rel @p1 .LBB2_13-.Ltmp10, $4  }
0x1d2: {  	(xrf1) =	vsort.ascd.msk.f32 $0xffff, v3, v2  }
0x1d3: {  	vm0 =	vgt.s32 v20, s14  }
0x1d4: {  	v1 =	vnsel vm0, $0x7F800000, v1  }
0x1d5: {  	(xrf1) =	vsort.ascd.msk.f32 $0xffff, v1, v7  }
.LBB2_14:
0x1d6: {  	_ =	sdelay $0x9  }
0x1d7: {  	v1, v2, _ =	vpop @p0 (xrf1)  }
0x1d8: {  	v1 =	vperm.xlane @p0 v1, v18  }
0x1d9: {  	v2 =	vperm.xlane @p0 v2, v18  }
0x1da: {  	vm0 =	vle.f32 @p0 v21, v1  }
0x1db: {  	v3 =	vsel @p0 vm0, v1, v21;
	v4 =	vsel @p0 vm0, v2, v19  }
0x1dc: {  	(xrf1) =	vsort.ascd.msk.f32 @p0 $0xffff, v3, v4;
	_ =	sdelay $0xa  }
0x1dd: {  	v3 =	vmul.u32 $0xFFFFFFFF, v39;
	_ =	sdelay $0x1  }
0x1de: {  	v3 =	vadd.s32 $0xF, v3;
	v4, v6, _ =	vpop (xrf1)  }
0x1df: {  	v4 =	vperm.xlane v4, v3;
	v7, v8, _ =	vpop @p0 (xrf1)  }
0x1e0: {  	v1 =	vsel @p0 vm0, v21, v1;
	v6 =	vperm.xlane v6, v3;
	v7 =	vpsel p0, v7, v16  }
0x1e1: {  	v2 =	vsel @p0 vm0, v19, v2;
	v8 =	vpsel p0, v8, v17;
	vm14 =	vle.f32 v7, v4  }
0x1e2: {  	(xrf1) =	vsort.ascd.msk.f32 @p0 $0xffff, v1, v2;
	v1 =	vsel vm14, v7, v4;
	v2 =	vsel vm14, v8, v6  }
0x1e3: {  	(xrf1) =	vsort.ascd.msk.f32 $0xffff, v1, v2;
	_ =	sdelay $0xc  }
0x1e4: {  	v1, v2, _ =	vpop @p0 (xrf1)  }
0x1e5: {  	v4, v6, _ =	vpop (xrf1)  }
0x1e6: {  	v4 =	vperm.xlane v4, v3  }
0x1e7: {  	v1 =	vpsel p0, v1, v16;
	v3 =	vperm.xlane v6, v3  }
0x1e8: {  	v2 =	vpsel p0, v2, v17;
	vm15 =	vle.f32 v1, v4  }
0x1e9: {  	v6 =	vsel vm15, v4, v1;
	v7 =	vsel vm15, v3, v2  }
0x1ea: {  	v1 =	vsel vm15, v1, v4;
	v2 =	vsel vm15, v2, v3;
	(xrf1) =	vsort.ascd.msk.f32 $0xffff, v6, v7  }
0x1eb: {  	(xrf1) =	vsort.ascd.msk.f32 $0xffff, v1, v2;
	_ =	sdelay $0xc  }
0x1ec: {  	v1, v18, _ =	vpop (xrf1)  }
0x1ed: {  	v1, v19, _ =	vpop (xrf1)  }
.LBB2_15:
0x1ee: {  	_ =	sdelay $0x2  }
0x1ef: {  	s10 =	simm.s32 $0x0  }
0x1f0: {  	v1 =	vld.idx.msk [tilespmem:v19+s10+$0x0], $0xffff;
	_ =	sdelay $0x4  }
0x1f1: {  	v1 =	vsub.f32 v11, v1  }
0x1f2: {  	v16 =	vmul.u32 $0x80, v39  }
0x1f3: {  	vm0 =	vgt.f32 v1, $5.000000000e-01  }
0x1f4: {  	v3 =	vor.u32 s9, v16;
	v2 =	vsel vm0, $0x3F800000, v5  }
0x1f5: {  	vm5 =	vlt.f32 v1, $-5.000000000e-01;
	v2 =	vsub.f32 v1, v2  }
0x1f6: {  	v1 =	vsel vm5, $0x3F800000, v5  }
0x1f7: {  	v1 =	vadd.f32 v2, v1;
	_ =	sdelay $0x1  }
0x1f8: {  	[tilespmem:v3+s30+$0x0] =	vst.idx.msk $0xffff, v1  }
0x1f9: {  	v1 =	vld.idx.msk [tilespmem:v18+s10+$0x0], $0xffff;
	_ =	sdelay $0x4  }
0x1fa: {  	v1 =	vsub.f32 v11, v1;
	_ =	sdelay $0x1  }
0x1fb: {  	v11 =	vor.u32 $0x800, v16;
	vm6 =	vgt.f32 v1, $5.000000000e-01  }
0x1fc: {  	v4 =	vor.u32 s9, v11;
	v2 =	vsel vm6, $0x3F800000, v5  }
0x1fd: {  	vm7 =	vlt.f32 v1, $-5.000000000e-01;
	v2 =	vsub.f32 v1, v2  }
0x1fe: {  	v1 =	vsel vm7, $0x3F800000, v5  }
0x1ff: {  	v1 =	vadd.f32 v2, v1;
	_ =	sdelay $0x1  }
0x200: {  	[tilespmem:v4+s30+$0x0] =	vst.idx.msk $0xffff, v1  }
0x201: {  	v1 =	vld.idx.msk [tilespmem:v19+s20+$0x0], $0xffff;
	_ =	sdelay $0x4  }
0x202: {  	v1 =	vsub.f32 v10, v1;
	_ =	sdelay $0x1  }
0x203: {  	vm8 =	vgt.f32 v1, $5.000000000e-01  }
0x204: {  	v2 =	vsel vm8, $0x3F800000, v5  }
0x205: {  	vm9 =	vlt.f32 v1, $-5.000000000e-01;
	v2 =	vsub.f32 v1, v2  }
0x206: {  	v1 =	vsel vm9, $0x3F800000, v5  }
0x207: {  	v1 =	vadd.f32 v2, v1;
	_ =	sdelay $0x1  }
0x208: {  	[tilespmem:v3+s31+$0x0] =	vst.idx.msk $0xffff, v1  }
0x209: {  	v1 =	vld.idx.msk [tilespmem:v18+s20+$0x0], $0xffff;
	_ =	sdelay $0x4  }
0x20a: {  	v1 =	vsub.f32 v10, v1;
	_ =	sdelay $0x1  }
0x20b: {  	vm10 =	vgt.f32 v1, $5.000000000e-01  }
0x20c: {  	v2 =	vsel vm10, $0x3F800000, v5  }
0x20d: {  	vm11 =	vlt.f32 v1, $-5.000000000e-01;
	v2 =	vsub.f32 v1, v2  }
0x20e: {  	v1 =	vsel vm11, $0x3F800000, v5  }
0x20f: {  	v1 =	vadd.f32 v2, v1;
	_ =	sdelay $0x1  }
0x210: {  	[tilespmem:v4+s31+$0x0] =	vst.idx.msk $0xffff, v1  }
0x211: {  	v1 =	vld.idx.msk [tilespmem:v19+s21+$0x0], $0xffff;
	_ =	sdelay $0x4  }
0x212: {  	v1 =	vsub.f32 v9, v1;
	_ =	sdelay $0x1  }
0x213: {  	vm12 =	vgt.f32 v1, $5.000000000e-01  }
0x214: {  	v2 =	vsel vm12, $0x3F800000, v5  }
0x215: {  	vm13 =	vlt.f32 v1, $-5.000000000e-01;
	v2 =	vsub.f32 v1, v2  }
0x216: {  	v1 =	vsel vm13, $0x3F800000, v5  }
0x217: {  	v1 =	vadd.f32 v2, v1;
	_ =	sdelay $0x1  }
0x218: {  	[tilespmem:v3+s0+$0x0] =	vst.idx.msk $0xffff, v1  }
0x219: {  	v1 =	vld.idx.msk [tilespmem:v18+s21+$0x0], $0xffff;
	_ =	sdelay $0x4  }
0x21a: {  	v1 =	vsub.f32 v9, v1;
	_ =	sdelay $0x1  }
0x21b: {  	vm14 =	vgt.f32 v1, $5.000000000e-01  }
0x21c: {  	v2 =	vsel vm14, $0x3F800000, v5  }
0x21d: {  	vm15 =	vlt.f32 v1, $-5.000000000e-01;
	v2 =	vsub.f32 v1, v2  }
0x21e: {  	v1 =	vsel vm15, $0x3F800000, v5  }
0x21f: {  	v1 =	vadd.f32 v2, v1;
	_ =	sdelay $0x1  }
0x220: {  	v2 =	vld [tilespmem:$0x1FFA0];
	[tilespmem:v4+s0+$0x0] =	vst.idx.msk $0xffff, v1  }
0x221: {  	v1 =	vld.idx.msk [tilespmem:v19+s22+$0x0], $0xffff;
	_ =	sdelay $0x4  }
0x222: {  	v1 =	vsub.f32 v2, v1;
	_ =	sdelay $0x1  }
0x223: {  	[tilespmem:v3+s1+$0x0] =	vst.idx.msk $0xffff, v1  }
0x224: {  	v1 =	vld.idx.msk [tilespmem:v18+s22+$0x0], $0xffff;
	_ =	sdelay $0x4  }
0x225: {  	v1 =	vsub.f32 v2, v1;
	_ =	sdelay $0x1  }
0x226: {  	v2 =	vld [tilespmem:$0x1FFB0];
	[tilespmem:v4+s1+$0x0] =	vst.idx.msk $0xffff, v1  }
0x227: {  	v1 =	vld.idx.msk [tilespmem:v19+s23+$0x0], $0xffff;
	_ =	sdelay $0x4  }
0x228: {  	v1 =	vsub.f32 v2, v1;
	_ =	sdelay $0x1  }
0x229: {  	(xrf0) =	vadd.scan.msk.s32 $0xffff, v15;
	[tilespmem:v3+s3+$0x0] =	vst.idx.msk $0xffff, v1  }
0x22a: {  	v1 =	vld.idx.msk [tilespmem:v18+s23+$0x0], $0xffff;
	_ =	sdelay $0x4  }
0x22b: {  	v1 =	vsub.f32 v2, v1;
	v2, _, _ =	vpop (xrf0)  }
0x22c: {  	(v2sf) =	vpush v2, $0xF;
	_ =	sdelay $0x4  }
0x22d: {  	v2 =	vld [tilespmem:$0x1FFC0];
	[tilespmem:v4+s3+$0x0] =	vst.idx.msk $0xffff, v1  }
0x22e: {  	v1 =	vld.idx.msk [tilespmem:v19+s24+$0x0], $0xffff;
	_ =	sdelay $0x4  }
0x22f: {  	v1 =	vsub.f32 v2, v1;
	_ =	sdelay $0x1  }
0x230: {  	[tilespmem:v3+s5+$0x0] =	vst.idx.msk $0xffff, v1  }
0x231: {  	v1 =	vld.idx.msk [tilespmem:v18+s24+$0x0], $0xffff  }
0x232: {  	s16 =	spop (v2sf)  }
0x233: {  	p0 =	sgt.s32 s16, $0x1F  }
.Ltmp11:
0x234: {  	_ = 	snop;
	(pc) =	sbr.rel @p0 .LBB2_19-.Ltmp11, $3  }
0x235: {  	_ = 	snop  }
0x236: {  	v1 =	vsub.f32 v2, v1;
	_ =	sdelay $0x1  }
0x237: {  	[tilespmem:v4+s5+$0x0] =	vst.idx.msk $0xffff, v1  }
0x238: {  	s9 =	simm.s32 $0x2020  }
0x239: {  	s11 =	simm.s32 $0x20;
	v1 =	vld [tilespmem:s9+$0x10]  }
0x23a: {  	s12 =	simm.s32 $0x1020;
	v2 =	vld [tilespmem:s11+$0x10]  }
0x23b: {  	v3 =	vld [tilespmem:s12+$0x10]  }
0x23c: {  	v4 =	vld [tilespmem:s9+$0x0]  }
0x23d: {  	v6 =	vld [tilespmem:s9+$0xFFFFFFF0]  }
0x23e: {  	v7 =	vld [tilespmem:s9+$0xFFFFFFE0]  }
0x23f: {  	v8 =	vld [tilespmem:s11+$0x0]  }
0x240: {  	v9 =	vld [tilespmem:s12+$0x0]  }
0x241: {  	v10 =	vld [tilespmem:s11+$0xFFFFFFF0]  }
0x242: {  	v12 =	vld [tilespmem:s12+$0xFFFFFFF0]  }
0x243: {  	v13 =	vld [tilespmem:s11+$0xFFFFFFE0]  }
0x244: {  	v14 =	vld [tilespmem:s12+$0xFFFFFFE0];
	v2 =	vsub.f32 v0, v2;
	v1 =	vsub.f32 v33, v1  }
0x245: {  	v4 =	vsub.f32 v33, v4;
	v3 =	vsub.f32 v34, v3  }
0x246: {  	v7 =	vsub.f32 v33, v7;
	v6 =	vsub.f32 v33, v6  }
0x247: {  	v8 =	vsub.f32 v0, v8;
	v9 =	vsub.f32 v34, v9  }
0x248: {  	v15 =	vshll.u32 v17, $0x4;
	v10 =	vsub.f32 v0, v10;
	v12 =	vsub.f32 v34, v12  }
0x249: {  	v13 =	vsub.f32 v0, v13;
	v14 =	vsub.f32 v34, v14;
	v1 =	vand.u32 $0x7FFFFFFF, v1  }
0x24a: {  	v4 =	vand.u32 $0x7FFFFFFF, v4;
	v2 =	vand.u32 $0x7FFFFFFF, v2;
	v3 =	vand.u32 $0x7FFFFFFF, v3  }
0x24b: {  	v7 =	vand.u32 $0x7FFFFFFF, v7;
	v6 =	vand.u32 $0x7FFFFFFF, v6;
	v8 =	vand.u32 $0x7FFFFFFF, v8  }
0x24c: {  	v18 =	vand.u32 $0x7FFFFFFF, v9;
	v19 =	vsub.f32 $1.000000000e+00, v2;
	v20 =	vsub.f32 $1.000000000e+00, v1  }
0x24d: {  	v10 =	vand.u32 $0x7FFFFFFF, v10;
	v21 =	vsub.f32 $1.000000000e+00, v4;
	v22 =	vsub.f32 $1.000000000e+00, v3  }
0x24e: {  	v12 =	vand.u32 $0x7FFFFFFF, v12;
	v23 =	vsub.f32 $1.000000000e+00, v7;
	v24 =	vsub.f32 $1.000000000e+00, v6  }
0x24f: {  	v13 =	vand.u32 $0x7FFFFFFF, v13;
	v25 =	vsub.f32 $1.000000000e+00, v8;
	v26 =	vsub.f32 $1.000000000e+00, v18  }
0x250: {  	v14 =	vand.u32 $0x7FFFFFFF, v14;
	v27 =	vsub.f32 $1.000000000e+00, v10;
	v28 =	vsub.f32 $1.000000000e+00, v12  }
0x251: {  	v9 =	vor.u32 v39, v15;
	v15 =	vsub.f32 $1.000000000e+00, v13;
	v29 =	vsub.f32 $1.000000000e+00, v14  }
0x252: {  	v2 =	vmin.f32 v2, v19;
	v3 =	vmin.f32 v3, v22;
	v1 =	vmin.f32 v1, v20  }
0x253: {  	v7 =	vmin.f32 v7, v23;
	v6 =	vmin.f32 v6, v24;
	v4 =	vmin.f32 v4, v21  }
0x254: {  	v13 =	vmin.f32 v13, v15;
	v10 =	vmin.f32 v10, v27;
	v8 =	vmin.f32 v8, v25  }
0x255: {  	v14 =	vmin.f32 v14, v29;
	v7 =	vmul.f32 v7, v7;
	v2 =	vmul.f32 v2, v2  }
0x256: {  	s13 =	simm.s32 $0x1060;
	v12 =	vmin.f32 v12, v28;
	v13 =	vmul.f32 v13, v13;
	v14 =	vmul.f32 v14, v14  }
0x257: {  	v31 =	vld [tilespmem:s13+$0x10];
	v15 =	vmin.f32 v18, v26;
	v10 =	vmul.f32 v10, v10;
	v12 =	vmul.f32 v12, v12  }
0x258: {  	v8 =	vmul.f32 v8, v8;
	v13 =	vadd.f32 v14, v13;
	v14 =	vmul.f32 v15, v15  }
0x259: {  	s12 =	simm.s32 $0x60;
	v30 =	vld [tilespmem:s13+$0xFFFFFFE0];
	v6 =	vmul.f32 v6, v6;
	v3 =	vmul.f32 v3, v3;
	v10 =	vadd.f32 v12, v10  }
0x25a: {  	s11 =	simm.s32 $0x2060;
	v22 =	vld [tilespmem:s12+$0x10];
	v4 =	vmul.f32 v4, v4;
	v7 =	vadd.f32 v7, v13;
	v8 =	vadd.f32 v14, v8  }
0x25b: {  	v20 =	vld [tilespmem:s11+$0x10];
	v1 =	vmul.f32 v1, v1;
	v2 =	vadd.f32 v3, v2;
	v12 =	vadd.f32 v6, v10  }
0x25c: {  	v31 =	vsub.f32 v34, v31;
	v21 =	vld [tilespmem:s11+$0xFFFFFFF0];
	vm2 =	vlt.f32 v7, $4.000000000e+00;
	v13 =	vadd.f32 v4, v8  }
0x25d: {  	v23 =	vld [tilespmem:s11+$0xFFFFFFE0];
	v14 =	vadd.f32 v1, v2;
	vm0 =	vlt.f32 v12, $4.000000000e+00;
	v4 =	vsel vm2, $0x1, v38  }
0x25e: {  	v3 =	vld [tilespmem:s11+$0x0];
	v2 =	vsel vm0, $0x1, v38;
	v1 =	vadd.s32 v4, v17;
	vm1 =	vlt.f32 v13, $4.000000000e+00  }
0x25f: {  	v24 =	vld [tilespmem:s12+$0x0];
	v28 =	vsub.f32 v0, v22;
	v2 =	vadd.s32 v2, v1;
	v4 =	vsel vm1, $0x1, v38  }
0x260: {  	v25 =	vld [tilespmem:s13+$0x0];
	vm3 =	vlt.f32 v14, $4.000000000e+00;
	v6 =	vshll.u32 v2, $0x4;
	v2 =	vadd.s32 v4, v2  }
0x261: {  	v26 =	vld [tilespmem:s12+$0xFFFFFFF0];
	v22 =	vsub.f32 v33, v20;
	v4 =	vsel vm3, $0x1, v38;
	v8 =	vshll.u32 v2, $0x4  }
0x262: {  	v27 =	vld [tilespmem:s13+$0xFFFFFFF0];
	v1 =	vshll.u32 v1, $0x4;
	v10 =	vadd.s32 v4, v2;
	v19 =	vor.u32 v39, v8  }
0x263: {  	v29 =	vld [tilespmem:s12+$0xFFFFFFE0];
	v32 =	vsub.f32 v33, v3;
	v17 =	vor.u32 v39, v1;
	v2 =	vshll.u32 v10, $0x4  }
0x264: {  	s14 =	simm.s32 $0x80;
	s15 =	simm.s32 $0x10;
	s9 =	simm.s32 $0x40;
	v15 =	vor.u32 s10, v39;
	v18 =	vor.u32 v39, v6;
	[tilespmem:v9+s28+$0x0] =	vst.idx.msk vm2, v7;
	v20 =	vor.u32 v39, v2  }
.LBB2_17:
0x265: {  	p0 =	slt.u32 s14, $0xFC0;
	v1 =	vsub.f32 v33, v23;
	v2 =	vsub.f32 v33, v21;
	[tilespmem:v9+s29+$0x0] =	vst.idx.msk vm2, v15;
	v3 =	vor.u32 s15, v39;
	s15 =	sadd.s32 $0x20, s10  }
0x266: {  	v4 =	vsub.f32 v0, v24;
	v6 =	vsub.f32 v34, v25;
	v9 =	vmovc v20;
	v7 =	vor.u32 s15, v39;
	s15 =	sadd.s32 $0x30, s10;
	s10 =	smov.u32 s9;
	s9 =	smov.u32 s14  }
0x267: {  	v8 =	vsub.f32 v0, v26;
	v15 =	vsub.f32 v34, v27;
	[tilespmem:v19+s28+$0x0] =	vst.idx.msk vm3, v14;
	v14 =	vor.u32 s15, v39  }
0x268: {  	v22 =	vand.u32 $0x7FFFFFFF, v22;
	v20 =	vsub.f32 v0, v29;
	v21 =	vsub.f32 v34, v30;
	[tilespmem:v19+s29+$0x0] =	vst.idx.msk vm3, v14  }
0x269: {  	v23 =	vand.u32 $0x7FFFFFFF, v31;
	v14 =	vand.u32 $0x7FFFFFFF, v32;
	v19 =	vand.u32 $0x7FFFFFFF, v28;
	[tilespmem:v18+s28+$0x0] =	vst.idx.msk vm1, v13  }
0x26a: {  	v1 =	vand.u32 $0x7FFFFFFF, v1;
	v2 =	vand.u32 $0x7FFFFFFF, v2;
	v4 =	vand.u32 $0x7FFFFFFF, v4;
	[tilespmem:v18+s29+$0x0] =	vst.idx.msk vm1, v7  }
0x26b: {  	v6 =	vand.u32 $0x7FFFFFFF, v6;
	v13 =	vsub.f32 $1.000000000e+00, v22;
	v7 =	vsub.f32 $1.000000000e+00, v19;
	[tilespmem:v17+s28+$0x0] =	vst.idx.msk vm0, v12  }
0x26c: {  	v8 =	vand.u32 $0x7FFFFFFF, v8;
	v18 =	vsub.f32 $1.000000000e+00, v23;
	v12 =	vsub.f32 $1.000000000e+00, v14;
	[tilespmem:v17+s29+$0x0] =	vst.idx.msk vm0, v3  }
0x26d: {  	v15 =	vand.u32 $0x7FFFFFFF, v15;
	v3 =	vsub.f32 $1.000000000e+00, v1;
	v17 =	vsub.f32 $1.000000000e+00, v2  }
0x26e: {  	v24 =	vsub.f32 $1.000000000e+00, v4;
	v25 =	vsub.f32 $1.000000000e+00, v6;
	v20 =	vand.u32 $0x7FFFFFFF, v20  }
0x26f: {  	v26 =	vsub.f32 $1.000000000e+00, v8;
	v27 =	vsub.f32 $1.000000000e+00, v15;
	v21 =	vand.u32 $0x7FFFFFFF, v21  }
0x270: {  	v28 =	vsub.f32 $1.000000000e+00, v20;
	v29 =	vsub.f32 $1.000000000e+00, v21  }
0x271: {  	v13 =	vmin.f32 v22, v13;
	v7 =	vmin.f32 v19, v7;
	v18 =	vmin.f32 v23, v18  }
0x272: {  	v1 =	vmin.f32 v1, v3;
	v2 =	vmin.f32 v2, v17;
	v3 =	vmin.f32 v14, v12  }
0x273: {  	v8 =	vmin.f32 v8, v26;
	v4 =	vmin.f32 v4, v24;
	v12 =	vmin.f32 v20, v28  }
0x274: {  	v7 =	vmul.f32 v7, v7;
	v14 =	vmin.f32 v21, v29;
	v1 =	vmul.f32 v1, v1  }
0x275: {  	v15 =	vmin.f32 v15, v27;
	v12 =	vmul.f32 v12, v12;
	v14 =	vmul.f32 v14, v14  }
0x276: {  	s11 =	sadd.s32 $0x40, s11;
	v6 =	vmin.f32 v6, v25;
	v8 =	vmul.f32 v8, v8;
	v15 =	vmul.f32 v15, v15  }
0x277: {  	s12 =	sadd.s32 $0x40, s12;
	v4 =	vmul.f32 v4, v4;
	v6 =	vmul.f32 v6, v6;
	v12 =	vadd.f32 v14, v12;
	v17 =	vld [tilespmem:s11+$0x10]  }
0x278: {  	s13 =	sadd.s32 $0x40, s13;
	v8 =	vadd.f32 v15, v8;
	v2 =	vmul.f32 v2, v2;
	v14 =	vmul.f32 v18, v18;
	v20 =	vld [tilespmem:s12+$0x10]  }
0x279: {  	v4 =	vadd.f32 v6, v4;
	v3 =	vmul.f32 v3, v3;
	v1 =	vadd.f32 v1, v12;
	v31 =	vld [tilespmem:s13+$0x10]  }
0x27a: {  	v12 =	vadd.f32 v2, v8;
	v2 =	vadd.f32 v14, v7;
	v7 =	vmul.f32 v13, v13;
	v6 =	vld [tilespmem:s11+$0x0]  }
0x27b: {  	v15 =	vor.u32 s10, v39;
	v13 =	vadd.f32 v3, v4;
	vm2 =	vlt.f32 v1, $4.000000000e+00;
	v21 =	vld [tilespmem:s11+$0xFFFFFFF0]  }
0x27c: {  	vm0 =	vlt.f32 v12, $4.000000000e+00;
	v14 =	vadd.f32 v7, v2;
	v3 =	vsel vm2, $0x1, v38;
	v23 =	vld [tilespmem:s11+$0xFFFFFFE0]  }
0x27d: {  	vm1 =	vlt.f32 v13, $4.000000000e+00;
	v2 =	vadd.s32 v3, v10;
	v3 =	vsel vm0, $0x1, v38;
	v24 =	vld [tilespmem:s12+$0x0]  }
0x27e: {  	v4 =	vsel vm1, $0x1, v38;
	vm3 =	vlt.f32 v14, $4.000000000e+00;
	v3 =	vadd.s32 v3, v2;
	v25 =	vld [tilespmem:s13+$0x0]  }
.Ltmp12:
0x27f: {  	v7 =	vshll.u32 v3, $0x4;
	v3 =	vadd.s32 v4, v3;
	v4 =	vsel vm3, $0x1, v38;
	v26 =	vld [tilespmem:s12+$0xFFFFFFF0];
	(pc) =	sbr.rel @p0 .LBB2_17-.Ltmp12, $4  }
0x280: {  	v2 =	vshll.u32 v2, $0x4;
	v8 =	vshll.u32 v3, $0x4;
	v10 =	vadd.s32 v4, v3;
	v27 =	vld [tilespmem:s13+$0xFFFFFFF0]  }
0x281: {  	v18 =	vor.u32 v39, v7;
	v3 =	vshll.u32 v10, $0x4;
	v19 =	vor.u32 v39, v8;
	v29 =	vld [tilespmem:s12+$0xFFFFFFE0];
	[tilespmem:v9+s28+$0x0] =	vst.idx.msk vm2, v1  }
0x282: {  	v22 =	vsub.f32 v33, v17;
	v17 =	vor.u32 v39, v2;
	v28 =	vsub.f32 v0, v20;
	v30 =	vld [tilespmem:s13+$0xFFFFFFE0]  }
0x283: {  	s14 =	sadd.s32 $0x40, s14;
	s15 =	sadd.s32 $0x10, s10;
	v20 =	vor.u32 v39, v3;
	v31 =	vsub.f32 v34, v31;
	v32 =	vsub.f32 v33, v6  }
0x284: {  	v1 =	vsub.f32 v33, v23;
	v2 =	vsub.f32 v33, v21  }
0x285: {  	v3 =	vsub.f32 v0, v24;
	v4 =	vsub.f32 v34, v25  }
0x286: {  	v6 =	vsub.f32 v0, v26;
	v50 =	vand.u32 $0x7FFFFFFF, v28;
	v22 =	vand.u32 $0x7FFFFFFF, v22  }
0x287: {  	v7 =	vsub.f32 v34, v27;
	v49 =	vand.u32 $0x7FFFFFFF, v32;
	v52 =	vsub.f32 $1.000000000e+00, v50  }
0x288: {  	v51 =	vand.u32 $0x7FFFFFFF, v31;
	v63 =	vsub.f32 $1.000000000e+00, v22;
	v8 =	vsub.f32 v0, v29  }
0x289: {  	v1 =	vand.u32 $0x7FFFFFFF, v1;
	v2 =	vand.u32 $0x7FFFFFFF, v2;
	v3 =	vand.u32 $0x7FFFFFFF, v3  }
0x28a: {  	v4 =	vand.u32 $0x7FFFFFFF, v4;
	v53 =	vsub.f32 $1.000000000e+00, v49;
	v54 =	vsub.f32 $1.000000000e+00, v51  }
0x28b: {  	v6 =	vand.u32 $0x7FFFFFFF, v6;
	v48 =	vsub.f32 v34, v30;
	v55 =	vsub.f32 $1.000000000e+00, v1  }
0x28c: {  	v7 =	vand.u32 $0x7FFFFFFF, v7;
	v56 =	vsub.f32 $1.000000000e+00, v2;
	v57 =	vsub.f32 $1.000000000e+00, v3  }
0x28d: {  	v24 =	vmin.f32 v50, v52;
	v58 =	vsub.f32 $1.000000000e+00, v6;
	v62 =	vsub.f32 $1.000000000e+00, v4  }
0x28e: {  	v8 =	vand.u32 $0x7FFFFFFF, v8;
	v25 =	vmin.f32 v51, v54;
	v60 =	vsub.f32 $1.000000000e+00, v7  }
0x28f: {  	v23 =	vmin.f32 v49, v53;
	v21 =	vand.u32 $0x7FFFFFFF, v48;
	v1 =	vmin.f32 v1, v55  }
0x290: {  	v59 =	vsub.f32 $1.000000000e+00, v8;
	v6 =	vmin.f32 v6, v58;
	v61 =	vsub.f32 $1.000000000e+00, v21  }
0x291: {  	v3 =	vmin.f32 v3, v57;
	v4 =	vmin.f32 v4, v62;
	v6 =	vmul.f32 v6, v6  }
0x292: {  	v3 =	vmul.f32 v3, v3;
	v8 =	vmin.f32 v8, v59;
	v21 =	vmin.f32 v21, v61  }
0x293: {  	v7 =	vmin.f32 v7, v60;
	v8 =	vmul.f32 v8, v8;
	v21 =	vmul.f32 v21, v21  }
0x294: {  	v2 =	vmin.f32 v2, v56;
	v4 =	vmul.f32 v4, v4;
	v7 =	vmul.f32 v7, v7  }
0x295: {  	v1 =	vmul.f32 v1, v1;
	v2 =	vmul.f32 v2, v2;
	v8 =	vadd.f32 v21, v8  }
0x296: {  	v3 =	vadd.f32 v4, v3;
	v4 =	vmul.f32 v23, v23;
	v6 =	vadd.f32 v7, v6  }
0x297: {  	v24 =	vmul.f32 v24, v24;
	v7 =	vmul.f32 v25, v25;
	v1 =	vadd.f32 v1, v8  }
0x298: {  	v3 =	vadd.f32 v4, v3;
	v21 =	vmin.f32 v22, v63;
	v2 =	vadd.f32 v2, v6  }
0x299: {  	v6 =	vadd.f32 v7, v24;
	v4 =	vmul.f32 v21, v21;
	vm5 =	vlt.f32 v1, $4.000000000e+00  }
0x29a: {  	[tilespmem:v9+s29+$0x0] =	vst.idx.msk vm2, v15;
	vm14 =	vlt.f32 v3, $4.000000000e+00;
	vm4 =	vlt.f32 v2, $4.000000000e+00;
	v7 =	vsel vm5, $0x1, v38  }
0x29b: {  	s11 =	sadd.s32 $0x30, s10;
	[tilespmem:v19+s28+$0x0] =	vst.idx.msk vm3, v14;
	v9 =	vsel vm4, $0x1, v38;
	v4 =	vadd.f32 v4, v6;
	v7 =	vadd.s32 v7, v10  }
0x29c: {  	[tilespmem:v18+s28+$0x0] =	vst.idx.msk vm1, v13;
	v8 =	vor.u32 s11, v39;
	v6 =	vadd.s32 v9, v7;
	v9 =	vsel vm14, $0x1, v38  }
0x29d: {  	s13 =	sadd.s32 $0x20, s10;
	[tilespmem:v19+s29+$0x0] =	vst.idx.msk vm3, v8;
	vm15 =	vlt.f32 v4, $4.000000000e+00;
	v8 =	vadd.s32 v9, v6;
	v6 =	vshll.u32 v6, $0x4  }
0x29e: {  	[tilespmem:v17+s28+$0x0] =	vst.idx.msk vm0, v12;
	v9 =	vor.u32 s13, v39;
	v10 =	vshll.u32 v8, $0x4;
	v6 =	vor.u32 v39, v6  }
0x29f: {  	v7 =	vshll.u32 v7, $0x4;
	[tilespmem:v18+s29+$0x0] =	vst.idx.msk vm1, v9;
	v9 =	vor.u32 v39, v10  }
0x2a0: {  	v10 =	vor.u32 s15, v39;
	[tilespmem:v20+s28+$0x0] =	vst.idx.msk vm5, v1;
	v1 =	vor.u32 v39, v7  }
0x2a1: {  	[tilespmem:v17+s29+$0x0] =	vst.idx.msk vm0, v10;
	v10 =	vor.u32 s9, v39  }
0x2a2: {  	[tilespmem:v20+s29+$0x0] =	vst.idx.msk vm5, v10  }
0x2a3: {  	[tilespmem:v6+s28+$0x0] =	vst.idx.msk vm14, v3  }
0x2a4: {  	s14 =	sadd.s32 $0x30, s9;
	[tilespmem:v9+s28+$0x0] =	vst.idx.msk vm15, v4  }
0x2a5: {  	s15 =	sadd.s32 $0x20, s9;
	v4 =	vor.u32 s14, v39;
	[tilespmem:v1+s28+$0x0] =	vst.idx.msk vm4, v2  }
0x2a6: {  	s16 =	sadd.s32 $0x10, s9;
	[tilespmem:v9+s29+$0x0] =	vst.idx.msk vm15, v4;
	v4 =	vor.u32 s15, v39  }
0x2a7: {  	v3 =	vsel vm15, $0x1, v38;
	[tilespmem:v6+s29+$0x0] =	vst.idx.msk vm14, v4;
	v4 =	vor.u32 s16, v39  }
0x2a8: {  	v15 =	vadd.s32 v3, v8;
	[tilespmem:v1+s29+$0x0] =	vst.idx.msk vm4, v4  }
.LBB2_19:
0x2a9: {  	v1 =	vxor.u32 $0x80000000, v15  }
0x2aa: {  	(xrf0) =	vmax.scan.msk.u32 $0xffff, v1;
	_ =	sdelay $0x5  }
0x2ab: {  	v1, _, _ =	vpop (xrf0)  }
0x2ac: {  	(v2sf) =	vpush v1, $0xF;
	_ =	sdelay $0xe  }
0x2ad: {  	s9 =	spop (v2sf)  }
0x2ae: {  	s9 =	sxor.u32 $0x80000000, s9  }
0x2af: {  	p0 =	slt.s32 s9, $0x1  }
.Ltmp13:
0x2b0: {  	_ = 	snop;
	(pc) =	sbr.rel @p0 .LBB2_20-.Ltmp13, $2  }
0x2b1: {  	_ =	sdelay $0x2  }
0x2b2: {  	v9 =	vimm.s32 $0x0  }
0x2b3: {  	s10 =	simm.s32 $0x8100  }
0x2b4: {  	s11 =	simm.s32 $0x9180;
	v1 =	vld [tilespmem:s10+$0x0]  }
0x2b5: {  	p1 =	sne.s32 s9, $0x1;
	v2 =	vld [tilespmem:s11+$0x0]  }
.Ltmp14:
0x2b6: {  	_ = 	snop;
	(pc) =	sbr.rel @!p1 .LBB2_22-.Ltmp14, $4  }
0x2b7: {  	s16 =	simm.s32 $0x0  }
0x2b8: {  	vm0 =	vgt.s32 v15, s16  }
0x2b9: {  	v1 =	vnsel vm0, $0x7F800000, v1  }
0x2ba: {  	v10 =	vimm.f32 $+Inf;
	s12 =	simm.s32 $0x1;
	p0 =	por $0x0, $0x0;
	v12 =	vmul.u32 $0xFFFFFFFF, v39;
	(xrf1) =	vsort.ascd.msk.f32 $0xffff, v1, v2  }
0x2bb: {  	_ =	sdelay $0xc  }
0x2bc: {  	v13 =	vadd.s32 $0xF, v12;
	v1, v2, _ =	vpop (xrf1)  }
0x2bd: {  	s10 =	simm.s32 $0x8110;
	v1 =	vperm.xlane v1, v13  }
0x2be: {  	s11 =	simm.s32 $0x9190;
	v3 =	vld [tilespmem:s10+$0x0];
	v2 =	vperm.xlane v2, v13  }
0x2bf: {  	p1 =	sne.s32 s9, $0x2;
	v4 =	vld [tilespmem:s11+$0x0];
	vm0 =	vle.f32 v10, v1  }
.Ltmp15:
0x2c0: {  	v1 =	vsel vm0, v10, v1;
	v2 =	vsel vm0, v9, v2;
	(pc) =	sbr.rel @!p1 .LBB2_24-.Ltmp15, $4  }
0x2c1: {  	(xrf1) =	vsort.ascd.msk.f32 $0xffff, v1, v2  }
0x2c2: {  	vm15 =	vgt.s32 v15, s12  }
0x2c3: {  	v1 =	vnsel vm15, $0x7F800000, v3  }
0x2c4: {  	s12 =	simm.s32 $0x2;
	p0 =	por $0x1, $0x1;
	v17 =	vimm.f32 $+Inf;
	v14 =	vimm.s32 $0x0;
	(xrf1) =	vsort.ascd.msk.f32 $0xffff, v1, v4  }
.LBB2_25:
0x2c5: {  	_ = 	snop  }
0x2c6: {  	s13 =	smov.u32 s12;
	s12 =	sadd.s32 $0x1, s12  }
0x2c7: {  	p1 =	sne.s32 s9, s12;
	_ =	sdelay $0x7  }
0x2c8: {  	v1, v2, _ =	vpop (xrf1)  }
0x2c9: {  	v1 =	vperm.xlane v1, v13  }
0x2ca: {  	v2 =	vperm.xlane v2, v13  }
0x2cb: {  	v3, v4, _ =	vpop (xrf1);
	vm0 =	vle.f32 v17, v1  }
0x2cc: {  	v3 =	vperm.xlane v3, v13;
	v6 =	vsel vm0, v1, v17;
	v7 =	vsel vm0, v2, v14  }
0x2cd: {  	v1 =	vsel vm0, v17, v1;
	v2 =	vsel vm0, v14, v2;
	(xrf1) =	vsort.ascd.msk.f32 $0xffff, v6, v7  }
0x2ce: {  	(xrf1) =	vsort.ascd.msk.f32 $0xffff, v1, v2;
	_ =	sdelay $0xb  }
0x2cf: {  	s10 =	sadd.s32 $0x10, s10  }
0x2d0: {  	s11 =	sadd.s32 $0x10, s11;
	v2 =	vperm.xlane v4, v13;
	v1 =	vld [tilespmem:s10+$0x0];
	v4, v6, _ =	vpop (xrf1)  }
0x2d1: {  	v7 =	vld [tilespmem:s11+$0x0];
	vm0 =	vle.f32 v4, v3;
	v17, v14, _ =	vpop (xrf1)  }
.Ltmp16:
0x2d2: {  	v3 =	vsel vm0, v4, v3;
	v2 =	vsel vm0, v6, v2;
	(pc) =	sbr.rel @p1 .LBB2_25-.Ltmp16, $4  }
0x2d3: {  	(xrf1) =	vsort.ascd.msk.f32 $0xffff, v3, v2  }
0x2d4: {  	vm0 =	vgt.s32 v15, s13  }
0x2d5: {  	v1 =	vnsel vm0, $0x7F800000, v1  }
0x2d6: {  	(xrf1) =	vsort.ascd.msk.f32 $0xffff, v1, v7  }
.LBB2_26:
0x2d7: {  	_ =	sdelay $0x9  }
0x2d8: {  	v1, v2, _ =	vpop @p0 (xrf1)  }
0x2d9: {  	v1 =	vperm.xlane @p0 v1, v13  }
0x2da: {  	v2 =	vperm.xlane @p0 v2, v13  }
0x2db: {  	vm0 =	vle.f32 @p0 v17, v1  }
0x2dc: {  	v3 =	vsel @p0 vm0, v1, v17;
	v4 =	vsel @p0 vm0, v2, v14  }
0x2dd: {  	(xrf1) =	vsort.ascd.msk.f32 @p0 $0xffff, v3, v4;
	_ =	sdelay $0xc  }
0x2de: {  	v3 =	vadd.s32 $0xF, v12;
	v4, v6, _ =	vpop (xrf1)  }
0x2df: {  	v4 =	vperm.xlane v4, v3;
	v7, v8, _ =	vpop @p0 (xrf1)  }
0x2e0: {  	v1 =	vsel @p0 vm0, v17, v1;
	v6 =	vperm.xlane v6, v3;
	v7 =	vpsel p0, v7, v10  }
0x2e1: {  	v2 =	vsel @p0 vm0, v14, v2;
	v8 =	vpsel p0, v8, v9;
	vm14 =	vle.f32 v7, v4  }
0x2e2: {  	(xrf1) =	vsort.ascd.msk.f32 @p0 $0xffff, v1, v2;
	v1 =	vsel vm14, v7, v4;
	v2 =	vsel vm14, v8, v6  }
0x2e3: {  	(xrf1) =	vsort.ascd.msk.f32 $0xffff, v1, v2;
	_ =	sdelay $0xc  }
0x2e4: {  	v1, v2, _ =	vpop @p0 (xrf1)  }
0x2e5: {  	v4, v6, _ =	vpop (xrf1)  }
0x2e6: {  	v4 =	vperm.xlane v4, v3  }
0x2e7: {  	v1 =	vpsel p0, v1, v10;
	v3 =	vperm.xlane v6, v3  }
0x2e8: {  	v2 =	vpsel p0, v2, v9;
	vm15 =	vle.f32 v1, v4  }
0x2e9: {  	v6 =	vsel vm15, v4, v1;
	v7 =	vsel vm15, v3, v2  }
0x2ea: {  	v1 =	vsel vm15, v1, v4;
	v2 =	vsel vm15, v2, v3;
	(xrf1) =	vsort.ascd.msk.f32 $0xffff, v6, v7  }
0x2eb: {  	(xrf1) =	vsort.ascd.msk.f32 $0xffff, v1, v2;
	_ =	sdelay $0x9  }
.Ltmp17:
0x2ec: {  	_ = 	snop;
	(pc) =	sbr.rel .LBB2_27-.Ltmp17, $3  }
0x2ed: {  	_ =	sdelay $0x1  }
0x2ee: {  	v1, v10, _ =	vpop (xrf1)  }
0x2ef: {  	v1, v9, _ =	vpop (xrf1)  }
.LBB2_10:
.Ltmp18:
0x2f0: {  	(pc) =	sbr.rel .LBB2_14-.Ltmp18, $2  }
0x2f1: {  	_ =	sdelay $0x2  }
0x2f2: {  	v21 =	vimm.f32 $+Inf;
	v19 =	vimm.s32 $0x0  }
.LBB2_22:
.Ltmp19:
0x2f3: {  	(pc) =	sbr.rel .LBB2_26-.Ltmp19, $2  }
0x2f4: {  	_ =	sdelay $0x2  }
0x2f5: {  	v17 =	vimm.f32 $+Inf;
	v14 =	vimm.s32 $0x0  }
.LBB2_12:
.Ltmp20:
0x2f6: {  	(pc) =	sbr.rel .LBB2_14-.Ltmp20, $2  }
0x2f7: {  	_ =	sdelay $0x2  }
0x2f8: {  	v21 =	vimm.f32 $+Inf;
	v19 =	vimm.s32 $0x0  }
.LBB2_24:
.Ltmp21:
0x2f9: {  	(pc) =	sbr.rel .LBB2_26-.Ltmp21, $2  }
0x2fa: {  	_ =	sdelay $0x2  }
0x2fb: {  	v17 =	vimm.f32 $+Inf;
	v14 =	vimm.s32 $0x0  }
.LBB2_29:
0x2fc: {  	_ =	sfence.sel $0x180000  }
0x2fd: {  	[bflag:$0x0] =	sbarrier.arrive $0xFFFF  }
0x2fe: {  	_ =	strace $0x90000047  }
0x2ff: {  	s0 =	stileid.u32;
	[bflag:$0x2] =	sbarrier.arrive $0xFFFF  }
0x300: {  	p0 =	sne.s32 s0, $0x0;
	s0 =	rddreg [dreg:$0x1]  }
0x301: {  	s0 =	sadd.s32 @!p0 $0x100000, s0  }
0x302: {  	[sflag:s0] =	ssyncadd.tile.s32 @!p0 $0x1;
	_ =	shalt  }
.Lfunc_end2:
_tile_overlayer_lowered:
.L_overlay_start_2:
0x303: {  	(tag) =	ssettag $0x2  }
0x304: {  	s0 =	rddreg [dreg:$0x0];
	s2 =	stileid.u32  }
0x305: {  	s1 =	rddreg [dreg:$0x1];
	p0 =	sne.s32 s2, $0x0  }
0x306: {  	s3 =	rddreg [dreg:$0x2];
	[bflag:$0x3] =	sbarrier.arrive $0xFFFF;
	s2 =	simm.s32 @!p0 $0x1C01  }
0x307: {  	[timem:s3], [sflag:s2] =	dma.local @!p0 [hbm:s0], s1  }
0x308: {  	s0 =	simm.s32 @!p0 $0x1  }
0x309: {  	_ =	swait.ge @!p0 [sflag:s0], s1  }
0x30a: {  	s1 =	ssub.s32 @!p0 $0x0, s1;
	[sflag:s0] =	ssyncset.done @!p0 $0x0  }
0x30b: {  	[sflag:s0] =	ssyncadd.s32 @!p0 s1  }
0x30c: {  	[bflag:$0x3] =	sbarrier.arrive $0xFFFF  }
0x30d: {  	_ =	shalt  }

</sc_bundles>
